<compile_context>
chip_gen: v7x
topology: tpu7x:2x2x1
jax: 0.10.2.dev20260603
libtpu: 0.0.44.dev20260713+nightly
codegen_flags: <defaults>
</compile_context>

<pallas_src>
import jax
import jax.numpy as jnp
from jax import lax
from jax.experimental import pallas as pl
from jax.experimental.pallas import tpu as pltpu
from jax.experimental.pallas import tpu_sc as plsc

_EMB = 64
_B = 1024
_L = 200
_PACK = 2 * _EMB

_NC = 1
_NS = 16
_NW = _NC * _NS
_ROWS_PER_W = (_B * _L) // _NW
_CHUNK = _L
_NCHUNK = _ROWS_PER_W // _CHUNK


def _pe_table() -> jax.Array:
    seq_index = jnp.arange(_L, dtype=jnp.float32).reshape(-1, 1)
    even_index = jnp.arange(0, _EMB, 2)
    denominator = jnp.power(10000.0, even_index.astype(jnp.float32) / _EMB)
    args_sc = seq_index / denominator
    pe = jnp.zeros((_L, _EMB), dtype=jnp.float32)
    pe = pe.at[:, even_index].set(jnp.sin(args_sc))
    pe = pe.at[:, even_index + 1].set(jnp.cos(args_sc))
    return pe.reshape(_L // 2, _PACK)


def _body(tbl_hbm, idx_hbm, pe_hbm, out_hbm, idx_v, pe_v, rows_v,
          gsem0, gsem1, osem0, osem1):
    gsem = (gsem0, gsem1)
    osem = (osem0, osem1)
    wid = lax.axis_index("s") * _NC + lax.axis_index("c")
    base = wid * _ROWS_PER_W
    seq0 = wid * _NCHUNK

    pltpu.sync_copy(idx_hbm.at[pl.ds(base, _ROWS_PER_W)],
                    idx_v.at[pl.ds(0, _ROWS_PER_W)])
    pltpu.sync_copy(pe_hbm, pe_v)

    def issue_group(c, g, n, s):
        iv = idx_v[pl.ds(c * _CHUNK + g * 16, 16)]
        for i in range(n):
            pltpu.make_async_copy(
                tbl_hbm.at[pl.ds(iv[i], 1)],
                rows_v.at[s, pl.ds(g * 16 + i, 1)], gsem[s]).start()

    def issue_rows(c, s):
        @pl.loop(0, 12)
        def _grp(g, c=c, s=s):
            issue_group(c, g, 16, s)

        issue_group(c, 12, 8, s)

    def drain_rows(s):
        pltpu.make_async_copy(
            tbl_hbm.at[pl.ds(0, _CHUNK)], rows_v.at[s], gsem[s]).wait()

    def out_copy(c, s):
        return pltpu.make_async_copy(
            rows_v.at[s], out_hbm.at[seq0 + c], osem[s])

    issue_rows(0, 0)

    @pl.loop(0, _NCHUNK // 2)
    def _pair(g2):
        for b in range(2):
            c = 2 * g2 + b
            nb = 1 - b

            @pl.when(c + 1 < _NCHUNK)
            def _(b=b, c=c, nb=nb):
                @pl.when(c >= 1)
                def _():
                    out_copy(c - 1, nb).wait()

                issue_rows(c + 1, nb)

            drain_rows(b)

            @pl.loop(0, _L // 2)
            def _pairrow(q, b=b):
                for k in range(_EMB // 16):
                    sl = pl.ds(k * 16, 16)
                    sh = pl.ds(_EMB + k * 16, 16)
                    rows_v[b, 2 * q, sl] = rows_v[b, 2 * q, sl] + pe_v[q, sl]
                    rows_v[b, 2 * q + 1, sl] = (
                        rows_v[b, 2 * q + 1, sl] + pe_v[q, sh])

            out_copy(c, b).start()

    out_copy(_NCHUNK - 2, 0).wait()
    out_copy(_NCHUNK - 1, 1).wait()


def kernel(X, table):
    idx = X.reshape(_B * _L)
    pe = _pe_table()
    mesh = plsc.VectorSubcoreMesh(core_axis_name="c", subcore_axis_name="s", num_cores=1)
    out = pl.kernel(
        _body,
        out_type=jax.ShapeDtypeStruct((_B, _L, _EMB), jnp.float32),
        mesh=mesh,
        scratch_types=[
            pltpu.VMEM((_ROWS_PER_W + 16,), jnp.int32),
            pltpu.VMEM((_L // 2, _PACK), jnp.float32),
            pltpu.VMEM((2, _CHUNK, _EMB), jnp.float32),
            pltpu.SemaphoreType.DMA,
            pltpu.SemaphoreType.DMA,
            pltpu.SemaphoreType.DMA,
            pltpu.SemaphoreType.DMA,
        ],
        compiler_params=pltpu.CompilerParams(
            use_tc_tiling_on_sc=True,
            disable_bounds_checks=True,
            disable_semaphore_checks=True,
        ),
    )(table, idx, pe)
    return out

# --- scband reference (transcript-rebuilt; emitter-appended) ---
"""Pipeline reference for scband-input-embedding-64596308131862 (READ-ONLY COPY).

The authoritative reference and input builder live on the scoring server;
editing this copy changes nothing except your own understanding.
"""

import jax, jax.numpy as jnp
import numpy as np

VOCAB = 1000000
EMB = 64
PAD_ID = 0
B = 1024
L = 200

def setup_inputs(seed: int = 0) -> dict:
    key = jax.random.key(seed)
    k1, k2 = jax.random.split(key)
    X = jax.random.randint(k1, (B, L), 0, VOCAB, dtype=jnp.int32)
    table = jax.random.normal(k2, (VOCAB, EMB), dtype=jnp.float32)
    # nn.Embedding padding_idx: the padding row is zero-initialized
    table = table.at[PAD_ID].set(0.0)
    return {"X": X, "table": table}

def reference(X, table):
    # Embedding lookup (gather)
    Y = jnp.take(table, X, axis=0)  # [B, L, D]
    Bs, Ls, D = Y.shape
    seq_index = jnp.arange(Ls, dtype=jnp.float32).reshape(-1, 1)  # [L, 1]
    even_index = jnp.arange(0, D, 2)
    odd_index = even_index + 1
    denominator = jnp.power(10000.0, even_index.astype(jnp.float32) / D)  # [D/2]
    args_sin_cos = seq_index / denominator  # [L, D/2]
    sin_result = jnp.sin(args_sin_cos)
    cos_result = jnp.cos(args_sin_cos)
    pe = jnp.zeros((Ls, D), dtype=Y.dtype)
    pe = pe.at[:, even_index].set(sin_result.astype(Y.dtype))
    pe = pe.at[:, odd_index].set(cos_result.astype(Y.dtype))
    return Y + pe[None, :, :]

if __name__ == "__main__":
    import jax
    _d = setup_inputs()
    print(jax.jit(kernel)(*tuple(_d.values())))

</pallas_src>

<mosaic_0001>
#map = affine_map<(d0, d1) -> (0, 0)>
#map1 = affine_map<(d0, d1) -> (0)>
#map2 = affine_map<(d0, d1) -> (0, 0, 0)>
module attributes {stable_mosaic.version = 14 : i64} {
  func.func @_body(%arg0: i32, %arg1: i32, %arg2: memref<1000000x64xf32, #tpu.memory_space<hbm>>, %arg3: memref<204800xi32, #tpu.memory_space<hbm>>, %arg4: memref<100x128xf32, #tpu.memory_space<hbm>>, %arg5: memref<1024x200x64xf32, #tpu.memory_space<hbm>>, %arg6: memref<12816xi32, #tpu.memory_space<vmem>>, %arg7: memref<100x128xf32, #tpu.memory_space<vmem>>, %arg8: memref<2x200x64xf32, #tpu.memory_space<vmem>>, %arg9: memref<!tpu.dma_semaphore, #tpu.memory_space<semaphore_mem>>, %arg10: memref<!tpu.dma_semaphore, #tpu.memory_space<semaphore_mem>>, %arg11: memref<!tpu.dma_semaphore, #tpu.memory_space<semaphore_mem>>, %arg12: memref<!tpu.dma_semaphore, #tpu.memory_space<semaphore_mem>>) attributes {dimension_semantics = [#tpu.dimension_semantics<core_parallel>, #tpu.dimension_semantics<subcore_parallel>], iteration_bounds = array<i64: 1, 16>, scalar_prefetch = 0 : i64, scratch_operands = 7 : i64, tpu.core_type = #tpu.core_type<sc_vector_subcore>, window_params = [{transform_indices = #map}, {transform_indices = #map1}, {transform_indices = #map}, {transform_indices = #map2}]} {
    %mul3A = arith.constant 1 : i32
    %mul3A_0 = arith.muli %arg1, %mul3A : i32
    %add3A = arith.addi %mul3A_0, %arg0 : i32
    %mul3A_1 = arith.constant 12800 : i32
    %mul3A_2 = arith.muli %add3A, %mul3A_1 : i32
    %mul3A_3 = arith.constant 64 : i32
    %mul3A_4 = arith.muli %add3A, %mul3A_3 : i32
    "tpu.region"() ({
      %run_scoped3A = tpu.sem_alloc : memref<!tpu.dma_semaphore, #tpu.memory_space<semaphore_mem>>
      %dma_start3A_170 = arith.constant 0 : i32
      %dma_start3A_171 = tpu.memref_slice %arg6[%dma_start3A_170] : memref<12816xi32, #tpu.memory_space<vmem>> -> memref<12800xi32, #tpu.memory_space<vmem>>
      %dma_start3A_172 = tpu.memref_slice %arg3[%mul3A_2] : memref<204800xi32, #tpu.memory_space<hbm>> -> memref<12800xi32, #tpu.memory_space<hbm>>
      %dma_start3A_173 = arith.constant 0 : i32
      %dma_start3A_174 = tpu.memref_slice %arg6[%dma_start3A_173] : memref<12816xi32, #tpu.memory_space<vmem>> -> memref<12800xi32, #tpu.memory_space<vmem>>
      %dma_start3A_175 = tpu.memref_slice %arg3[%mul3A_2] : memref<204800xi32, #tpu.memory_space<hbm>> -> memref<12800xi32, #tpu.memory_space<hbm>>
      tpu.enqueue_dma source(%dma_start3A_175 : memref<12800xi32, #tpu.memory_space<hbm>>) target(%dma_start3A_174 : memref<12800xi32, #tpu.memory_space<vmem>>) target_semaphore(%run_scoped3A : memref<!tpu.dma_semaphore, #tpu.memory_space<semaphore_mem>>)
      %dma_wait3A_176 = arith.constant 0 : i32
      %dma_wait3A_177 = tpu.memref_slice %arg6[%dma_wait3A_176] : memref<12816xi32, #tpu.memory_space<vmem>> -> memref<12800xi32, #tpu.memory_space<vmem>>
      %dma_wait3A_178 = tpu.memref_slice %arg3[%mul3A_2] : memref<204800xi32, #tpu.memory_space<hbm>> -> memref<12800xi32, #tpu.memory_space<hbm>>
      %dma_wait3A_179 = arith.constant 0 : i32
      %dma_wait3A_180 = tpu.memref_slice %arg6[%dma_wait3A_179] : memref<12816xi32, #tpu.memory_space<vmem>> -> memref<12800xi32, #tpu.memory_space<vmem>>
      %dma_wait3A_181 = tpu.memref_slice %arg3[%mul3A_2] : memref<204800xi32, #tpu.memory_space<hbm>> -> memref<12800xi32, #tpu.memory_space<hbm>>
      tpu.wait_dma2 semaphore(%run_scoped3A : memref<!tpu.dma_semaphore, #tpu.memory_space<semaphore_mem>>) src(%dma_wait3A_181 : memref<12800xi32, #tpu.memory_space<hbm>>) dst(%dma_wait3A_180 : memref<12800xi32, #tpu.memory_space<vmem>>)
      tpu.yield
    }) : () -> ()
    "tpu.region"() ({
      %run_scoped3A = tpu.sem_alloc : memref<!tpu.dma_semaphore, #tpu.memory_space<semaphore_mem>>
      tpu.enqueue_dma source(%arg4 : memref<100x128xf32, #tpu.memory_space<hbm>>) target(%arg7 : memref<100x128xf32, #tpu.memory_space<vmem>>) target_semaphore(%run_scoped3A : memref<!tpu.dma_semaphore, #tpu.memory_space<semaphore_mem>>)
      tpu.wait_dma2 semaphore(%run_scoped3A : memref<!tpu.dma_semaphore, #tpu.memory_space<semaphore_mem>>) src(%arg4 : memref<100x128xf32, #tpu.memory_space<hbm>>) dst(%arg7 : memref<100x128xf32, #tpu.memory_space<vmem>>)
      tpu.yield
    }) : () -> ()
    %scan3A = arith.constant 0 : i32
    %scan3A_5 = arith.constant 12 : i32
    %scan3A_6 = arith.addi %scan3A, %scan3A_5 : i32
    %scan3A_7 = arith.constant 1 : i32
    scf.for %scan3A_170 = %scan3A to %scan3A_6 step %scan3A_7  : i32 {
      %mul3A_171 = arith.constant 1 : i32
      %mul3A_172 = arith.muli %scan3A_170, %mul3A_171 : i32
      %add3A_173 = arith.constant 0 : i32
      %add3A_174 = arith.addi %add3A_173, %mul3A_172 : i32
      %mul3A_175 = arith.constant 16 : i32
      %mul3A_176 = arith.muli %add3A_174, %mul3A_175 : i32
      %add3A_177 = arith.constant 0 : i32
      %add3A_178 = arith.addi %add3A_177, %mul3A_176 : i32
      %get3A_179 = arith.index_cast %add3A_178 : i32 to index
      %get3A_180 = tpu.vector_load %arg6[%get3A_179] {strides = array<i32>} : memref<12816xi32, #tpu.memory_space<vmem>>, vector<16xi32>,
      %get3A_181 = vector.shape_cast %get3A_180 : vector<16xi32> to vector<16xi32>
      %slice3A_182 = vector.extract_strided_slice %get3A_181 {offsets = [0], sizes = [1], strides = [1]} : vector<16xi32> to vector<1xi32>
      %squeeze3A_183 = vector.extract %slice3A_182[0] : i32 from vector<1xi32>
      %mul3A_184 = arith.constant 16 : i32
      %mul3A_185 = arith.muli %add3A_174, %mul3A_184 : i32
      %add3A_186 = arith.constant 0 : i32
      %add3A_187 = arith.addi %mul3A_185, %add3A_186 : i32
      %dma_start3A_188 = arith.constant 0 : i32
      %dma_start3A_189 = arith.constant 0 : i32
      %dma_start3A_190 = tpu.memref_slice %arg8[%dma_start3A_188, %add3A_187, %dma_start3A_189] : memref<2x200x64xf32, #tpu.memory_space<vmem>> -> memref<1x1x64xf32, #tpu.memory_space<vmem>>
      %dma_start3A_191 = tpu.memref_squeeze %dma_start3A_190 : memref<1x1x64xf32, #tpu.memory_space<vmem>> -> memref<1x64xf32, #tpu.memory_space<vmem>>
      %dma_start3A_192 = arith.constant 0 : i32
      %dma_start3A_193 = tpu.memref_slice %arg2[%squeeze3A_183, %dma_start3A_192] : memref<1000000x64xf32, #tpu.memory_space<hbm>> -> memref<1x64xf32, #tpu.memory_space<hbm>>
      %dma_start3A_194 = arith.constant 0 : i32
      %dma_start3A_195 = tpu.memref_slice %arg8[%dma_start3A_188, %add3A_187, %dma_start3A_194] : memref<2x200x64xf32, #tpu.memory_space<vmem>> -> memref<1x1x64xf32, #tpu.memory_space<vmem>>
      %dma_start3A_196 = tpu.memref_squeeze %dma_start3A_195 : memref<1x1x64xf32, #tpu.memory_space<vmem>> -> memref<1x64xf32, #tpu.memory_space<vmem>>
      %dma_start3A_197 = arith.constant 0 : i32
      %dma_start3A_198 = tpu.memref_slice %arg2[%squeeze3A_183, %dma_start3A_197] : memref<1000000x64xf32, #tpu.memory_space<hbm>> -> memref<1x64xf32, #tpu.memory_space<hbm>>
      tpu.enqueue_dma source(%dma_start3A_198 : memref<1x64xf32, #tpu.memory_space<hbm>>) target(%dma_start3A_196 : memref<1x64xf32, #tpu.memory_space<vmem>>) target_semaphore(%arg9 : memref<!tpu.dma_semaphore, #tpu.memory_space<semaphore_mem>>)
      %slice3A_199 = vector.extract_strided_slice %get3A_181 {offsets = [1], sizes = [1], strides = [1]} : vector<16xi32> to vector<1xi32>
      %squeeze3A_200 = vector.extract %slice3A_199[0] : i32 from vector<1xi32>
      %mul3A_201 = arith.constant 16 : i32
      %mul3A_202 = arith.muli %add3A_174, %mul3A_201 : i32
      %add3A_203 = arith.constant 1 : i32
      %add3A_204 = arith.addi %mul3A_202, %add3A_203 : i32
      %dma_start3A_205 = arith.constant 0 : i32
      %dma_start3A_206 = arith.constant 0 : i32
      %dma_start3A_207 = tpu.memref_slice %arg8[%dma_start3A_205, %add3A_204, %dma_start3A_206] : memref<2x200x64xf32, #tpu.memory_space<vmem>> -> memref<1x1x64xf32, #tpu.memory_space<vmem>>
      %dma_start3A_208 = tpu.memref_squeeze %dma_start3A_207 : memref<1x1x64xf32, #tpu.memory_space<vmem>> -> memref<1x64xf32, #tpu.memory_space<vmem>>
      %dma_start3A_209 = arith.constant 0 : i32
      %dma_start3A_210 = tpu.memref_slice %arg2[%squeeze3A_200, %dma_start3A_209] : memref<1000000x64xf32, #tpu.memory_space<hbm>> -> memref<1x64xf32, #tpu.memory_space<hbm>>
      %dma_start3A_211 = arith.constant 0 : i32
      %dma_start3A_212 = tpu.memref_slice %arg8[%dma_start3A_205, %add3A_204, %dma_start3A_211] : memref<2x200x64xf32, #tpu.memory_space<vmem>> -> memref<1x1x64xf32, #tpu.memory_space<vmem>>
      %dma_start3A_213 = tpu.memref_squeeze %dma_start3A_212 : memref<1x1x64xf32, #tpu.memory_space<vmem>> -> memref<1x64xf32, #tpu.memory_space<vmem>>
      %dma_start3A_214 = arith.constant 0 : i32
      %dma_start3A_215 = tpu.memref_slice %arg2[%squeeze3A_200, %dma_start3A_214] : memref<1000000x64xf32, #tpu.memory_space<hbm>> -> memref<1x64xf32, #tpu.memory_space<hbm>>
      tpu.enqueue_dma source(%dma_start3A_215 : memref<1x64xf32, #tpu.memory_space<hbm>>) target(%dma_start3A_213 : memref<1x64xf32, #tpu.memory_space<vmem>>) target_semaphore(%arg9 : memref<!tpu.dma_semaphore, #tpu.memory_space<semaphore_mem>>)
      %slice3A_216 = vector.extract_strided_slice %get3A_181 {offsets = [2], sizes = [1], strides = [1]} : vector<16xi32> to vector<1xi32>
      %squeeze3A_217 = vector.extract %slice3A_216[0] : i32 from vector<1xi32>
      %mul3A_218 = arith.constant 16 : i32
      %mul3A_219 = arith.muli %add3A_174, %mul3A_218 : i32
      %add3A_220 = arith.constant 2 : i32
      %add3A_221 = arith.addi %mul3A_219, %add3A_220 : i32
      %dma_start3A_222 = arith.constant 0 : i32
      %dma_start3A_223 = arith.constant 0 : i32
      %dma_start3A_224 = tpu.memref_slice %arg8[%dma_start3A_222, %add3A_221, %dma_start3A_223] : memref<2x200x64xf32, #tpu.memory_space<vmem>> -> memref<1x1x64xf32, #tpu.memory_space<vmem>>
      %dma_start3A_225 = tpu.memref_squeeze %dma_start3A_224 : memref<1x1x64xf32, #tpu.memory_space<vmem>> -> memref<1x64xf32, #tpu.memory_space<vmem>>
      %dma_start3A_226 = arith.constant 0 : i32
      %dma_start3A_227 = tpu.memref_slice %arg2[%squeeze3A_217, %dma_start3A_226] : memref<1000000x64xf32, #tpu.memory_space<hbm>> -> memref<1x64xf32, #tpu.memory_space<hbm>>
      %dma_start3A_228 = arith.constant 0 : i32
      %dma_start3A_229 = tpu.memref_slice %arg8[%dma_start3A_222, %add3A_221, %dma_start3A_228] : memref<2x200x64xf32, #tpu.memory_space<vmem>> -> memref<1x1x64xf32, #tpu.memory_space<vmem>>
      %dma_start3A_230 = tpu.memref_squeeze %dma_start3A_229 : memref<1x1x64xf32, #tpu.memory_space<vmem>> -> memref<1x64xf32, #tpu.memory_space<vmem>>
      %dma_start3A_231 = arith.constant 0 : i32
      %dma_start3A_232 = tpu.memref_slice %arg2[%squeeze3A_217, %dma_start3A_231] : memref<1000000x64xf32, #tpu.memory_space<hbm>> -> memref<1x64xf32, #tpu.memory_space<hbm>>
      tpu.enqueue_dma source(%dma_start3A_232 : memref<1x64xf32, #tpu.memory_space<hbm>>) target(%dma_start3A_230 : memref<1x64xf32, #tpu.memory_space<vmem>>) target_semaphore(%arg9 : memref<!tpu.dma_semaphore, #tpu.memory_space<semaphore_mem>>)
      %slice3A_233 = vector.extract_strided_slice %get3A_181 {offsets = [3], sizes = [1], strides = [1]} : vector<16xi32> to vector<1xi32>
      %squeeze3A_234 = vector.extract %slice3A_233[0] : i32 from vector<1xi32>
      %mul3A_235 = arith.constant 16 : i32
      %mul3A_236 = arith.muli %add3A_174, %mul3A_235 : i32
      %add3A_237 = arith.constant 3 : i32
      %add3A_238 = arith.addi %mul3A_236, %add3A_237 : i32
      %dma_start3A_239 = arith.constant 0 : i32
      %dma_start3A_240 = arith.constant 0 : i32
      %dma_start3A_241 = tpu.memref_slice %arg8[%dma_start3A_239, %add3A_238, %dma_start3A_240] : memref<2x200x64xf32, #tpu.memory_space<vmem>> -> memref<1x1x64xf32, #tpu.memory_space<vmem>>
      %dma_start3A_242 = tpu.memref_squeeze %dma_start3A_241 : memref<1x1x64xf32, #tpu.memory_space<vmem>> -> memref<1x64xf32, #tpu.memory_space<vmem>>
      %dma_start3A_243 = arith.constant 0 : i32
      %dma_start3A_244 = tpu.memref_slice %arg2[%squeeze3A_234, %dma_start3A_243] : memref<1000000x64xf32, #tpu.memory_space<hbm>> -> memref<1x64xf32, #tpu.memory_space<hbm>>
      %dma_start3A_245 = arith.constant 0 : i32
      %dma_start3A_246 = tpu.memref_slice %arg8[%dma_start3A_239, %add3A_238, %dma_start3A_245] : memref<2x200x64xf32, #tpu.memory_space<vmem>> -> memref<1x1x64xf32, #tpu.memory_space<vmem>>
      %dma_start3A_247 = tpu.memref_squeeze %dma_start3A_246 : memref<1x1x64xf32, #tpu.memory_space<vmem>> -> memref<1x64xf32, #tpu.memory_space<vmem>>
      %dma_start3A_248 = arith.constant 0 : i32
      %dma_start3A_249 = tpu.memref_slice %arg2[%squeeze3A_234, %dma_start3A_248] : memref<1000000x64xf32, #tpu.memory_space<hbm>> -> memref<1x64xf32, #tpu.memory_space<hbm>>
      tpu.enqueue_dma source(%dma_start3A_249 : memref<1x64xf32, #tpu.memory_space<hbm>>) target(%dma_start3A_247 : memref<1x64xf32, #tpu.memory_space<vmem>>) target_semaphore(%arg9 : memref<!tpu.dma_semaphore, #tpu.memory_space<semaphore_mem>>)
      %slice3A_250 = vector.extract_strided_slice %get3A_181 {offsets = [4], sizes = [1], strides = [1]} : vector<16xi32> to vector<1xi32>
      %squeeze3A_251 = vector.extract %slice3A_250[0] : i32 from vector<1xi32>
      %mul3A_252 = arith.constant 16 : i32
      %mul3A_253 = arith.muli %add3A_174, %mul3A_252 : i32
      %add3A_254 = arith.constant 4 : i32
      %add3A_255 = arith.addi %mul3A_253, %add3A_254 : i32
      %dma_start3A_256 = arith.constant 0 : i32
      %dma_start3A_257 = arith.constant 0 : i32
      %dma_start3A_258 = tpu.memref_slice %arg8[%dma_start3A_256, %add3A_255, %dma_start3A_257] : memref<2x200x64xf32, #tpu.memory_space<vmem>> -> memref<1x1x64xf32, #tpu.memory_space<vmem>>
      %dma_start3A_259 = tpu.memref_squeeze %dma_start3A_258 : memref<1x1x64xf32, #tpu.memory_space<vmem>> -> memref<1x64xf32, #tpu.memory_space<vmem>>
      %dma_start3A_260 = arith.constant 0 : i32
      %dma_start3A_261 = tpu.memref_slice %arg2[%squeeze3A_251, %dma_start3A_260] : memref<1000000x64xf32, #tpu.memory_space<hbm>> -> memref<1x64xf32, #tpu.memory_space<hbm>>
      %dma_start3A_262 = arith.constant 0 : i32
      %dma_start3A_263 = tpu.memref_slice %arg8[%dma_start3A_256, %add3A_255, %dma_start3A_262] : memref<2x200x64xf32, #tpu.memory_space<vmem>> -> memref<1x1x64xf32, #tpu.memory_space<vmem>>
      %dma_start3A_264 = tpu.memref_squeeze %dma_start3A_263 : memref<1x1x64xf32, #tpu.memory_space<vmem>> -> memref<1x64xf32, #tpu.memory_space<vmem>>
      %dma_start3A_265 = arith.constant 0 : i32
      %dma_start3A_266 = tpu.memref_slice %arg2[%squeeze3A_251, %dma_start3A_265] : memref<1000000x64xf32, #tpu.memory_space<hbm>> -> memref<1x64xf32, #tpu.memory_space<hbm>>
      tpu.enqueue_dma source(%dma_start3A_266 : memref<1x64xf32, #tpu.memory_space<hbm>>) target(%dma_start3A_264 : memref<1x64xf32, #tpu.memory_space<vmem>>) target_semaphore(%arg9 : memref<!tpu.dma_semaphore, #tpu.memory_space<semaphore_mem>>)
      %slice3A_267 = vector.extract_strided_slice %get3A_181 {offsets = [5], sizes = [1], strides = [1]} : vector<16xi32> to vector<1xi32>
      %squeeze3A_268 = vector.extract %slice3A_267[0] : i32 from vector<1xi32>
      %mul3A_269 = arith.constant 16 : i32
      %mul3A_270 = arith.muli %add3A_174, %mul3A_269 : i32
      %add3A_271 = arith.constant 5 : i32
      %add3A_272 = arith.addi %mul3A_270, %add3A_271 : i32
      %dma_start3A_273 = arith.constant 0 : i32
      %dma_start3A_274 = arith.constant 0 : i32
      %dma_start3A_275 = tpu.memref_slice %arg8[%dma_start3A_273, %add3A_272, %dma_start3A_274] : memref<2x200x64xf32, #tpu.memory_space<vmem>> -> memref<1x1x64xf32, #tpu.memory_space<vmem>>
      %dma_start3A_276 = tpu.memref_squeeze %dma_start3A_275 : memref<1x1x64xf32, #tpu.memory_space<vmem>> -> memref<1x64xf32, #tpu.memory_space<vmem>>
      %dma_start3A_277 = arith.constant 0 : i32
      %dma_start3A_278 = tpu.memref_slice %arg2[%squeeze3A_268, %dma_start3A_277] : memref<1000000x64xf32, #tpu.memory_space<hbm>> -> memref<1x64xf32, #tpu.memory_space<hbm>>
      %dma_start3A_279 = arith.constant 0 : i32
      %dma_start3A_280 = tpu.memref_slice %arg8[%dma_start3A_273, %add3A_272, %dma_start3A_279] : memref<2x200x64xf32, #tpu.memory_space<vmem>> -> memref<1x1x64xf32, #tpu.memory_space<vmem>>
      %dma_start3A_281 = tpu.memref_squeeze %dma_start3A_280 : memref<1x1x64xf32, #tpu.memory_space<vmem>> -> memref<1x64xf32, #tpu.memory_space<vmem>>
      %dma_start3A_282 = arith.constant 0 : i32
      %dma_start3A_283 = tpu.memref_slice %arg2[%squeeze3A_268, %dma_start3A_282] : memref<1000000x64xf32, #tpu.memory_space<hbm>> -> memref<1x64xf32, #tpu.memory_space<hbm>>
      tpu.enqueue_dma source(%dma_start3A_283 : memref<1x64xf32, #tpu.memory_space<hbm>>) target(%dma_start3A_281 : memref<1x64xf32, #tpu.memory_space<vmem>>) target_semaphore(%arg9 : memref<!tpu.dma_semaphore, #tpu.memory_space<semaphore_mem>>)
      %slice3A_284 = vector.extract_strided_slice %get3A_181 {offsets = [6], sizes = [1], strides = [1]} : vector<16xi32> to vector<1xi32>
      %squeeze3A_285 = vector.extract %slice3A_284[0] : i32 from vector<1xi32>
      %mul3A_286 = arith.constant 16 : i32
      %mul3A_287 = arith.muli %add3A_174, %mul3A_286 : i32
      %add3A_288 = arith.constant 6 : i32
      %add3A_289 = arith.addi %mul3A_287, %add3A_288 : i32
      %dma_start3A_290 = arith.constant 0 : i32
      %dma_start3A_291 = arith.constant 0 : i32
      %dma_start3A_292 = tpu.memref_slice %arg8[%dma_start3A_290, %add3A_289, %dma_start3A_291] : memref<2x200x64xf32, #tpu.memory_space<vmem>> -> memref<1x1x64xf32, #tpu.memory_space<vmem>>
      %dma_start3A_293 = tpu.memref_squeeze %dma_start3A_292 : memref<1x1x64xf32, #tpu.memory_space<vmem>> -> memref<1x64xf32, #tpu.memory_space<vmem>>
      %dma_start3A_294 = arith.constant 0 : i32
      %dma_start3A_295 = tpu.memref_slice %arg2[%squeeze3A_285, %dma_start3A_294] : memref<1000000x64xf32, #tpu.memory_space<hbm>> -> memref<1x64xf32, #tpu.memory_space<hbm>>
      %dma_start3A_296 = arith.constant 0 : i32
      %dma_start3A_297 = tpu.memref_slice %arg8[%dma_start3A_290, %add3A_289, %dma_start3A_296] : memref<2x200x64xf32, #tpu.memory_space<vmem>> -> memref<1x1x64xf32, #tpu.memory_space<vmem>>
      %dma_start3A_298 = tpu.memref_squeeze %dma_start3A_297 : memref<1x1x64xf32, #tpu.memory_space<vmem>> -> memref<1x64xf32, #tpu.memory_space<vmem>>
      %dma_start3A_299 = arith.constant 0 : i32
      %dma_start3A_300 = tpu.memref_slice %arg2[%squeeze3A_285, %dma_start3A_299] : memref<1000000x64xf32, #tpu.memory_space<hbm>> -> memref<1x64xf32, #tpu.memory_space<hbm>>
      tpu.enqueue_dma source(%dma_start3A_300 : memref<1x64xf32, #tpu.memory_space<hbm>>) target(%dma_start3A_298 : memref<1x64xf32, #tpu.memory_space<vmem>>) target_semaphore(%arg9 : memref<!tpu.dma_semaphore, #tpu.memory_space<semaphore_mem>>)
      %slice3A_301 = vector.extract_strided_slice %get3A_181 {offsets = [7], sizes = [1], strides = [1]} : vector<16xi32> to vector<1xi32>
      %squeeze3A_302 = vector.extract %slice3A_301[0] : i32 from vector<1xi32>
      %mul3A_303 = arith.constant 16 : i32
      %mul3A_304 = arith.muli %add3A_174, %mul3A_303 : i32
      %add3A_305 = arith.constant 7 : i32
      %add3A_306 = arith.addi %mul3A_304, %add3A_305 : i32
      %dma_start3A_307 = arith.constant 0 : i32
      %dma_start3A_308 = arith.constant 0 : i32
      %dma_start3A_309 = tpu.memref_slice %arg8[%dma_start3A_307, %add3A_306, %dma_start3A_308] : memref<2x200x64xf32, #tpu.memory_space<vmem>> -> memref<1x1x64xf32, #tpu.memory_space<vmem>>
      %dma_start3A_310 = tpu.memref_squeeze %dma_start3A_309 : memref<1x1x64xf32, #tpu.memory_space<vmem>> -> memref<1x64xf32, #tpu.memory_space<vmem>>
      %dma_start3A_311 = arith.constant 0 : i32
      %dma_start3A_312 = tpu.memref_slice %arg2[%squeeze3A_302, %dma_start3A_311] : memref<1000000x64xf32, #tpu.memory_space<hbm>> -> memref<1x64xf32, #tpu.memory_space<hbm>>
      %dma_start3A_313 = arith.constant 0 : i32
      %dma_start3A_314 = tpu.memref_slice %arg8[%dma_start3A_307, %add3A_306, %dma_start3A_313] : memref<2x200x64xf32, #tpu.memory_space<vmem>> -> memref<1x1x64xf32, #tpu.memory_space<vmem>>
      %dma_start3A_315 = tpu.memref_squeeze %dma_start3A_314 : memref<1x1x64xf32, #tpu.memory_space<vmem>> -> memref<1x64xf32, #tpu.memory_space<vmem>>
      %dma_start3A_316 = arith.constant 0 : i32
      %dma_start3A_317 = tpu.memref_slice %arg2[%squeeze3A_302, %dma_start3A_316] : memref<1000000x64xf32, #tpu.memory_space<hbm>> -> memref<1x64xf32, #tpu.memory_space<hbm>>
      tpu.enqueue_dma source(%dma_start3A_317 : memref<1x64xf32, #tpu.memory_space<hbm>>) target(%dma_start3A_315 : memref<1x64xf32, #tpu.memory_space<vmem>>) target_semaphore(%arg9 : memref<!tpu.dma_semaphore, #tpu.memory_space<semaphore_mem>>)
      %slice3A_318 = vector.extract_strided_slice %get3A_181 {offsets = [8], sizes = [1], strides = [1]} : vector<16xi32> to vector<1xi32>
      %squeeze3A_319 = vector.extract %slice3A_318[0] : i32 from vector<1xi32>
      %mul3A_320 = arith.constant 16 : i32
      %mul3A_321 = arith.muli %add3A_174, %mul3A_320 : i32
      %add3A_322 = arith.constant 8 : i32
      %add3A_323 = arith.addi %mul3A_321, %add3A_322 : i32
      %dma_start3A_324 = arith.constant 0 : i32
      %dma_start3A_325 = arith.constant 0 : i32
      %dma_start3A_326 = tpu.memref_slice %arg8[%dma_start3A_324, %add3A_323, %dma_start3A_325] : memref<2x200x64xf32, #tpu.memory_space<vmem>> -> memref<1x1x64xf32, #tpu.memory_space<vmem>>
      %dma_start3A_327 = tpu.memref_squeeze %dma_start3A_326 : memref<1x1x64xf32, #tpu.memory_space<vmem>> -> memref<1x64xf32, #tpu.memory_space<vmem>>
      %dma_start3A_328 = arith.constant 0 : i32
      %dma_start3A_329 = tpu.memref_slice %arg2[%squeeze3A_319, %dma_start3A_328] : memref<1000000x64xf32, #tpu.memory_space<hbm>> -> memref<1x64xf32, #tpu.memory_space<hbm>>
      %dma_start3A_330 = arith.constant 0 : i32
      %dma_start3A_331 = tpu.memref_slice %arg8[%dma_start3A_324, %add3A_323, %dma_start3A_330] : memref<2x200x64xf32, #tpu.memory_space<vmem>> -> memref<1x1x64xf32, #tpu.memory_space<vmem>>
      %dma_start3A_332 = tpu.memref_squeeze %dma_start3A_331 : memref<1x1x64xf32, #tpu.memory_space<vmem>> -> memref<1x64xf32, #tpu.memory_space<vmem>>
      %dma_start3A_333 = arith.constant 0 : i32
      %dma_start3A_334 = tpu.memref_slice %arg2[%squeeze3A_319, %dma_start3A_333] : memref<1000000x64xf32, #tpu.memory_space<hbm>> -> memref<1x64xf32, #tpu.memory_space<hbm>>
      tpu.enqueue_dma source(%dma_start3A_334 : memref<1x64xf32, #tpu.memory_space<hbm>>) target(%dma_start3A_332 : memref<1x64xf32, #tpu.memory_space<vmem>>) target_semaphore(%arg9 : memref<!tpu.dma_semaphore, #tpu.memory_space<semaphore_mem>>)
      %slice3A_335 = vector.extract_strided_slice %get3A_181 {offsets = [9], sizes = [1], strides = [1]} : vector<16xi32> to vector<1xi32>
      %squeeze3A_336 = vector.extract %slice3A_335[0] : i32 from vector<1xi32>
      %mul3A_337 = arith.constant 16 : i32
      %mul3A_338 = arith.muli %add3A_174, %mul3A_337 : i32
      %add3A_339 = arith.constant 9 : i32
      %add3A_340 = arith.addi %mul3A_338, %add3A_339 : i32
      %dma_start3A_341 = arith.constant 0 : i32
      %dma_start3A_342 = arith.constant 0 : i32
      %dma_start3A_343 = tpu.memref_slice %arg8[%dma_start3A_341, %add3A_340, %dma_start3A_342] : memref<2x200x64xf32, #tpu.memory_space<vmem>> -> memref<1x1x64xf32, #tpu.memory_space<vmem>>
      %dma_start3A_344 = tpu.memref_squeeze %dma_start3A_343 : memref<1x1x64xf32, #tpu.memory_space<vmem>> -> memref<1x64xf32, #tpu.memory_space<vmem>>
      %dma_start3A_345 = arith.constant 0 : i32
      %dma_start3A_346 = tpu.memref_slice %arg2[%squeeze3A_336, %dma_start3A_345] : memref<1000000x64xf32, #tpu.memory_space<hbm>> -> memref<1x64xf32, #tpu.memory_space<hbm>>
      %dma_start3A_347 = arith.constant 0 : i32
      %dma_start3A_348 = tpu.memref_slice %arg8[%dma_start3A_341, %add3A_340, %dma_start3A_347] : memref<2x200x64xf32, #tpu.memory_space<vmem>> -> memref<1x1x64xf32, #tpu.memory_space<vmem>>
      %dma_start3A_349 = tpu.memref_squeeze %dma_start3A_348 : memref<1x1x64xf32, #tpu.memory_space<vmem>> -> memref<1x64xf32, #tpu.memory_space<vmem>>
      %dma_start3A_350 = arith.constant 0 : i32
      %dma_start3A_351 = tpu.memref_slice %arg2[%squeeze3A_336, %dma_start3A_350] : memref<1000000x64xf32, #tpu.memory_space<hbm>> -> memref<1x64xf32, #tpu.memory_space<hbm>>
      tpu.enqueue_dma source(%dma_start3A_351 : memref<1x64xf32, #tpu.memory_space<hbm>>) target(%dma_start3A_349 : memref<1x64xf32, #tpu.memory_space<vmem>>) target_semaphore(%arg9 : memref<!tpu.dma_semaphore, #tpu.memory_space<semaphore_mem>>)
      %slice3A_352 = vector.extract_strided_slice %get3A_181 {offsets = [10], sizes = [1], strides = [1]} : vector<16xi32> to vector<1xi32>
      %squeeze3A_353 = vector.extract %slice3A_352[0] : i32 from vector<1xi32>
      %mul3A_354 = arith.constant 16 : i32
      %mul3A_355 = arith.muli %add3A_174, %mul3A_354 : i32
      %add3A_356 = arith.constant 10 : i32
      %add3A_357 = arith.addi %mul3A_355, %add3A_356 : i32
      %dma_start3A_358 = arith.constant 0 : i32
      %dma_start3A_359 = arith.constant 0 : i32
      %dma_start3A_360 = tpu.memref_slice %arg8[%dma_start3A_358, %add3A_357, %dma_start3A_359] : memref<2x200x64xf32, #tpu.memory_space<vmem>> -> memref<1x1x64xf32, #tpu.memory_space<vmem>>
      %dma_start3A_361 = tpu.memref_squeeze %dma_start3A_360 : memref<1x1x64xf32, #tpu.memory_space<vmem>> -> memref<1x64xf32, #tpu.memory_space<vmem>>
      %dma_start3A_362 = arith.constant 0 : i32
      %dma_start3A_363 = tpu.memref_slice %arg2[%squeeze3A_353, %dma_start3A_362] : memref<1000000x64xf32, #tpu.memory_space<hbm>> -> memref<1x64xf32, #tpu.memory_space<hbm>>
      %dma_start3A_364 = arith.constant 0 : i32
      %dma_start3A_365 = tpu.memref_slice %arg8[%dma_start3A_358, %add3A_357, %dma_start3A_364] : memref<2x200x64xf32, #tpu.memory_space<vmem>> -> memref<1x1x64xf32, #tpu.memory_space<vmem>>
      %dma_start3A_366 = tpu.memref_squeeze %dma_start3A_365 : memref<1x1x64xf32, #tpu.memory_space<vmem>> -> memref<1x64xf32, #tpu.memory_space<vmem>>
      %dma_start3A_367 = arith.constant 0 : i32
      %dma_start3A_368 = tpu.memref_slice %arg2[%squeeze3A_353, %dma_start3A_367] : memref<1000000x64xf32, #tpu.memory_space<hbm>> -> memref<1x64xf32, #tpu.memory_space<hbm>>
      tpu.enqueue_dma source(%dma_start3A_368 : memref<1x64xf32, #tpu.memory_space<hbm>>) target(%dma_start3A_366 : memref<1x64xf32, #tpu.memory_space<vmem>>) target_semaphore(%arg9 : memref<!tpu.dma_semaphore, #tpu.memory_space<semaphore_mem>>)
      %slice3A_369 = vector.extract_strided_slice %get3A_181 {offsets = [11], sizes = [1], strides = [1]} : vector<16xi32> to vector<1xi32>
      %squeeze3A_370 = vector.extract %slice3A_369[0] : i32 from vector<1xi32>
      %mul3A_371 = arith.constant 16 : i32
      %mul3A_372 = arith.muli %add3A_174, %mul3A_371 : i32
      %add3A_373 = arith.constant 11 : i32
      %add3A_374 = arith.addi %mul3A_372, %add3A_373 : i32
      %dma_start3A_375 = arith.constant 0 : i32
      %dma_start3A_376 = arith.constant 0 : i32
      %dma_start3A_377 = tpu.memref_slice %arg8[%dma_start3A_375, %add3A_374, %dma_start3A_376] : memref<2x200x64xf32, #tpu.memory_space<vmem>> -> memref<1x1x64xf32, #tpu.memory_space<vmem>>
      %dma_start3A_378 = tpu.memref_squeeze %dma_start3A_377 : memref<1x1x64xf32, #tpu.memory_space<vmem>> -> memref<1x64xf32, #tpu.memory_space<vmem>>
      %dma_start3A_379 = arith.constant 0 : i32
      %dma_start3A_380 = tpu.memref_slice %arg2[%squeeze3A_370, %dma_start3A_379] : memref<1000000x64xf32, #tpu.memory_space<hbm>> -> memref<1x64xf32, #tpu.memory_space<hbm>>
      %dma_start3A_381 = arith.constant 0 : i32
      %dma_start3A_382 = tpu.memref_slice %arg8[%dma_start3A_375, %add3A_374, %dma_start3A_381] : memref<2x200x64xf32, #tpu.memory_space<vmem>> -> memref<1x1x64xf32, #tpu.memory_space<vmem>>
      %dma_start3A_383 = tpu.memref_squeeze %dma_start3A_382 : memref<1x1x64xf32, #tpu.memory_space<vmem>> -> memref<1x64xf32, #tpu.memory_space<vmem>>
      %dma_start3A_384 = arith.constant 0 : i32
      %dma_start3A_385 = tpu.memref_slice %arg2[%squeeze3A_370, %dma_start3A_384] : memref<1000000x64xf32, #tpu.memory_space<hbm>> -> memref<1x64xf32, #tpu.memory_space<hbm>>
      tpu.enqueue_dma source(%dma_start3A_385 : memref<1x64xf32, #tpu.memory_space<hbm>>) target(%dma_start3A_383 : memref<1x64xf32, #tpu.memory_space<vmem>>) target_semaphore(%arg9 : memref<!tpu.dma_semaphore, #tpu.memory_space<semaphore_mem>>)
      %slice3A_386 = vector.extract_strided_slice %get3A_181 {offsets = [12], sizes = [1], strides = [1]} : vector<16xi32> to vector<1xi32>
      %squeeze3A_387 = vector.extract %slice3A_386[0] : i32 from vector<1xi32>
      %mul3A_388 = arith.constant 16 : i32
      %mul3A_389 = arith.muli %add3A_174, %mul3A_388 : i32
      %add3A_390 = arith.constant 12 : i32
      %add3A_391 = arith.addi %mul3A_389, %add3A_390 : i32
      %dma_start3A_392 = arith.constant 0 : i32
      %dma_start3A_393 = arith.constant 0 : i32
      %dma_start3A_394 = tpu.memref_slice %arg8[%dma_start3A_392, %add3A_391, %dma_start3A_393] : memref<2x200x64xf32, #tpu.memory_space<vmem>> -> memref<1x1x64xf32, #tpu.memory_space<vmem>>
      %dma_start3A_395 = tpu.memref_squeeze %dma_start3A_394 : memref<1x1x64xf32, #tpu.memory_space<vmem>> -> memref<1x64xf32, #tpu.memory_space<vmem>>
      %dma_start3A_396 = arith.constant 0 : i32
      %dma_start3A_397 = tpu.memref_slice %arg2[%squeeze3A_387, %dma_start3A_396] : memref<1000000x64xf32, #tpu.memory_space<hbm>> -> memref<1x64xf32, #tpu.memory_space<hbm>>
      %dma_start3A_398 = arith.constant 0 : i32
      %dma_start3A_399 = tpu.memref_slice %arg8[%dma_start3A_392, %add3A_391, %dma_start3A_398] : memref<2x200x64xf32, #tpu.memory_space<vmem>> -> memref<1x1x64xf32, #tpu.memory_space<vmem>>
      %dma_start3A_400 = tpu.memref_squeeze %dma_start3A_399 : memref<1x1x64xf32, #tpu.memory_space<vmem>> -> memref<1x64xf32, #tpu.memory_space<vmem>>
      %dma_start3A_401 = arith.constant 0 : i32
      %dma_start3A_402 = tpu.memref_slice %arg2[%squeeze3A_387, %dma_start3A_401] : memref<1000000x64xf32, #tpu.memory_space<hbm>> -> memref<1x64xf32, #tpu.memory_space<hbm>>
      tpu.enqueue_dma source(%dma_start3A_402 : memref<1x64xf32, #tpu.memory_space<hbm>>) target(%dma_start3A_400 : memref<1x64xf32, #tpu.memory_space<vmem>>) target_semaphore(%arg9 : memref<!tpu.dma_semaphore, #tpu.memory_space<semaphore_mem>>)
      %slice3A_403 = vector.extract_strided_slice %get3A_181 {offsets = [13], sizes = [1], strides = [1]} : vector<16xi32> to vector<1xi32>
      %squeeze3A_404 = vector.extract %slice3A_403[0] : i32 from vector<1xi32>
      %mul3A_405 = arith.constant 16 : i32
      %mul3A_406 = arith.muli %add3A_174, %mul3A_405 : i32
      %add3A_407 = arith.constant 13 : i32
      %add3A_408 = arith.addi %mul3A_406, %add3A_407 : i32
      %dma_start3A_409 = arith.constant 0 : i32
      %dma_start3A_410 = arith.constant 0 : i32
      %dma_start3A_411 = tpu.memref_slice %arg8[%dma_start3A_409, %add3A_408, %dma_start3A_410] : memref<2x200x64xf32, #tpu.memory_space<vmem>> -> memref<1x1x64xf32, #tpu.memory_space<vmem>>
      %dma_start3A_412 = tpu.memref_squeeze %dma_start3A_411 : memref<1x1x64xf32, #tpu.memory_space<vmem>> -> memref<1x64xf32, #tpu.memory_space<vmem>>
      %dma_start3A_413 = arith.constant 0 : i32
      %dma_start3A_414 = tpu.memref_slice %arg2[%squeeze3A_404, %dma_start3A_413] : memref<1000000x64xf32, #tpu.memory_space<hbm>> -> memref<1x64xf32, #tpu.memory_space<hbm>>
      %dma_start3A_415 = arith.constant 0 : i32
      %dma_start3A_416 = tpu.memref_slice %arg8[%dma_start3A_409, %add3A_408, %dma_start3A_415] : memref<2x200x64xf32, #tpu.memory_space<vmem>> -> memref<1x1x64xf32, #tpu.memory_space<vmem>>
      %dma_start3A_417 = tpu.memref_squeeze %dma_start3A_416 : memref<1x1x64xf32, #tpu.memory_space<vmem>> -> memref<1x64xf32, #tpu.memory_space<vmem>>
      %dma_start3A_418 = arith.constant 0 : i32
      %dma_start3A_419 = tpu.memref_slice %arg2[%squeeze3A_404, %dma_start3A_418] : memref<1000000x64xf32, #tpu.memory_space<hbm>> -> memref<1x64xf32, #tpu.memory_space<hbm>>
      tpu.enqueue_dma source(%dma_start3A_419 : memref<1x64xf32, #tpu.memory_space<hbm>>) target(%dma_start3A_417 : memref<1x64xf32, #tpu.memory_space<vmem>>) target_semaphore(%arg9 : memref<!tpu.dma_semaphore, #tpu.memory_space<semaphore_mem>>)
      %slice3A_420 = vector.extract_strided_slice %get3A_181 {offsets = [14], sizes = [1], strides = [1]} : vector<16xi32> to vector<1xi32>
      %squeeze3A_421 = vector.extract %slice3A_420[0] : i32 from vector<1xi32>
      %mul3A_422 = arith.constant 16 : i32
      %mul3A_423 = arith.muli %add3A_174, %mul3A_422 : i32
      %add3A_424 = arith.constant 14 : i32
      %add3A_425 = arith.addi %mul3A_423, %add3A_424 : i32
      %dma_start3A_426 = arith.constant 0 : i32
      %dma_start3A_427 = arith.constant 0 : i32
      %dma_start3A_428 = tpu.memref_slice %arg8[%dma_start3A_426, %add3A_425, %dma_start3A_427] : memref<2x200x64xf32, #tpu.memory_space<vmem>> -> memref<1x1x64xf32, #tpu.memory_space<vmem>>
      %dma_start3A_429 = tpu.memref_squeeze %dma_start3A_428 : memref<1x1x64xf32, #tpu.memory_space<vmem>> -> memref<1x64xf32, #tpu.memory_space<vmem>>
      %dma_start3A_430 = arith.constant 0 : i32
      %dma_start3A_431 = tpu.memref_slice %arg2[%squeeze3A_421, %dma_start3A_430] : memref<1000000x64xf32, #tpu.memory_space<hbm>> -> memref<1x64xf32, #tpu.memory_space<hbm>>
      %dma_start3A_432 = arith.constant 0 : i32
      %dma_start3A_433 = tpu.memref_slice %arg8[%dma_start3A_426, %add3A_425, %dma_start3A_432] : memref<2x200x64xf32, #tpu.memory_space<vmem>> -> memref<1x1x64xf32, #tpu.memory_space<vmem>>
      %dma_start3A_434 = tpu.memref_squeeze %dma_start3A_433 : memref<1x1x64xf32, #tpu.memory_space<vmem>> -> memref<1x64xf32, #tpu.memory_space<vmem>>
      %dma_start3A_435 = arith.constant 0 : i32
      %dma_start3A_436 = tpu.memref_slice %arg2[%squeeze3A_421, %dma_start3A_435] : memref<1000000x64xf32, #tpu.memory_space<hbm>> -> memref<1x64xf32, #tpu.memory_space<hbm>>
      tpu.enqueue_dma source(%dma_start3A_436 : memref<1x64xf32, #tpu.memory_space<hbm>>) target(%dma_start3A_434 : memref<1x64xf32, #tpu.memory_space<vmem>>) target_semaphore(%arg9 : memref<!tpu.dma_semaphore, #tpu.memory_space<semaphore_mem>>)
      %slice3A_437 = vector.extract_strided_slice %get3A_181 {offsets = [15], sizes = [1], strides = [1]} : vector<16xi32> to vector<1xi32>
      %squeeze3A_438 = vector.extract %slice3A_437[0] : i32 from vector<1xi32>
      %mul3A_439 = arith.constant 16 : i32
      %mul3A_440 = arith.muli %add3A_174, %mul3A_439 : i32
      %add3A_441 = arith.constant 15 : i32
      %add3A_442 = arith.addi %mul3A_440, %add3A_441 : i32
      %dma_start3A_443 = arith.constant 0 : i32
      %dma_start3A_444 = arith.constant 0 : i32
      %dma_start3A_445 = tpu.memref_slice %arg8[%dma_start3A_443, %add3A_442, %dma_start3A_444] : memref<2x200x64xf32, #tpu.memory_space<vmem>> -> memref<1x1x64xf32, #tpu.memory_space<vmem>>
      %dma_start3A_446 = tpu.memref_squeeze %dma_start3A_445 : memref<1x1x64xf32, #tpu.memory_space<vmem>> -> memref<1x64xf32, #tpu.memory_space<vmem>>
      %dma_start3A_447 = arith.constant 0 : i32
      %dma_start3A_448 = tpu.memref_slice %arg2[%squeeze3A_438, %dma_start3A_447] : memref<1000000x64xf32, #tpu.memory_space<hbm>> -> memref<1x64xf32, #tpu.memory_space<hbm>>
      %dma_start3A_449 = arith.constant 0 : i32
      %dma_start3A_450 = tpu.memref_slice %arg8[%dma_start3A_443, %add3A_442, %dma_start3A_449] : memref<2x200x64xf32, #tpu.memory_space<vmem>> -> memref<1x1x64xf32, #tpu.memory_space<vmem>>
      %dma_start3A_451 = tpu.memref_squeeze %dma_start3A_450 : memref<1x1x64xf32, #tpu.memory_space<vmem>> -> memref<1x64xf32, #tpu.memory_space<vmem>>
      %dma_start3A_452 = arith.constant 0 : i32
      %dma_start3A_453 = tpu.memref_slice %arg2[%squeeze3A_438, %dma_start3A_452] : memref<1000000x64xf32, #tpu.memory_space<hbm>> -> memref<1x64xf32, #tpu.memory_space<hbm>>
      tpu.enqueue_dma source(%dma_start3A_453 : memref<1x64xf32, #tpu.memory_space<hbm>>) target(%dma_start3A_451 : memref<1x64xf32, #tpu.memory_space<vmem>>) target_semaphore(%arg9 : memref<!tpu.dma_semaphore, #tpu.memory_space<semaphore_mem>>)
    }
    %scan3A_8 = arith.constant 12 : i32
    %get3A = arith.constant 192 : index
    %get3A_9 = tpu.vector_load %arg6[%get3A] {strides = array<i32>} : memref<12816xi32, #tpu.memory_space<vmem>>, vector<16xi32>,
    %get3A_10 = vector.shape_cast %get3A_9 : vector<16xi32> to vector<16xi32>
    %slice3A = vector.extract_strided_slice %get3A_10 {offsets = [0], sizes = [1], strides = [1]} : vector<16xi32> to vector<1xi32>
    %squeeze3A = vector.extract %slice3A[0] : i32 from vector<1xi32>
    %dma_start3A = arith.constant 0 : i32
    %dma_start3A_11 = arith.constant 192 : i32
    %dma_start3A_12 = arith.constant 0 : i32
    %dma_start3A_13 = tpu.memref_slice %arg8[%dma_start3A, %dma_start3A_11, %dma_start3A_12] : memref<2x200x64xf32, #tpu.memory_space<vmem>> -> memref<1x1x64xf32, #tpu.memory_space<vmem>>
    %dma_start3A_14 = tpu.memref_squeeze %dma_start3A_13 : memref<1x1x64xf32, #tpu.memory_space<vmem>> -> memref<1x64xf32, #tpu.memory_space<vmem>>
    %dma_start3A_15 = arith.constant 0 : i32
    %dma_start3A_16 = tpu.memref_slice %arg2[%squeeze3A, %dma_start3A_15] : memref<1000000x64xf32, #tpu.memory_space<hbm>> -> memref<1x64xf32, #tpu.memory_space<hbm>>
    %dma_start3A_17 = arith.constant 192 : i32
    %dma_start3A_18 = arith.constant 0 : i32
    %dma_start3A_19 = tpu.memref_slice %arg8[%dma_start3A, %dma_start3A_17, %dma_start3A_18] : memref<2x200x64xf32, #tpu.memory_space<vmem>> -> memref<1x1x64xf32, #tpu.memory_space<vmem>>
    %dma_start3A_20 = tpu.memref_squeeze %dma_start3A_19 : memref<1x1x64xf32, #tpu.memory_space<vmem>> -> memref<1x64xf32, #tpu.memory_space<vmem>>
    %dma_start3A_21 = arith.constant 0 : i32
    %dma_start3A_22 = tpu.memref_slice %arg2[%squeeze3A, %dma_start3A_21] : memref<1000000x64xf32, #tpu.memory_space<hbm>> -> memref<1x64xf32, #tpu.memory_space<hbm>>
    tpu.enqueue_dma source(%dma_start3A_22 : memref<1x64xf32, #tpu.memory_space<hbm>>) target(%dma_start3A_20 : memref<1x64xf32, #tpu.memory_space<vmem>>) target_semaphore(%arg9 : memref<!tpu.dma_semaphore, #tpu.memory_space<semaphore_mem>>)
    %slice3A_23 = vector.extract_strided_slice %get3A_10 {offsets = [1], sizes = [1], strides = [1]} : vector<16xi32> to vector<1xi32>
    %squeeze3A_24 = vector.extract %slice3A_23[0] : i32 from vector<1xi32>
    %dma_start3A_25 = arith.constant 0 : i32
    %dma_start3A_26 = arith.constant 193 : i32
    %dma_start3A_27 = arith.constant 0 : i32
    %dma_start3A_28 = tpu.memref_slice %arg8[%dma_start3A_25, %dma_start3A_26, %dma_start3A_27] : memref<2x200x64xf32, #tpu.memory_space<vmem>> -> memref<1x1x64xf32, #tpu.memory_space<vmem>>
    %dma_start3A_29 = tpu.memref_squeeze %dma_start3A_28 : memref<1x1x64xf32, #tpu.memory_space<vmem>> -> memref<1x64xf32, #tpu.memory_space<vmem>>
    %dma_start3A_30 = arith.constant 0 : i32
    %dma_start3A_31 = tpu.memref_slice %arg2[%squeeze3A_24, %dma_start3A_30] : memref<1000000x64xf32, #tpu.memory_space<hbm>> -> memref<1x64xf32, #tpu.memory_space<hbm>>
    %dma_start3A_32 = arith.constant 193 : i32
    %dma_start3A_33 = arith.constant 0 : i32
    %dma_start3A_34 = tpu.memref_slice %arg8[%dma_start3A_25, %dma_start3A_32, %dma_start3A_33] : memref<2x200x64xf32, #tpu.memory_space<vmem>> -> memref<1x1x64xf32, #tpu.memory_space<vmem>>
    %dma_start3A_35 = tpu.memref_squeeze %dma_start3A_34 : memref<1x1x64xf32, #tpu.memory_space<vmem>> -> memref<1x64xf32, #tpu.memory_space<vmem>>
    %dma_start3A_36 = arith.constant 0 : i32
    %dma_start3A_37 = tpu.memref_slice %arg2[%squeeze3A_24, %dma_start3A_36] : memref<1000000x64xf32, #tpu.memory_space<hbm>> -> memref<1x64xf32, #tpu.memory_space<hbm>>
    tpu.enqueue_dma source(%dma_start3A_37 : memref<1x64xf32, #tpu.memory_space<hbm>>) target(%dma_start3A_35 : memref<1x64xf32, #tpu.memory_space<vmem>>) target_semaphore(%arg9 : memref<!tpu.dma_semaphore, #tpu.memory_space<semaphore_mem>>)
    %slice3A_38 = vector.extract_strided_slice %get3A_10 {offsets = [2], sizes = [1], strides = [1]} : vector<16xi32> to vector<1xi32>
    %squeeze3A_39 = vector.extract %slice3A_38[0] : i32 from vector<1xi32>
    %dma_start3A_40 = arith.constant 0 : i32
    %dma_start3A_41 = arith.constant 194 : i32
    %dma_start3A_42 = arith.constant 0 : i32
    %dma_start3A_43 = tpu.memref_slice %arg8[%dma_start3A_40, %dma_start3A_41, %dma_start3A_42] : memref<2x200x64xf32, #tpu.memory_space<vmem>> -> memref<1x1x64xf32, #tpu.memory_space<vmem>>
    %dma_start3A_44 = tpu.memref_squeeze %dma_start3A_43 : memref<1x1x64xf32, #tpu.memory_space<vmem>> -> memref<1x64xf32, #tpu.memory_space<vmem>>
    %dma_start3A_45 = arith.constant 0 : i32
    %dma_start3A_46 = tpu.memref_slice %arg2[%squeeze3A_39, %dma_start3A_45] : memref<1000000x64xf32, #tpu.memory_space<hbm>> -> memref<1x64xf32, #tpu.memory_space<hbm>>
    %dma_start3A_47 = arith.constant 194 : i32
    %dma_start3A_48 = arith.constant 0 : i32
    %dma_start3A_49 = tpu.memref_slice %arg8[%dma_start3A_40, %dma_start3A_47, %dma_start3A_48] : memref<2x200x64xf32, #tpu.memory_space<vmem>> -> memref<1x1x64xf32, #tpu.memory_space<vmem>>
    %dma_start3A_50 = tpu.memref_squeeze %dma_start3A_49 : memref<1x1x64xf32, #tpu.memory_space<vmem>> -> memref<1x64xf32, #tpu.memory_space<vmem>>
    %dma_start3A_51 = arith.constant 0 : i32
    %dma_start3A_52 = tpu.memref_slice %arg2[%squeeze3A_39, %dma_start3A_51] : memref<1000000x64xf32, #tpu.memory_space<hbm>> -> memref<1x64xf32, #tpu.memory_space<hbm>>
    tpu.enqueue_dma source(%dma_start3A_52 : memref<1x64xf32, #tpu.memory_space<hbm>>) target(%dma_start3A_50 : memref<1x64xf32, #tpu.memory_space<vmem>>) target_semaphore(%arg9 : memref<!tpu.dma_semaphore, #tpu.memory_space<semaphore_mem>>)
    %slice3A_53 = vector.extract_strided_slice %get3A_10 {offsets = [3], sizes = [1], strides = [1]} : vector<16xi32> to vector<1xi32>
    %squeeze3A_54 = vector.extract %slice3A_53[0] : i32 from vector<1xi32>
    %dma_start3A_55 = arith.constant 0 : i32
    %dma_start3A_56 = arith.constant 195 : i32
    %dma_start3A_57 = arith.constant 0 : i32
    %dma_start3A_58 = tpu.memref_slice %arg8[%dma_start3A_55, %dma_start3A_56, %dma_start3A_57] : memref<2x200x64xf32, #tpu.memory_space<vmem>> -> memref<1x1x64xf32, #tpu.memory_space<vmem>>
    %dma_start3A_59 = tpu.memref_squeeze %dma_start3A_58 : memref<1x1x64xf32, #tpu.memory_space<vmem>> -> memref<1x64xf32, #tpu.memory_space<vmem>>
    %dma_start3A_60 = arith.constant 0 : i32
    %dma_start3A_61 = tpu.memref_slice %arg2[%squeeze3A_54, %dma_start3A_60] : memref<1000000x64xf32, #tpu.memory_space<hbm>> -> memref<1x64xf32, #tpu.memory_space<hbm>>
    %dma_start3A_62 = arith.constant 195 : i32
    %dma_start3A_63 = arith.constant 0 : i32
    %dma_start3A_64 = tpu.memref_slice %arg8[%dma_start3A_55, %dma_start3A_62, %dma_start3A_63] : memref<2x200x64xf32, #tpu.memory_space<vmem>> -> memref<1x1x64xf32, #tpu.memory_space<vmem>>
    %dma_start3A_65 = tpu.memref_squeeze %dma_start3A_64 : memref<1x1x64xf32, #tpu.memory_space<vmem>> -> memref<1x64xf32, #tpu.memory_space<vmem>>
    %dma_start3A_66 = arith.constant 0 : i32
    %dma_start3A_67 = tpu.memref_slice %arg2[%squeeze3A_54, %dma_start3A_66] : memref<1000000x64xf32, #tpu.memory_space<hbm>> -> memref<1x64xf32, #tpu.memory_space<hbm>>
    tpu.enqueue_dma source(%dma_start3A_67 : memref<1x64xf32, #tpu.memory_space<hbm>>) target(%dma_start3A_65 : memref<1x64xf32, #tpu.memory_space<vmem>>) target_semaphore(%arg9 : memref<!tpu.dma_semaphore, #tpu.memory_space<semaphore_mem>>)
    %slice3A_68 = vector.extract_strided_slice %get3A_10 {offsets = [4], sizes = [1], strides = [1]} : vector<16xi32> to vector<1xi32>
    %squeeze3A_69 = vector.extract %slice3A_68[0] : i32 from vector<1xi32>
    %dma_start3A_70 = arith.constant 0 : i32
    %dma_start3A_71 = arith.constant 196 : i32
    %dma_start3A_72 = arith.constant 0 : i32
    %dma_start3A_73 = tpu.memref_slice %arg8[%dma_start3A_70, %dma_start3A_71, %dma_start3A_72] : memref<2x200x64xf32, #tpu.memory_space<vmem>> -> memref<1x1x64xf32, #tpu.memory_space<vmem>>
    %dma_start3A_74 = tpu.memref_squeeze %dma_start3A_73 : memref<1x1x64xf32, #tpu.memory_space<vmem>> -> memref<1x64xf32, #tpu.memory_space<vmem>>
    %dma_start3A_75 = arith.constant 0 : i32
    %dma_start3A_76 = tpu.memref_slice %arg2[%squeeze3A_69, %dma_start3A_75] : memref<1000000x64xf32, #tpu.memory_space<hbm>> -> memref<1x64xf32, #tpu.memory_space<hbm>>
    %dma_start3A_77 = arith.constant 196 : i32
    %dma_start3A_78 = arith.constant 0 : i32
    %dma_start3A_79 = tpu.memref_slice %arg8[%dma_start3A_70, %dma_start3A_77, %dma_start3A_78] : memref<2x200x64xf32, #tpu.memory_space<vmem>> -> memref<1x1x64xf32, #tpu.memory_space<vmem>>
    %dma_start3A_80 = tpu.memref_squeeze %dma_start3A_79 : memref<1x1x64xf32, #tpu.memory_space<vmem>> -> memref<1x64xf32, #tpu.memory_space<vmem>>
    %dma_start3A_81 = arith.constant 0 : i32
    %dma_start3A_82 = tpu.memref_slice %arg2[%squeeze3A_69, %dma_start3A_81] : memref<1000000x64xf32, #tpu.memory_space<hbm>> -> memref<1x64xf32, #tpu.memory_space<hbm>>
    tpu.enqueue_dma source(%dma_start3A_82 : memref<1x64xf32, #tpu.memory_space<hbm>>) target(%dma_start3A_80 : memref<1x64xf32, #tpu.memory_space<vmem>>) target_semaphore(%arg9 : memref<!tpu.dma_semaphore, #tpu.memory_space<semaphore_mem>>)
    %slice3A_83 = vector.extract_strided_slice %get3A_10 {offsets = [5], sizes = [1], strides = [1]} : vector<16xi32> to vector<1xi32>
    %squeeze3A_84 = vector.extract %slice3A_83[0] : i32 from vector<1xi32>
    %dma_start3A_85 = arith.constant 0 : i32
    %dma_start3A_86 = arith.constant 197 : i32
    %dma_start3A_87 = arith.constant 0 : i32
    %dma_start3A_88 = tpu.memref_slice %arg8[%dma_start3A_85, %dma_start3A_86, %dma_start3A_87] : memref<2x200x64xf32, #tpu.memory_space<vmem>> -> memref<1x1x64xf32, #tpu.memory_space<vmem>>
    %dma_start3A_89 = tpu.memref_squeeze %dma_start3A_88 : memref<1x1x64xf32, #tpu.memory_space<vmem>> -> memref<1x64xf32, #tpu.memory_space<vmem>>
    %dma_start3A_90 = arith.constant 0 : i32
    %dma_start3A_91 = tpu.memref_slice %arg2[%squeeze3A_84, %dma_start3A_90] : memref<1000000x64xf32, #tpu.memory_space<hbm>> -> memref<1x64xf32, #tpu.memory_space<hbm>>
    %dma_start3A_92 = arith.constant 197 : i32
    %dma_start3A_93 = arith.constant 0 : i32
    %dma_start3A_94 = tpu.memref_slice %arg8[%dma_start3A_85, %dma_start3A_92, %dma_start3A_93] : memref<2x200x64xf32, #tpu.memory_space<vmem>> -> memref<1x1x64xf32, #tpu.memory_space<vmem>>
    %dma_start3A_95 = tpu.memref_squeeze %dma_start3A_94 : memref<1x1x64xf32, #tpu.memory_space<vmem>> -> memref<1x64xf32, #tpu.memory_space<vmem>>
    %dma_start3A_96 = arith.constant 0 : i32
    %dma_start3A_97 = tpu.memref_slice %arg2[%squeeze3A_84, %dma_start3A_96] : memref<1000000x64xf32, #tpu.memory_space<hbm>> -> memref<1x64xf32, #tpu.memory_space<hbm>>
    tpu.enqueue_dma source(%dma_start3A_97 : memref<1x64xf32, #tpu.memory_space<hbm>>) target(%dma_start3A_95 : memref<1x64xf32, #tpu.memory_space<vmem>>) target_semaphore(%arg9 : memref<!tpu.dma_semaphore, #tpu.memory_space<semaphore_mem>>)
    %slice3A_98 = vector.extract_strided_slice %get3A_10 {offsets = [6], sizes = [1], strides = [1]} : vector<16xi32> to vector<1xi32>
    %squeeze3A_99 = vector.extract %slice3A_98[0] : i32 from vector<1xi32>
    %dma_start3A_100 = arith.constant 0 : i32
    %dma_start3A_101 = arith.constant 198 : i32
    %dma_start3A_102 = arith.constant 0 : i32
    %dma_start3A_103 = tpu.memref_slice %arg8[%dma_start3A_100, %dma_start3A_101, %dma_start3A_102] : memref<2x200x64xf32, #tpu.memory_space<vmem>> -> memref<1x1x64xf32, #tpu.memory_space<vmem>>
    %dma_start3A_104 = tpu.memref_squeeze %dma_start3A_103 : memref<1x1x64xf32, #tpu.memory_space<vmem>> -> memref<1x64xf32, #tpu.memory_space<vmem>>
    %dma_start3A_105 = arith.constant 0 : i32
    %dma_start3A_106 = tpu.memref_slice %arg2[%squeeze3A_99, %dma_start3A_105] : memref<1000000x64xf32, #tpu.memory_space<hbm>> -> memref<1x64xf32, #tpu.memory_space<hbm>>
    %dma_start3A_107 = arith.constant 198 : i32
    %dma_start3A_108 = arith.constant 0 : i32
    %dma_start3A_109 = tpu.memref_slice %arg8[%dma_start3A_100, %dma_start3A_107, %dma_start3A_108] : memref<2x200x64xf32, #tpu.memory_space<vmem>> -> memref<1x1x64xf32, #tpu.memory_space<vmem>>
    %dma_start3A_110 = tpu.memref_squeeze %dma_start3A_109 : memref<1x1x64xf32, #tpu.memory_space<vmem>> -> memref<1x64xf32, #tpu.memory_space<vmem>>
    %dma_start3A_111 = arith.constant 0 : i32
    %dma_start3A_112 = tpu.memref_slice %arg2[%squeeze3A_99, %dma_start3A_111] : memref<1000000x64xf32, #tpu.memory_space<hbm>> -> memref<1x64xf32, #tpu.memory_space<hbm>>
    tpu.enqueue_dma source(%dma_start3A_112 : memref<1x64xf32, #tpu.memory_space<hbm>>) target(%dma_start3A_110 : memref<1x64xf32, #tpu.memory_space<vmem>>) target_semaphore(%arg9 : memref<!tpu.dma_semaphore, #tpu.memory_space<semaphore_mem>>)
    %slice3A_113 = vector.extract_strided_slice %get3A_10 {offsets = [7], sizes = [1], strides = [1]} : vector<16xi32> to vector<1xi32>
    %squeeze3A_114 = vector.extract %slice3A_113[0] : i32 from vector<1xi32>
    %dma_start3A_115 = arith.constant 0 : i32
    %dma_start3A_116 = arith.constant 199 : i32
    %dma_start3A_117 = arith.constant 0 : i32
    %dma_start3A_118 = tpu.memref_slice %arg8[%dma_start3A_115, %dma_start3A_116, %dma_start3A_117] : memref<2x200x64xf32, #tpu.memory_space<vmem>> -> memref<1x1x64xf32, #tpu.memory_space<vmem>>
    %dma_start3A_119 = tpu.memref_squeeze %dma_start3A_118 : memref<1x1x64xf32, #tpu.memory_space<vmem>> -> memref<1x64xf32, #tpu.memory_space<vmem>>
    %dma_start3A_120 = arith.constant 0 : i32
    %dma_start3A_121 = tpu.memref_slice %arg2[%squeeze3A_114, %dma_start3A_120] : memref<1000000x64xf32, #tpu.memory_space<hbm>> -> memref<1x64xf32, #tpu.memory_space<hbm>>
    %dma_start3A_122 = arith.constant 199 : i32
    %dma_start3A_123 = arith.constant 0 : i32
    %dma_start3A_124 = tpu.memref_slice %arg8[%dma_start3A_115, %dma_start3A_122, %dma_start3A_123] : memref<2x200x64xf32, #tpu.memory_space<vmem>> -> memref<1x1x64xf32, #tpu.memory_space<vmem>>
    %dma_start3A_125 = tpu.memref_squeeze %dma_start3A_124 : memref<1x1x64xf32, #tpu.memory_space<vmem>> -> memref<1x64xf32, #tpu.memory_space<vmem>>
    %dma_start3A_126 = arith.constant 0 : i32
    %dma_start3A_127 = tpu.memref_slice %arg2[%squeeze3A_114, %dma_start3A_126] : memref<1000000x64xf32, #tpu.memory_space<hbm>> -> memref<1x64xf32, #tpu.memory_space<hbm>>
    tpu.enqueue_dma source(%dma_start3A_127 : memref<1x64xf32, #tpu.memory_space<hbm>>) target(%dma_start3A_125 : memref<1x64xf32, #tpu.memory_space<vmem>>) target_semaphore(%arg9 : memref<!tpu.dma_semaphore, #tpu.memory_space<semaphore_mem>>)
    %scan3A_128 = arith.constant 0 : i32
    %scan3A_129 = arith.constant 32 : i32
    %scan3A_130 = arith.addi %scan3A_128, %scan3A_129 : i32
    %scan3A_131 = arith.constant 1 : i32
    scf.for %scan3A_170 = %scan3A_128 to %scan3A_130 step %scan3A_131  : i32 {
      %mul3A_171 = arith.constant 1 : i32
      %mul3A_172 = arith.muli %scan3A_170, %mul3A_171 : i32
      %add3A_173 = arith.constant 0 : i32
      %add3A_174 = arith.addi %add3A_173, %mul3A_172 : i32
      %mul3A_175 = arith.constant 2 : i32
      %mul3A_176 = arith.muli %mul3A_175, %add3A_174 : i32
      %add3A_177 = arith.constant 0 : i32
      %add3A_178 = arith.addi %mul3A_176, %add3A_177 : i32
      %add3A_179 = arith.constant 1 : i32
      %add3A_180 = arith.addi %add3A_178, %add3A_179 : i32
      %lt3A = arith.constant 64 : i32
      %lt3A_181 = arith.cmpi slt, %add3A_180, %lt3A : i32
      %convert_element_type3A = arith.extui %lt3A_181 : i1 to i32
      %cond3A = arith.constant 0 : i32
      %cond3A_182 = arith.cmpi ne, %convert_element_type3A, %cond3A : i32
      scf.if %cond3A_182 {
        %ge3A = arith.constant 1 : i32
        %ge3A_270 = arith.cmpi sge, %add3A_178, %ge3A : i32
        %convert_element_type3A_271 = arith.extui %ge3A_270 : i1 to i32
        %cond3A_272 = arith.constant 0 : i32
        %cond3A_273 = arith.cmpi ne, %convert_element_type3A_271, %cond3A_272 : i32
        scf.if %cond3A_273 {
          %sub3A = arith.constant 1 : i32
          %sub3A_408 = arith.subi %add3A_178, %sub3A : i32
          %add3A_409 = arith.addi %mul3A_4, %sub3A_408 : i32
          %dma_wait3A_410 = arith.constant 1 : i32
          %dma_wait3A_411 = arith.constant 0 : i32
          %dma_wait3A_412 = arith.constant 0 : i32
          %dma_wait3A_413 = tpu.memref_slice %arg8[%dma_wait3A_410, %dma_wait3A_411, %dma_wait3A_412] : memref<2x200x64xf32, #tpu.memory_space<vmem>> -> memref<1x200x64xf32, #tpu.memory_space<vmem>>
          %dma_wait3A_414 = tpu.memref_squeeze %dma_wait3A_413 : memref<1x200x64xf32, #tpu.memory_space<vmem>> -> memref<200x64xf32, #tpu.memory_space<vmem>>
          %dma_wait3A_415 = arith.constant 0 : i32
          %dma_wait3A_416 = arith.constant 0 : i32
          %dma_wait3A_417 = tpu.memref_slice %arg5[%add3A_409, %dma_wait3A_415, %dma_wait3A_416] : memref<1024x200x64xf32, #tpu.memory_space<hbm>> -> memref<1x200x64xf32, #tpu.memory_space<hbm>>
          %dma_wait3A_418 = tpu.memref_squeeze %dma_wait3A_417 : memref<1x200x64xf32, #tpu.memory_space<hbm>> -> memref<200x64xf32, #tpu.memory_space<hbm>>
          %dma_wait3A_419 = arith.constant 0 : i32
          %dma_wait3A_420 = arith.constant 0 : i32
          %dma_wait3A_421 = tpu.memref_slice %arg5[%add3A_409, %dma_wait3A_419, %dma_wait3A_420] : memref<1024x200x64xf32, #tpu.memory_space<hbm>> -> memref<1x200x64xf32, #tpu.memory_space<hbm>>
          %dma_wait3A_422 = tpu.memref_squeeze %dma_wait3A_421 : memref<1x200x64xf32, #tpu.memory_space<hbm>> -> memref<200x64xf32, #tpu.memory_space<hbm>>
          %dma_wait3A_423 = arith.constant 0 : i32
          %dma_wait3A_424 = arith.constant 0 : i32
          %dma_wait3A_425 = tpu.memref_slice %arg8[%dma_wait3A_410, %dma_wait3A_423, %dma_wait3A_424] : memref<2x200x64xf32, #tpu.memory_space<vmem>> -> memref<1x200x64xf32, #tpu.memory_space<vmem>>
          %dma_wait3A_426 = tpu.memref_squeeze %dma_wait3A_425 : memref<1x200x64xf32, #tpu.memory_space<vmem>> -> memref<200x64xf32, #tpu.memory_space<vmem>>
          tpu.wait_dma2 semaphore(%arg12 : memref<!tpu.dma_semaphore, #tpu.memory_space<semaphore_mem>>) src(%dma_wait3A_426 : memref<200x64xf32, #tpu.memory_space<vmem>>) dst(%dma_wait3A_422 : memref<200x64xf32, #tpu.memory_space<hbm>>)
        } else {
        }
        %add3A_274 = arith.constant 1 : i32
        %add3A_275 = arith.addi %add3A_178, %add3A_274 : i32
        %scan3A_276 = arith.constant 0 : i32
        %scan3A_277 = arith.constant 12 : i32
        %scan3A_278 = arith.addi %scan3A_276, %scan3A_277 : i32
        %scan3A_279 = arith.constant 1 : i32
        scf.for %scan3A_408 = %scan3A_276 to %scan3A_278 step %scan3A_279  : i32 {
          %mul3A_409 = arith.constant 1 : i32
          %mul3A_410 = arith.muli %scan3A_408, %mul3A_409 : i32
          %add3A_411 = arith.constant 0 : i32
          %add3A_412 = arith.addi %add3A_411, %mul3A_410 : i32
          %mul3A_413 = arith.constant 200 : i32
          %mul3A_414 = arith.muli %add3A_275, %mul3A_413 : i32
          %mul3A_415 = arith.constant 16 : i32
          %mul3A_416 = arith.muli %add3A_412, %mul3A_415 : i32
          %add3A_417 = arith.addi %mul3A_414, %mul3A_416 : i32
          %get3A_418 = arith.index_cast %add3A_417 : i32 to index
          %get3A_419 = tpu.vector_load %arg6[%get3A_418] {strides = array<i32>} : memref<12816xi32, #tpu.memory_space<vmem>>, vector<16xi32>,
          %get3A_420 = vector.shape_cast %get3A_419 : vector<16xi32> to vector<16xi32>
          %slice3A_421 = vector.extract_strided_slice %get3A_420 {offsets = [0], sizes = [1], strides = [1]} : vector<16xi32> to vector<1xi32>
          %squeeze3A_422 = vector.extract %slice3A_421[0] : i32 from vector<1xi32>
          %mul3A_423 = arith.constant 16 : i32
          %mul3A_424 = arith.muli %add3A_412, %mul3A_423 : i32
          %add3A_425 = arith.constant 0 : i32
          %add3A_426 = arith.addi %mul3A_424, %add3A_425 : i32
          %dma_start3A_427 = arith.constant 1 : i32
          %dma_start3A_428 = arith.constant 0 : i32
          %dma_start3A_429 = tpu.memref_slice %arg8[%dma_start3A_427, %add3A_426, %dma_start3A_428] : memref<2x200x64xf32, #tpu.memory_space<vmem>> -> memref<1x1x64xf32, #tpu.memory_space<vmem>>
          %dma_start3A_430 = tpu.memref_squeeze %dma_start3A_429 : memref<1x1x64xf32, #tpu.memory_space<vmem>> -> memref<1x64xf32, #tpu.memory_space<vmem>>
          %dma_start3A_431 = arith.constant 0 : i32
          %dma_start3A_432 = tpu.memref_slice %arg2[%squeeze3A_422, %dma_start3A_431] : memref<1000000x64xf32, #tpu.memory_space<hbm>> -> memref<1x64xf32, #tpu.memory_space<hbm>>
          %dma_start3A_433 = arith.constant 0 : i32
          %dma_start3A_434 = tpu.memref_slice %arg8[%dma_start3A_427, %add3A_426, %dma_start3A_433] : memref<2x200x64xf32, #tpu.memory_space<vmem>> -> memref<1x1x64xf32, #tpu.memory_space<vmem>>
          %dma_start3A_435 = tpu.memref_squeeze %dma_start3A_434 : memref<1x1x64xf32, #tpu.memory_space<vmem>> -> memref<1x64xf32, #tpu.memory_space<vmem>>
          %dma_start3A_436 = arith.constant 0 : i32
          %dma_start3A_437 = tpu.memref_slice %arg2[%squeeze3A_422, %dma_start3A_436] : memref<1000000x64xf32, #tpu.memory_space<hbm>> -> memref<1x64xf32, #tpu.memory_space<hbm>>
          tpu.enqueue_dma source(%dma_start3A_437 : memref<1x64xf32, #tpu.memory_space<hbm>>) target(%dma_start3A_435 : memref<1x64xf32, #tpu.memory_space<vmem>>) target_semaphore(%arg10 : memref<!tpu.dma_semaphore, #tpu.memory_space<semaphore_mem>>)
          %slice3A_438 = vector.extract_strided_slice %get3A_420 {offsets = [1], sizes = [1], strides = [1]} : vector<16xi32> to vector<1xi32>
          %squeeze3A_439 = vector.extract %slice3A_438[0] : i32 from vector<1xi32>
          %mul3A_440 = arith.constant 16 : i32
          %mul3A_441 = arith.muli %add3A_412, %mul3A_440 : i32
          %add3A_442 = arith.constant 1 : i32
          %add3A_443 = arith.addi %mul3A_441, %add3A_442 : i32
          %dma_start3A_444 = arith.constant 1 : i32
          %dma_start3A_445 = arith.constant 0 : i32
          %dma_start3A_446 = tpu.memref_slice %arg8[%dma_start3A_444, %add3A_443, %dma_start3A_445] : memref<2x200x64xf32, #tpu.memory_space<vmem>> -> memref<1x1x64xf32, #tpu.memory_space<vmem>>
          %dma_start3A_447 = tpu.memref_squeeze %dma_start3A_446 : memref<1x1x64xf32, #tpu.memory_space<vmem>> -> memref<1x64xf32, #tpu.memory_space<vmem>>
          %dma_start3A_448 = arith.constant 0 : i32
          %dma_start3A_449 = tpu.memref_slice %arg2[%squeeze3A_439, %dma_start3A_448] : memref<1000000x64xf32, #tpu.memory_space<hbm>> -> memref<1x64xf32, #tpu.memory_space<hbm>>
          %dma_start3A_450 = arith.constant 0 : i32
          %dma_start3A_451 = tpu.memref_slice %arg8[%dma_start3A_444, %add3A_443, %dma_start3A_450] : memref<2x200x64xf32, #tpu.memory_space<vmem>> -> memref<1x1x64xf32, #tpu.memory_space<vmem>>
          %dma_start3A_452 = tpu.memref_squeeze %dma_start3A_451 : memref<1x1x64xf32, #tpu.memory_space<vmem>> -> memref<1x64xf32, #tpu.memory_space<vmem>>
          %dma_start3A_453 = arith.constant 0 : i32
          %dma_start3A_454 = tpu.memref_slice %arg2[%squeeze3A_439, %dma_start3A_453] : memref<1000000x64xf32, #tpu.memory_space<hbm>> -> memref<1x64xf32, #tpu.memory_space<hbm>>
          tpu.enqueue_dma source(%dma_start3A_454 : memref<1x64xf32, #tpu.memory_space<hbm>>) target(%dma_start3A_452 : memref<1x64xf32, #tpu.memory_space<vmem>>) target_semaphore(%arg10 : memref<!tpu.dma_semaphore, #tpu.memory_space<semaphore_mem>>)
          %slice3A_455 = vector.extract_strided_slice %get3A_420 {offsets = [2], sizes = [1], strides = [1]} : vector<16xi32> to vector<1xi32>
          %squeeze3A_456 = vector.extract %slice3A_455[0] : i32 from vector<1xi32>
          %mul3A_457 = arith.constant 16 : i32
          %mul3A_458 = arith.muli %add3A_412, %mul3A_457 : i32
          %add3A_459 = arith.constant 2 : i32
          %add3A_460 = arith.addi %mul3A_458, %add3A_459 : i32
          %dma_start3A_461 = arith.constant 1 : i32
          %dma_start3A_462 = arith.constant 0 : i32
          %dma_start3A_463 = tpu.memref_slice %arg8[%dma_start3A_461, %add3A_460, %dma_start3A_462] : memref<2x200x64xf32, #tpu.memory_space<vmem>> -> memref<1x1x64xf32, #tpu.memory_space<vmem>>
          %dma_start3A_464 = tpu.memref_squeeze %dma_start3A_463 : memref<1x1x64xf32, #tpu.memory_space<vmem>> -> memref<1x64xf32, #tpu.memory_space<vmem>>
          %dma_start3A_465 = arith.constant 0 : i32
          %dma_start3A_466 = tpu.memref_slice %arg2[%squeeze3A_456, %dma_start3A_465] : memref<1000000x64xf32, #tpu.memory_space<hbm>> -> memref<1x64xf32, #tpu.memory_space<hbm>>
          %dma_start3A_467 = arith.constant 0 : i32
          %dma_start3A_468 = tpu.memref_slice %arg8[%dma_start3A_461, %add3A_460, %dma_start3A_467] : memref<2x200x64xf32, #tpu.memory_space<vmem>> -> memref<1x1x64xf32, #tpu.memory_space<vmem>>
          %dma_start3A_469 = tpu.memref_squeeze %dma_start3A_468 : memref<1x1x64xf32, #tpu.memory_space<vmem>> -> memref<1x64xf32, #tpu.memory_space<vmem>>
          %dma_start3A_470 = arith.constant 0 : i32
          %dma_start3A_471 = tpu.memref_slice %arg2[%squeeze3A_456, %dma_start3A_470] : memref<1000000x64xf32, #tpu.memory_space<hbm>> -> memref<1x64xf32, #tpu.memory_space<hbm>>
          tpu.enqueue_dma source(%dma_start3A_471 : memref<1x64xf32, #tpu.memory_space<hbm>>) target(%dma_start3A_469 : memref<1x64xf32, #tpu.memory_space<vmem>>) target_semaphore(%arg10 : memref<!tpu.dma_semaphore, #tpu.memory_space<semaphore_mem>>)
          %slice3A_472 = vector.extract_strided_slice %get3A_420 {offsets = [3], sizes = [1], strides = [1]} : vector<16xi32> to vector<1xi32>
          %squeeze3A_473 = vector.extract %slice3A_472[0] : i32 from vector<1xi32>
          %mul3A_474 = arith.constant 16 : i32
          %mul3A_475 = arith.muli %add3A_412, %mul3A_474 : i32
          %add3A_476 = arith.constant 3 : i32
          %add3A_477 = arith.addi %mul3A_475, %add3A_476 : i32
          %dma_start3A_478 = arith.constant 1 : i32
          %dma_start3A_479 = arith.constant 0 : i32
          %dma_start3A_480 = tpu.memref_slice %arg8[%dma_start3A_478, %add3A_477, %dma_start3A_479] : memref<2x200x64xf32, #tpu.memory_space<vmem>> -> memref<1x1x64xf32, #tpu.memory_space<vmem>>
          %dma_start3A_481 = tpu.memref_squeeze %dma_start3A_480 : memref<1x1x64xf32, #tpu.memory_space<vmem>> -> memref<1x64xf32, #tpu.memory_space<vmem>>
          %dma_start3A_482 = arith.constant 0 : i32
          %dma_start3A_483 = tpu.memref_slice %arg2[%squeeze3A_473, %dma_start3A_482] : memref<1000000x64xf32, #tpu.memory_space<hbm>> -> memref<1x64xf32, #tpu.memory_space<hbm>>
          %dma_start3A_484 = arith.constant 0 : i32
          %dma_start3A_485 = tpu.memref_slice %arg8[%dma_start3A_478, %add3A_477, %dma_start3A_484] : memref<2x200x64xf32, #tpu.memory_space<vmem>> -> memref<1x1x64xf32, #tpu.memory_space<vmem>>
          %dma_start3A_486 = tpu.memref_squeeze %dma_start3A_485 : memref<1x1x64xf32, #tpu.memory_space<vmem>> -> memref<1x64xf32, #tpu.memory_space<vmem>>
          %dma_start3A_487 = arith.constant 0 : i32
          %dma_start3A_488 = tpu.memref_slice %arg2[%squeeze3A_473, %dma_start3A_487] : memref<1000000x64xf32, #tpu.memory_space<hbm>> -> memref<1x64xf32, #tpu.memory_space<hbm>>
          tpu.enqueue_dma source(%dma_start3A_488 : memref<1x64xf32, #tpu.memory_space<hbm>>) target(%dma_start3A_486 : memref<1x64xf32, #tpu.memory_space<vmem>>) target_semaphore(%arg10 : memref<!tpu.dma_semaphore, #tpu.memory_space<semaphore_mem>>)
          %slice3A_489 = vector.extract_strided_slice %get3A_420 {offsets = [4], sizes = [1], strides = [1]} : vector<16xi32> to vector<1xi32>
          %squeeze3A_490 = vector.extract %slice3A_489[0] : i32 from vector<1xi32>
          %mul3A_491 = arith.constant 16 : i32
          %mul3A_492 = arith.muli %add3A_412, %mul3A_491 : i32
          %add3A_493 = arith.constant 4 : i32
          %add3A_494 = arith.addi %mul3A_492, %add3A_493 : i32
          %dma_start3A_495 = arith.constant 1 : i32
          %dma_start3A_496 = arith.constant 0 : i32
          %dma_start3A_497 = tpu.memref_slice %arg8[%dma_start3A_495, %add3A_494, %dma_start3A_496] : memref<2x200x64xf32, #tpu.memory_space<vmem>> -> memref<1x1x64xf32, #tpu.memory_space<vmem>>
          %dma_start3A_498 = tpu.memref_squeeze %dma_start3A_497 : memref<1x1x64xf32, #tpu.memory_space<vmem>> -> memref<1x64xf32, #tpu.memory_space<vmem>>
          %dma_start3A_499 = arith.constant 0 : i32
          %dma_start3A_500 = tpu.memref_slice %arg2[%squeeze3A_490, %dma_start3A_499] : memref<1000000x64xf32, #tpu.memory_space<hbm>> -> memref<1x64xf32, #tpu.memory_space<hbm>>
          %dma_start3A_501 = arith.constant 0 : i32
          %dma_start3A_502 = tpu.memref_slice %arg8[%dma_start3A_495, %add3A_494, %dma_start3A_501] : memref<2x200x64xf32, #tpu.memory_space<vmem>> -> memref<1x1x64xf32, #tpu.memory_space<vmem>>
          %dma_start3A_503 = tpu.memref_squeeze %dma_start3A_502 : memref<1x1x64xf32, #tpu.memory_space<vmem>> -> memref<1x64xf32, #tpu.memory_space<vmem>>
          %dma_start3A_504 = arith.constant 0 : i32
          %dma_start3A_505 = tpu.memref_slice %arg2[%squeeze3A_490, %dma_start3A_504] : memref<1000000x64xf32, #tpu.memory_space<hbm>> -> memref<1x64xf32, #tpu.memory_space<hbm>>
          tpu.enqueue_dma source(%dma_start3A_505 : memref<1x64xf32, #tpu.memory_space<hbm>>) target(%dma_start3A_503 : memref<1x64xf32, #tpu.memory_space<vmem>>) target_semaphore(%arg10 : memref<!tpu.dma_semaphore, #tpu.memory_space<semaphore_mem>>)
          %slice3A_506 = vector.extract_strided_slice %get3A_420 {offsets = [5], sizes = [1], strides = [1]} : vector<16xi32> to vector<1xi32>
          %squeeze3A_507 = vector.extract %slice3A_506[0] : i32 from vector<1xi32>
          %mul3A_508 = arith.constant 16 : i32
          %mul3A_509 = arith.muli %add3A_412, %mul3A_508 : i32
          %add3A_510 = arith.constant 5 : i32
          %add3A_511 = arith.addi %mul3A_509, %add3A_510 : i32
          %dma_start3A_512 = arith.constant 1 : i32
          %dma_start3A_513 = arith.constant 0 : i32
          %dma_start3A_514 = tpu.memref_slice %arg8[%dma_start3A_512, %add3A_511, %dma_start3A_513] : memref<2x200x64xf32, #tpu.memory_space<vmem>> -> memref<1x1x64xf32, #tpu.memory_space<vmem>>
          %dma_start3A_515 = tpu.memref_squeeze %dma_start3A_514 : memref<1x1x64xf32, #tpu.memory_space<vmem>> -> memref<1x64xf32, #tpu.memory_space<vmem>>
          %dma_start3A_516 = arith.constant 0 : i32
          %dma_start3A_517 = tpu.memref_slice %arg2[%squeeze3A_507, %dma_start3A_516] : memref<1000000x64xf32, #tpu.memory_space<hbm>> -> memref<1x64xf32, #tpu.memory_space<hbm>>
          %dma_start3A_518 = arith.constant 0 : i32
          %dma_start3A_519 = tpu.memref_slice %arg8[%dma_start3A_512, %add3A_511, %dma_start3A_518] : memref<2x200x64xf32, #tpu.memory_space<vmem>> -> memref<1x1x64xf32, #tpu.memory_space<vmem>>
          %dma_start3A_520 = tpu.memref_squeeze %dma_start3A_519 : memref<1x1x64xf32, #tpu.memory_space<vmem>> -> memref<1x64xf32, #tpu.memory_space<vmem>>
          %dma_start3A_521 = arith.constant 0 : i32
          %dma_start3A_522 = tpu.memref_slice %arg2[%squeeze3A_507, %dma_start3A_521] : memref<1000000x64xf32, #tpu.memory_space<hbm>> -> memref<1x64xf32, #tpu.memory_space<hbm>>
          tpu.enqueue_dma source(%dma_start3A_522 : memref<1x64xf32, #tpu.memory_space<hbm>>) target(%dma_start3A_520 : memref<1x64xf32, #tpu.memory_space<vmem>>) target_semaphore(%arg10 : memref<!tpu.dma_semaphore, #tpu.memory_space<semaphore_mem>>)
          %slice3A_523 = vector.extract_strided_slice %get3A_420 {offsets = [6], sizes = [1], strides = [1]} : vector<16xi32> to vector<1xi32>
          %squeeze3A_524 = vector.extract %slice3A_523[0] : i32 from vector<1xi32>
          %mul3A_525 = arith.constant 16 : i32
          %mul3A_526 = arith.muli %add3A_412, %mul3A_525 : i32
          %add3A_527 = arith.constant 6 : i32
          %add3A_528 = arith.addi %mul3A_526, %add3A_527 : i32
          %dma_start3A_529 = arith.constant 1 : i32
          %dma_start3A_530 = arith.constant 0 : i32
          %dma_start3A_531 = tpu.memref_slice %arg8[%dma_start3A_529, %add3A_528, %dma_start3A_530] : memref<2x200x64xf32, #tpu.memory_space<vmem>> -> memref<1x1x64xf32, #tpu.memory_space<vmem>>
          %dma_start3A_532 = tpu.memref_squeeze %dma_start3A_531 : memref<1x1x64xf32, #tpu.memory_space<vmem>> -> memref<1x64xf32, #tpu.memory_space<vmem>>
          %dma_start3A_533 = arith.constant 0 : i32
          %dma_start3A_534 = tpu.memref_slice %arg2[%squeeze3A_524, %dma_start3A_533] : memref<1000000x64xf32, #tpu.memory_space<hbm>> -> memref<1x64xf32, #tpu.memory_space<hbm>>
          %dma_start3A_535 = arith.constant 0 : i32
          %dma_start3A_536 = tpu.memref_slice %arg8[%dma_start3A_529, %add3A_528, %dma_start3A_535] : memref<2x200x64xf32, #tpu.memory_space<vmem>> -> memref<1x1x64xf32, #tpu.memory_space<vmem>>
          %dma_start3A_537 = tpu.memref_squeeze %dma_start3A_536 : memref<1x1x64xf32, #tpu.memory_space<vmem>> -> memref<1x64xf32, #tpu.memory_space<vmem>>
          %dma_start3A_538 = arith.constant 0 : i32
          %dma_start3A_539 = tpu.memref_slice %arg2[%squeeze3A_524, %dma_start3A_538] : memref<1000000x64xf32, #tpu.memory_space<hbm>> -> memref<1x64xf32, #tpu.memory_space<hbm>>
          tpu.enqueue_dma source(%dma_start3A_539 : memref<1x64xf32, #tpu.memory_space<hbm>>) target(%dma_start3A_537 : memref<1x64xf32, #tpu.memory_space<vmem>>) target_semaphore(%arg10 : memref<!tpu.dma_semaphore, #tpu.memory_space<semaphore_mem>>)
          %slice3A_540 = vector.extract_strided_slice %get3A_420 {offsets = [7], sizes = [1], strides = [1]} : vector<16xi32> to vector<1xi32>
          %squeeze3A_541 = vector.extract %slice3A_540[0] : i32 from vector<1xi32>
          %mul3A_542 = arith.constant 16 : i32
          %mul3A_543 = arith.muli %add3A_412, %mul3A_542 : i32
          %add3A_544 = arith.constant 7 : i32
          %add3A_545 = arith.addi %mul3A_543, %add3A_544 : i32
          %dma_start3A_546 = arith.constant 1 : i32
          %dma_start3A_547 = arith.constant 0 : i32
          %dma_start3A_548 = tpu.memref_slice %arg8[%dma_start3A_546, %add3A_545, %dma_start3A_547] : memref<2x200x64xf32, #tpu.memory_space<vmem>> -> memref<1x1x64xf32, #tpu.memory_space<vmem>>
          %dma_start3A_549 = tpu.memref_squeeze %dma_start3A_548 : memref<1x1x64xf32, #tpu.memory_space<vmem>> -> memref<1x64xf32, #tpu.memory_space<vmem>>
          %dma_start3A_550 = arith.constant 0 : i32
          %dma_start3A_551 = tpu.memref_slice %arg2[%squeeze3A_541, %dma_start3A_550] : memref<1000000x64xf32, #tpu.memory_space<hbm>> -> memref<1x64xf32, #tpu.memory_space<hbm>>
          %dma_start3A_552 = arith.constant 0 : i32
          %dma_start3A_553 = tpu.memref_slice %arg8[%dma_start3A_546, %add3A_545, %dma_start3A_552] : memref<2x200x64xf32, #tpu.memory_space<vmem>> -> memref<1x1x64xf32, #tpu.memory_space<vmem>>
          %dma_start3A_554 = tpu.memref_squeeze %dma_start3A_553 : memref<1x1x64xf32, #tpu.memory_space<vmem>> -> memref<1x64xf32, #tpu.memory_space<vmem>>
          %dma_start3A_555 = arith.constant 0 : i32
          %dma_start3A_556 = tpu.memref_slice %arg2[%squeeze3A_541, %dma_start3A_555] : memref<1000000x64xf32, #tpu.memory_space<hbm>> -> memref<1x64xf32, #tpu.memory_space<hbm>>
          tpu.enqueue_dma source(%dma_start3A_556 : memref<1x64xf32, #tpu.memory_space<hbm>>) target(%dma_start3A_554 : memref<1x64xf32, #tpu.memory_space<vmem>>) target_semaphore(%arg10 : memref<!tpu.dma_semaphore, #tpu.memory_space<semaphore_mem>>)
          %slice3A_557 = vector.extract_strided_slice %get3A_420 {offsets = [8], sizes = [1], strides = [1]} : vector<16xi32> to vector<1xi32>
          %squeeze3A_558 = vector.extract %slice3A_557[0] : i32 from vector<1xi32>
          %mul3A_559 = arith.constant 16 : i32
          %mul3A_560 = arith.muli %add3A_412, %mul3A_559 : i32
          %add3A_561 = arith.constant 8 : i32
          %add3A_562 = arith.addi %mul3A_560, %add3A_561 : i32
          %dma_start3A_563 = arith.constant 1 : i32
          %dma_start3A_564 = arith.constant 0 : i32
          %dma_start3A_565 = tpu.memref_slice %arg8[%dma_start3A_563, %add3A_562, %dma_start3A_564] : memref<2x200x64xf32, #tpu.memory_space<vmem>> -> memref<1x1x64xf32, #tpu.memory_space<vmem>>
          %dma_start3A_566 = tpu.memref_squeeze %dma_start3A_565 : memref<1x1x64xf32, #tpu.memory_space<vmem>> -> memref<1x64xf32, #tpu.memory_space<vmem>>
          %dma_start3A_567 = arith.constant 0 : i32
          %dma_start3A_568 = tpu.memref_slice %arg2[%squeeze3A_558, %dma_start3A_567] : memref<1000000x64xf32, #tpu.memory_space<hbm>> -> memref<1x64xf32, #tpu.memory_space<hbm>>
          %dma_start3A_569 = arith.constant 0 : i32
          %dma_start3A_570 = tpu.memref_slice %arg8[%dma_start3A_563, %add3A_562, %dma_start3A_569] : memref<2x200x64xf32, #tpu.memory_space<vmem>> -> memref<1x1x64xf32, #tpu.memory_space<vmem>>
          %dma_start3A_571 = tpu.memref_squeeze %dma_start3A_570 : memref<1x1x64xf32, #tpu.memory_space<vmem>> -> memref<1x64xf32, #tpu.memory_space<vmem>>
          %dma_start3A_572 = arith.constant 0 : i32
          %dma_start3A_573 = tpu.memref_slice %arg2[%squeeze3A_558, %dma_start3A_572] : memref<1000000x64xf32, #tpu.memory_space<hbm>> -> memref<1x64xf32, #tpu.memory_space<hbm>>
          tpu.enqueue_dma source(%dma_start3A_573 : memref<1x64xf32, #tpu.memory_space<hbm>>) target(%dma_start3A_571 : memref<1x64xf32, #tpu.memory_space<vmem>>) target_semaphore(%arg10 : memref<!tpu.dma_semaphore, #tpu.memory_space<semaphore_mem>>)
          %slice3A_574 = vector.extract_strided_slice %get3A_420 {offsets = [9], sizes = [1], strides = [1]} : vector<16xi32> to vector<1xi32>
          %squeeze3A_575 = vector.extract %slice3A_574[0] : i32 from vector<1xi32>
          %mul3A_576 = arith.constant 16 : i32
          %mul3A_577 = arith.muli %add3A_412, %mul3A_576 : i32
          %add3A_578 = arith.constant 9 : i32
          %add3A_579 = arith.addi %mul3A_577, %add3A_578 : i32
          %dma_start3A_580 = arith.constant 1 : i32
          %dma_start3A_581 = arith.constant 0 : i32
          %dma_start3A_582 = tpu.memref_slice %arg8[%dma_start3A_580, %add3A_579, %dma_start3A_581] : memref<2x200x64xf32, #tpu.memory_space<vmem>> -> memref<1x1x64xf32, #tpu.memory_space<vmem>>
          %dma_start3A_583 = tpu.memref_squeeze %dma_start3A_582 : memref<1x1x64xf32, #tpu.memory_space<vmem>> -> memref<1x64xf32, #tpu.memory_space<vmem>>
          %dma_start3A_584 = arith.constant 0 : i32
          %dma_start3A_585 = tpu.memref_slice %arg2[%squeeze3A_575, %dma_start3A_584] : memref<1000000x64xf32, #tpu.memory_space<hbm>> -> memref<1x64xf32, #tpu.memory_space<hbm>>
          %dma_start3A_586 = arith.constant 0 : i32
          %dma_start3A_587 = tpu.memref_slice %arg8[%dma_start3A_580, %add3A_579, %dma_start3A_586] : memref<2x200x64xf32, #tpu.memory_space<vmem>> -> memref<1x1x64xf32, #tpu.memory_space<vmem>>
          %dma_start3A_588 = tpu.memref_squeeze %dma_start3A_587 : memref<1x1x64xf32, #tpu.memory_space<vmem>> -> memref<1x64xf32, #tpu.memory_space<vmem>>
          %dma_start3A_589 = arith.constant 0 : i32
          %dma_start3A_590 = tpu.memref_slice %arg2[%squeeze3A_575, %dma_start3A_589] : memref<1000000x64xf32, #tpu.memory_space<hbm>> -> memref<1x64xf32, #tpu.memory_space<hbm>>
          tpu.enqueue_dma source(%dma_start3A_590 : memref<1x64xf32, #tpu.memory_space<hbm>>) target(%dma_start3A_588 : memref<1x64xf32, #tpu.memory_space<vmem>>) target_semaphore(%arg10 : memref<!tpu.dma_semaphore, #tpu.memory_space<semaphore_mem>>)
          %slice3A_591 = vector.extract_strided_slice %get3A_420 {offsets = [10], sizes = [1], strides = [1]} : vector<16xi32> to vector<1xi32>
          %squeeze3A_592 = vector.extract %slice3A_591[0] : i32 from vector<1xi32>
          %mul3A_593 = arith.constant 16 : i32
          %mul3A_594 = arith.muli %add3A_412, %mul3A_593 : i32
          %add3A_595 = arith.constant 10 : i32
          %add3A_596 = arith.addi %mul3A_594, %add3A_595 : i32
          %dma_start3A_597 = arith.constant 1 : i32
          %dma_start3A_598 = arith.constant 0 : i32
          %dma_start3A_599 = tpu.memref_slice %arg8[%dma_start3A_597, %add3A_596, %dma_start3A_598] : memref<2x200x64xf32, #tpu.memory_space<vmem>> -> memref<1x1x64xf32, #tpu.memory_space<vmem>>
          %dma_start3A_600 = tpu.memref_squeeze %dma_start3A_599 : memref<1x1x64xf32, #tpu.memory_space<vmem>> -> memref<1x64xf32, #tpu.memory_space<vmem>>
          %dma_start3A_601 = arith.constant 0 : i32
          %dma_start3A_602 = tpu.memref_slice %arg2[%squeeze3A_592, %dma_start3A_601] : memref<1000000x64xf32, #tpu.memory_space<hbm>> -> memref<1x64xf32, #tpu.memory_space<hbm>>
          %dma_start3A_603 = arith.constant 0 : i32
          %dma_start3A_604 = tpu.memref_slice %arg8[%dma_start3A_597, %add3A_596, %dma_start3A_603] : memref<2x200x64xf32, #tpu.memory_space<vmem>> -> memref<1x1x64xf32, #tpu.memory_space<vmem>>
          %dma_start3A_605 = tpu.memref_squeeze %dma_start3A_604 : memref<1x1x64xf32, #tpu.memory_space<vmem>> -> memref<1x64xf32, #tpu.memory_space<vmem>>
          %dma_start3A_606 = arith.constant 0 : i32
          %dma_start3A_607 = tpu.memref_slice %arg2[%squeeze3A_592, %dma_start3A_606] : memref<1000000x64xf32, #tpu.memory_space<hbm>> -> memref<1x64xf32, #tpu.memory_space<hbm>>
          tpu.enqueue_dma source(%dma_start3A_607 : memref<1x64xf32, #tpu.memory_space<hbm>>) target(%dma_start3A_605 : memref<1x64xf32, #tpu.memory_space<vmem>>) target_semaphore(%arg10 : memref<!tpu.dma_semaphore, #tpu.memory_space<semaphore_mem>>)
          %slice3A_608 = vector.extract_strided_slice %get3A_420 {offsets = [11], sizes = [1], strides = [1]} : vector<16xi32> to vector<1xi32>
          %squeeze3A_609 = vector.extract %slice3A_608[0] : i32 from vector<1xi32>
          %mul3A_610 = arith.constant 16 : i32
          %mul3A_611 = arith.muli %add3A_412, %mul3A_610 : i32
          %add3A_612 = arith.constant 11 : i32
          %add3A_613 = arith.addi %mul3A_611, %add3A_612 : i32
          %dma_start3A_614 = arith.constant 1 : i32
          %dma_start3A_615 = arith.constant 0 : i32
          %dma_start3A_616 = tpu.memref_slice %arg8[%dma_start3A_614, %add3A_613, %dma_start3A_615] : memref<2x200x64xf32, #tpu.memory_space<vmem>> -> memref<1x1x64xf32, #tpu.memory_space<vmem>>
          %dma_start3A_617 = tpu.memref_squeeze %dma_start3A_616 : memref<1x1x64xf32, #tpu.memory_space<vmem>> -> memref<1x64xf32, #tpu.memory_space<vmem>>
          %dma_start3A_618 = arith.constant 0 : i32
          %dma_start3A_619 = tpu.memref_slice %arg2[%squeeze3A_609, %dma_start3A_618] : memref<1000000x64xf32, #tpu.memory_space<hbm>> -> memref<1x64xf32, #tpu.memory_space<hbm>>
          %dma_start3A_620 = arith.constant 0 : i32
          %dma_start3A_621 = tpu.memref_slice %arg8[%dma_start3A_614, %add3A_613, %dma_start3A_620] : memref<2x200x64xf32, #tpu.memory_space<vmem>> -> memref<1x1x64xf32, #tpu.memory_space<vmem>>
          %dma_start3A_622 = tpu.memref_squeeze %dma_start3A_621 : memref<1x1x64xf32, #tpu.memory_space<vmem>> -> memref<1x64xf32, #tpu.memory_space<vmem>>
          %dma_start3A_623 = arith.constant 0 : i32
          %dma_start3A_624 = tpu.memref_slice %arg2[%squeeze3A_609, %dma_start3A_623] : memref<1000000x64xf32, #tpu.memory_space<hbm>> -> memref<1x64xf32, #tpu.memory_space<hbm>>
          tpu.enqueue_dma source(%dma_start3A_624 : memref<1x64xf32, #tpu.memory_space<hbm>>) target(%dma_start3A_622 : memref<1x64xf32, #tpu.memory_space<vmem>>) target_semaphore(%arg10 : memref<!tpu.dma_semaphore, #tpu.memory_space<semaphore_mem>>)
          %slice3A_625 = vector.extract_strided_slice %get3A_420 {offsets = [12], sizes = [1], strides = [1]} : vector<16xi32> to vector<1xi32>
          %squeeze3A_626 = vector.extract %slice3A_625[0] : i32 from vector<1xi32>
          %mul3A_627 = arith.constant 16 : i32
          %mul3A_628 = arith.muli %add3A_412, %mul3A_627 : i32
          %add3A_629 = arith.constant 12 : i32
          %add3A_630 = arith.addi %mul3A_628, %add3A_629 : i32
          %dma_start3A_631 = arith.constant 1 : i32
          %dma_start3A_632 = arith.constant 0 : i32
          %dma_start3A_633 = tpu.memref_slice %arg8[%dma_start3A_631, %add3A_630, %dma_start3A_632] : memref<2x200x64xf32, #tpu.memory_space<vmem>> -> memref<1x1x64xf32, #tpu.memory_space<vmem>>
          %dma_start3A_634 = tpu.memref_squeeze %dma_start3A_633 : memref<1x1x64xf32, #tpu.memory_space<vmem>> -> memref<1x64xf32, #tpu.memory_space<vmem>>
          %dma_start3A_635 = arith.constant 0 : i32
          %dma_start3A_636 = tpu.memref_slice %arg2[%squeeze3A_626, %dma_start3A_635] : memref<1000000x64xf32, #tpu.memory_space<hbm>> -> memref<1x64xf32, #tpu.memory_space<hbm>>
          %dma_start3A_637 = arith.constant 0 : i32
          %dma_start3A_638 = tpu.memref_slice %arg8[%dma_start3A_631, %add3A_630, %dma_start3A_637] : memref<2x200x64xf32, #tpu.memory_space<vmem>> -> memref<1x1x64xf32, #tpu.memory_space<vmem>>
          %dma_start3A_639 = tpu.memref_squeeze %dma_start3A_638 : memref<1x1x64xf32, #tpu.memory_space<vmem>> -> memref<1x64xf32, #tpu.memory_space<vmem>>
          %dma_start3A_640 = arith.constant 0 : i32
          %dma_start3A_641 = tpu.memref_slice %arg2[%squeeze3A_626, %dma_start3A_640] : memref<1000000x64xf32, #tpu.memory_space<hbm>> -> memref<1x64xf32, #tpu.memory_space<hbm>>
          tpu.enqueue_dma source(%dma_start3A_641 : memref<1x64xf32, #tpu.memory_space<hbm>>) target(%dma_start3A_639 : memref<1x64xf32, #tpu.memory_space<vmem>>) target_semaphore(%arg10 : memref<!tpu.dma_semaphore, #tpu.memory_space<semaphore_mem>>)
          %slice3A_642 = vector.extract_strided_slice %get3A_420 {offsets = [13], sizes = [1], strides = [1]} : vector<16xi32> to vector<1xi32>
          %squeeze3A_643 = vector.extract %slice3A_642[0] : i32 from vector<1xi32>
          %mul3A_644 = arith.constant 16 : i32
          %mul3A_645 = arith.muli %add3A_412, %mul3A_644 : i32
          %add3A_646 = arith.constant 13 : i32
          %add3A_647 = arith.addi %mul3A_645, %add3A_646 : i32
          %dma_start3A_648 = arith.constant 1 : i32
          %dma_start3A_649 = arith.constant 0 : i32
          %dma_start3A_650 = tpu.memref_slice %arg8[%dma_start3A_648, %add3A_647, %dma_start3A_649] : memref<2x200x64xf32, #tpu.memory_space<vmem>> -> memref<1x1x64xf32, #tpu.memory_space<vmem>>
          %dma_start3A_651 = tpu.memref_squeeze %dma_start3A_650 : memref<1x1x64xf32, #tpu.memory_space<vmem>> -> memref<1x64xf32, #tpu.memory_space<vmem>>
          %dma_start3A_652 = arith.constant 0 : i32
          %dma_start3A_653 = tpu.memref_slice %arg2[%squeeze3A_643, %dma_start3A_652] : memref<1000000x64xf32, #tpu.memory_space<hbm>> -> memref<1x64xf32, #tpu.memory_space<hbm>>
          %dma_start3A_654 = arith.constant 0 : i32
          %dma_start3A_655 = tpu.memref_slice %arg8[%dma_start3A_648, %add3A_647, %dma_start3A_654] : memref<2x200x64xf32, #tpu.memory_space<vmem>> -> memref<1x1x64xf32, #tpu.memory_space<vmem>>
          %dma_start3A_656 = tpu.memref_squeeze %dma_start3A_655 : memref<1x1x64xf32, #tpu.memory_space<vmem>> -> memref<1x64xf32, #tpu.memory_space<vmem>>
          %dma_start3A_657 = arith.constant 0 : i32
          %dma_start3A_658 = tpu.memref_slice %arg2[%squeeze3A_643, %dma_start3A_657] : memref<1000000x64xf32, #tpu.memory_space<hbm>> -> memref<1x64xf32, #tpu.memory_space<hbm>>
          tpu.enqueue_dma source(%dma_start3A_658 : memref<1x64xf32, #tpu.memory_space<hbm>>) target(%dma_start3A_656 : memref<1x64xf32, #tpu.memory_space<vmem>>) target_semaphore(%arg10 : memref<!tpu.dma_semaphore, #tpu.memory_space<semaphore_mem>>)
          %slice3A_659 = vector.extract_strided_slice %get3A_420 {offsets = [14], sizes = [1], strides = [1]} : vector<16xi32> to vector<1xi32>
          %squeeze3A_660 = vector.extract %slice3A_659[0] : i32 from vector<1xi32>
          %mul3A_661 = arith.constant 16 : i32
          %mul3A_662 = arith.muli %add3A_412, %mul3A_661 : i32
          %add3A_663 = arith.constant 14 : i32
          %add3A_664 = arith.addi %mul3A_662, %add3A_663 : i32
          %dma_start3A_665 = arith.constant 1 : i32
          %dma_start3A_666 = arith.constant 0 : i32
          %dma_start3A_667 = tpu.memref_slice %arg8[%dma_start3A_665, %add3A_664, %dma_start3A_666] : memref<2x200x64xf32, #tpu.memory_space<vmem>> -> memref<1x1x64xf32, #tpu.memory_space<vmem>>
          %dma_start3A_668 = tpu.memref_squeeze %dma_start3A_667 : memref<1x1x64xf32, #tpu.memory_space<vmem>> -> memref<1x64xf32, #tpu.memory_space<vmem>>
          %dma_start3A_669 = arith.constant 0 : i32
          %dma_start3A_670 = tpu.memref_slice %arg2[%squeeze3A_660, %dma_start3A_669] : memref<1000000x64xf32, #tpu.memory_space<hbm>> -> memref<1x64xf32, #tpu.memory_space<hbm>>
          %dma_start3A_671 = arith.constant 0 : i32
          %dma_start3A_672 = tpu.memref_slice %arg8[%dma_start3A_665, %add3A_664, %dma_start3A_671] : memref<2x200x64xf32, #tpu.memory_space<vmem>> -> memref<1x1x64xf32, #tpu.memory_space<vmem>>
          %dma_start3A_673 = tpu.memref_squeeze %dma_start3A_672 : memref<1x1x64xf32, #tpu.memory_space<vmem>> -> memref<1x64xf32, #tpu.memory_space<vmem>>
          %dma_start3A_674 = arith.constant 0 : i32
          %dma_start3A_675 = tpu.memref_slice %arg2[%squeeze3A_660, %dma_start3A_674] : memref<1000000x64xf32, #tpu.memory_space<hbm>> -> memref<1x64xf32, #tpu.memory_space<hbm>>
          tpu.enqueue_dma source(%dma_start3A_675 : memref<1x64xf32, #tpu.memory_space<hbm>>) target(%dma_start3A_673 : memref<1x64xf32, #tpu.memory_space<vmem>>) target_semaphore(%arg10 : memref<!tpu.dma_semaphore, #tpu.memory_space<semaphore_mem>>)
          %slice3A_676 = vector.extract_strided_slice %get3A_420 {offsets = [15], sizes = [1], strides = [1]} : vector<16xi32> to vector<1xi32>
          %squeeze3A_677 = vector.extract %slice3A_676[0] : i32 from vector<1xi32>
          %mul3A_678 = arith.constant 16 : i32
          %mul3A_679 = arith.muli %add3A_412, %mul3A_678 : i32
          %add3A_680 = arith.constant 15 : i32
          %add3A_681 = arith.addi %mul3A_679, %add3A_680 : i32
          %dma_start3A_682 = arith.constant 1 : i32
          %dma_start3A_683 = arith.constant 0 : i32
          %dma_start3A_684 = tpu.memref_slice %arg8[%dma_start3A_682, %add3A_681, %dma_start3A_683] : memref<2x200x64xf32, #tpu.memory_space<vmem>> -> memref<1x1x64xf32, #tpu.memory_space<vmem>>
          %dma_start3A_685 = tpu.memref_squeeze %dma_start3A_684 : memref<1x1x64xf32, #tpu.memory_space<vmem>> -> memref<1x64xf32, #tpu.memory_space<vmem>>
          %dma_start3A_686 = arith.constant 0 : i32
          %dma_start3A_687 = tpu.memref_slice %arg2[%squeeze3A_677, %dma_start3A_686] : memref<1000000x64xf32, #tpu.memory_space<hbm>> -> memref<1x64xf32, #tpu.memory_space<hbm>>
          %dma_start3A_688 = arith.constant 0 : i32
          %dma_start3A_689 = tpu.memref_slice %arg8[%dma_start3A_682, %add3A_681, %dma_start3A_688] : memref<2x200x64xf32, #tpu.memory_space<vmem>> -> memref<1x1x64xf32, #tpu.memory_space<vmem>>
          %dma_start3A_690 = tpu.memref_squeeze %dma_start3A_689 : memref<1x1x64xf32, #tpu.memory_space<vmem>> -> memref<1x64xf32, #tpu.memory_space<vmem>>
          %dma_start3A_691 = arith.constant 0 : i32
          %dma_start3A_692 = tpu.memref_slice %arg2[%squeeze3A_677, %dma_start3A_691] : memref<1000000x64xf32, #tpu.memory_space<hbm>> -> memref<1x64xf32, #tpu.memory_space<hbm>>
          tpu.enqueue_dma source(%dma_start3A_692 : memref<1x64xf32, #tpu.memory_space<hbm>>) target(%dma_start3A_690 : memref<1x64xf32, #tpu.memory_space<vmem>>) target_semaphore(%arg10 : memref<!tpu.dma_semaphore, #tpu.memory_space<semaphore_mem>>)
        }
        %scan3A_280 = arith.constant 12 : i32
        %mul3A_281 = arith.constant 200 : i32
        %mul3A_282 = arith.muli %add3A_275, %mul3A_281 : i32
        %add3A_283 = arith.constant 192 : i32
        %add3A_284 = arith.addi %mul3A_282, %add3A_283 : i32
        %get3A_285 = arith.index_cast %add3A_284 : i32 to index
        %get3A_286 = tpu.vector_load %arg6[%get3A_285] {strides = array<i32>} : memref<12816xi32, #tpu.memory_space<vmem>>, vector<16xi32>,
        %get3A_287 = vector.shape_cast %get3A_286 : vector<16xi32> to vector<16xi32>
        %slice3A_288 = vector.extract_strided_slice %get3A_287 {offsets = [0], sizes = [1], strides = [1]} : vector<16xi32> to vector<1xi32>
        %squeeze3A_289 = vector.extract %slice3A_288[0] : i32 from vector<1xi32>
        %dma_start3A_290 = arith.constant 1 : i32
        %dma_start3A_291 = arith.constant 192 : i32
        %dma_start3A_292 = arith.constant 0 : i32
        %dma_start3A_293 = tpu.memref_slice %arg8[%dma_start3A_290, %dma_start3A_291, %dma_start3A_292] : memref<2x200x64xf32, #tpu.memory_space<vmem>> -> memref<1x1x64xf32, #tpu.memory_space<vmem>>
        %dma_start3A_294 = tpu.memref_squeeze %dma_start3A_293 : memref<1x1x64xf32, #tpu.memory_space<vmem>> -> memref<1x64xf32, #tpu.memory_space<vmem>>
        %dma_start3A_295 = arith.constant 0 : i32
        %dma_start3A_296 = tpu.memref_slice %arg2[%squeeze3A_289, %dma_start3A_295] : memref<1000000x64xf32, #tpu.memory_space<hbm>> -> memref<1x64xf32, #tpu.memory_space<hbm>>
        %dma_start3A_297 = arith.constant 192 : i32
        %dma_start3A_298 = arith.constant 0 : i32
        %dma_start3A_299 = tpu.memref_slice %arg8[%dma_start3A_290, %dma_start3A_297, %dma_start3A_298] : memref<2x200x64xf32, #tpu.memory_space<vmem>> -> memref<1x1x64xf32, #tpu.memory_space<vmem>>
        %dma_start3A_300 = tpu.memref_squeeze %dma_start3A_299 : memref<1x1x64xf32, #tpu.memory_space<vmem>> -> memref<1x64xf32, #tpu.memory_space<vmem>>
        %dma_start3A_301 = arith.constant 0 : i32
        %dma_start3A_302 = tpu.memref_slice %arg2[%squeeze3A_289, %dma_start3A_301] : memref<1000000x64xf32, #tpu.memory_space<hbm>> -> memref<1x64xf32, #tpu.memory_space<hbm>>
        tpu.enqueue_dma source(%dma_start3A_302 : memref<1x64xf32, #tpu.memory_space<hbm>>) target(%dma_start3A_300 : memref<1x64xf32, #tpu.memory_space<vmem>>) target_semaphore(%arg10 : memref<!tpu.dma_semaphore, #tpu.memory_space<semaphore_mem>>)
        %slice3A_303 = vector.extract_strided_slice %get3A_287 {offsets = [1], sizes = [1], strides = [1]} : vector<16xi32> to vector<1xi32>
        %squeeze3A_304 = vector.extract %slice3A_303[0] : i32 from vector<1xi32>
        %dma_start3A_305 = arith.constant 1 : i32
        %dma_start3A_306 = arith.constant 193 : i32
        %dma_start3A_307 = arith.constant 0 : i32
        %dma_start3A_308 = tpu.memref_slice %arg8[%dma_start3A_305, %dma_start3A_306, %dma_start3A_307] : memref<2x200x64xf32, #tpu.memory_space<vmem>> -> memref<1x1x64xf32, #tpu.memory_space<vmem>>
        %dma_start3A_309 = tpu.memref_squeeze %dma_start3A_308 : memref<1x1x64xf32, #tpu.memory_space<vmem>> -> memref<1x64xf32, #tpu.memory_space<vmem>>
        %dma_start3A_310 = arith.constant 0 : i32
        %dma_start3A_311 = tpu.memref_slice %arg2[%squeeze3A_304, %dma_start3A_310] : memref<1000000x64xf32, #tpu.memory_space<hbm>> -> memref<1x64xf32, #tpu.memory_space<hbm>>
        %dma_start3A_312 = arith.constant 193 : i32
        %dma_start3A_313 = arith.constant 0 : i32
        %dma_start3A_314 = tpu.memref_slice %arg8[%dma_start3A_305, %dma_start3A_312, %dma_start3A_313] : memref<2x200x64xf32, #tpu.memory_space<vmem>> -> memref<1x1x64xf32, #tpu.memory_space<vmem>>
        %dma_start3A_315 = tpu.memref_squeeze %dma_start3A_314 : memref<1x1x64xf32, #tpu.memory_space<vmem>> -> memref<1x64xf32, #tpu.memory_space<vmem>>
        %dma_start3A_316 = arith.constant 0 : i32
        %dma_start3A_317 = tpu.memref_slice %arg2[%squeeze3A_304, %dma_start3A_316] : memref<1000000x64xf32, #tpu.memory_space<hbm>> -> memref<1x64xf32, #tpu.memory_space<hbm>>
        tpu.enqueue_dma source(%dma_start3A_317 : memref<1x64xf32, #tpu.memory_space<hbm>>) target(%dma_start3A_315 : memref<1x64xf32, #tpu.memory_space<vmem>>) target_semaphore(%arg10 : memref<!tpu.dma_semaphore, #tpu.memory_space<semaphore_mem>>)
        %slice3A_318 = vector.extract_strided_slice %get3A_287 {offsets = [2], sizes = [1], strides = [1]} : vector<16xi32> to vector<1xi32>
        %squeeze3A_319 = vector.extract %slice3A_318[0] : i32 from vector<1xi32>
        %dma_start3A_320 = arith.constant 1 : i32
        %dma_start3A_321 = arith.constant 194 : i32
        %dma_start3A_322 = arith.constant 0 : i32
        %dma_start3A_323 = tpu.memref_slice %arg8[%dma_start3A_320, %dma_start3A_321, %dma_start3A_322] : memref<2x200x64xf32, #tpu.memory_space<vmem>> -> memref<1x1x64xf32, #tpu.memory_space<vmem>>
        %dma_start3A_324 = tpu.memref_squeeze %dma_start3A_323 : memref<1x1x64xf32, #tpu.memory_space<vmem>> -> memref<1x64xf32, #tpu.memory_space<vmem>>
        %dma_start3A_325 = arith.constant 0 : i32
        %dma_start3A_326 = tpu.memref_slice %arg2[%squeeze3A_319, %dma_start3A_325] : memref<1000000x64xf32, #tpu.memory_space<hbm>> -> memref<1x64xf32, #tpu.memory_space<hbm>>
        %dma_start3A_327 = arith.constant 194 : i32
        %dma_start3A_328 = arith.constant 0 : i32
        %dma_start3A_329 = tpu.memref_slice %arg8[%dma_start3A_320, %dma_start3A_327, %dma_start3A_328] : memref<2x200x64xf32, #tpu.memory_space<vmem>> -> memref<1x1x64xf32, #tpu.memory_space<vmem>>
        %dma_start3A_330 = tpu.memref_squeeze %dma_start3A_329 : memref<1x1x64xf32, #tpu.memory_space<vmem>> -> memref<1x64xf32, #tpu.memory_space<vmem>>
        %dma_start3A_331 = arith.constant 0 : i32
        %dma_start3A_332 = tpu.memref_slice %arg2[%squeeze3A_319, %dma_start3A_331] : memref<1000000x64xf32, #tpu.memory_space<hbm>> -> memref<1x64xf32, #tpu.memory_space<hbm>>
        tpu.enqueue_dma source(%dma_start3A_332 : memref<1x64xf32, #tpu.memory_space<hbm>>) target(%dma_start3A_330 : memref<1x64xf32, #tpu.memory_space<vmem>>) target_semaphore(%arg10 : memref<!tpu.dma_semaphore, #tpu.memory_space<semaphore_mem>>)
        %slice3A_333 = vector.extract_strided_slice %get3A_287 {offsets = [3], sizes = [1], strides = [1]} : vector<16xi32> to vector<1xi32>
        %squeeze3A_334 = vector.extract %slice3A_333[0] : i32 from vector<1xi32>
        %dma_start3A_335 = arith.constant 1 : i32
        %dma_start3A_336 = arith.constant 195 : i32
        %dma_start3A_337 = arith.constant 0 : i32
        %dma_start3A_338 = tpu.memref_slice %arg8[%dma_start3A_335, %dma_start3A_336, %dma_start3A_337] : memref<2x200x64xf32, #tpu.memory_space<vmem>> -> memref<1x1x64xf32, #tpu.memory_space<vmem>>
        %dma_start3A_339 = tpu.memref_squeeze %dma_start3A_338 : memref<1x1x64xf32, #tpu.memory_space<vmem>> -> memref<1x64xf32, #tpu.memory_space<vmem>>
        %dma_start3A_340 = arith.constant 0 : i32
        %dma_start3A_341 = tpu.memref_slice %arg2[%squeeze3A_334, %dma_start3A_340] : memref<1000000x64xf32, #tpu.memory_space<hbm>> -> memref<1x64xf32, #tpu.memory_space<hbm>>
        %dma_start3A_342 = arith.constant 195 : i32
        %dma_start3A_343 = arith.constant 0 : i32
        %dma_start3A_344 = tpu.memref_slice %arg8[%dma_start3A_335, %dma_start3A_342, %dma_start3A_343] : memref<2x200x64xf32, #tpu.memory_space<vmem>> -> memref<1x1x64xf32, #tpu.memory_space<vmem>>
        %dma_start3A_345 = tpu.memref_squeeze %dma_start3A_344 : memref<1x1x64xf32, #tpu.memory_space<vmem>> -> memref<1x64xf32, #tpu.memory_space<vmem>>
        %dma_start3A_346 = arith.constant 0 : i32
        %dma_start3A_347 = tpu.memref_slice %arg2[%squeeze3A_334, %dma_start3A_346] : memref<1000000x64xf32, #tpu.memory_space<hbm>> -> memref<1x64xf32, #tpu.memory_space<hbm>>
        tpu.enqueue_dma source(%dma_start3A_347 : memref<1x64xf32, #tpu.memory_space<hbm>>) target(%dma_start3A_345 : memref<1x64xf32, #tpu.memory_space<vmem>>) target_semaphore(%arg10 : memref<!tpu.dma_semaphore, #tpu.memory_space<semaphore_mem>>)
        %slice3A_348 = vector.extract_strided_slice %get3A_287 {offsets = [4], sizes = [1], strides = [1]} : vector<16xi32> to vector<1xi32>
        %squeeze3A_349 = vector.extract %slice3A_348[0] : i32 from vector<1xi32>
        %dma_start3A_350 = arith.constant 1 : i32
        %dma_start3A_351 = arith.constant 196 : i32
        %dma_start3A_352 = arith.constant 0 : i32
        %dma_start3A_353 = tpu.memref_slice %arg8[%dma_start3A_350, %dma_start3A_351, %dma_start3A_352] : memref<2x200x64xf32, #tpu.memory_space<vmem>> -> memref<1x1x64xf32, #tpu.memory_space<vmem>>
        %dma_start3A_354 = tpu.memref_squeeze %dma_start3A_353 : memref<1x1x64xf32, #tpu.memory_space<vmem>> -> memref<1x64xf32, #tpu.memory_space<vmem>>
        %dma_start3A_355 = arith.constant 0 : i32
        %dma_start3A_356 = tpu.memref_slice %arg2[%squeeze3A_349, %dma_start3A_355] : memref<1000000x64xf32, #tpu.memory_space<hbm>> -> memref<1x64xf32, #tpu.memory_space<hbm>>
        %dma_start3A_357 = arith.constant 196 : i32
        %dma_start3A_358 = arith.constant 0 : i32
        %dma_start3A_359 = tpu.memref_slice %arg8[%dma_start3A_350, %dma_start3A_357, %dma_start3A_358] : memref<2x200x64xf32, #tpu.memory_space<vmem>> -> memref<1x1x64xf32, #tpu.memory_space<vmem>>
        %dma_start3A_360 = tpu.memref_squeeze %dma_start3A_359 : memref<1x1x64xf32, #tpu.memory_space<vmem>> -> memref<1x64xf32, #tpu.memory_space<vmem>>
        %dma_start3A_361 = arith.constant 0 : i32
        %dma_start3A_362 = tpu.memref_slice %arg2[%squeeze3A_349, %dma_start3A_361] : memref<1000000x64xf32, #tpu.memory_space<hbm>> -> memref<1x64xf32, #tpu.memory_space<hbm>>
        tpu.enqueue_dma source(%dma_start3A_362 : memref<1x64xf32, #tpu.memory_space<hbm>>) target(%dma_start3A_360 : memref<1x64xf32, #tpu.memory_space<vmem>>) target_semaphore(%arg10 : memref<!tpu.dma_semaphore, #tpu.memory_space<semaphore_mem>>)
        %slice3A_363 = vector.extract_strided_slice %get3A_287 {offsets = [5], sizes = [1], strides = [1]} : vector<16xi32> to vector<1xi32>
        %squeeze3A_364 = vector.extract %slice3A_363[0] : i32 from vector<1xi32>
        %dma_start3A_365 = arith.constant 1 : i32
        %dma_start3A_366 = arith.constant 197 : i32
        %dma_start3A_367 = arith.constant 0 : i32
        %dma_start3A_368 = tpu.memref_slice %arg8[%dma_start3A_365, %dma_start3A_366, %dma_start3A_367] : memref<2x200x64xf32, #tpu.memory_space<vmem>> -> memref<1x1x64xf32, #tpu.memory_space<vmem>>
        %dma_start3A_369 = tpu.memref_squeeze %dma_start3A_368 : memref<1x1x64xf32, #tpu.memory_space<vmem>> -> memref<1x64xf32, #tpu.memory_space<vmem>>
        %dma_start3A_370 = arith.constant 0 : i32
        %dma_start3A_371 = tpu.memref_slice %arg2[%squeeze3A_364, %dma_start3A_370] : memref<1000000x64xf32, #tpu.memory_space<hbm>> -> memref<1x64xf32, #tpu.memory_space<hbm>>
        %dma_start3A_372 = arith.constant 197 : i32
        %dma_start3A_373 = arith.constant 0 : i32
        %dma_start3A_374 = tpu.memref_slice %arg8[%dma_start3A_365, %dma_start3A_372, %dma_start3A_373] : memref<2x200x64xf32, #tpu.memory_space<vmem>> -> memref<1x1x64xf32, #tpu.memory_space<vmem>>
        %dma_start3A_375 = tpu.memref_squeeze %dma_start3A_374 : memref<1x1x64xf32, #tpu.memory_space<vmem>> -> memref<1x64xf32, #tpu.memory_space<vmem>>
        %dma_start3A_376 = arith.constant 0 : i32
        %dma_start3A_377 = tpu.memref_slice %arg2[%squeeze3A_364, %dma_start3A_376] : memref<1000000x64xf32, #tpu.memory_space<hbm>> -> memref<1x64xf32, #tpu.memory_space<hbm>>
        tpu.enqueue_dma source(%dma_start3A_377 : memref<1x64xf32, #tpu.memory_space<hbm>>) target(%dma_start3A_375 : memref<1x64xf32, #tpu.memory_space<vmem>>) target_semaphore(%arg10 : memref<!tpu.dma_semaphore, #tpu.memory_space<semaphore_mem>>)
        %slice3A_378 = vector.extract_strided_slice %get3A_287 {offsets = [6], sizes = [1], strides = [1]} : vector<16xi32> to vector<1xi32>
        %squeeze3A_379 = vector.extract %slice3A_378[0] : i32 from vector<1xi32>
        %dma_start3A_380 = arith.constant 1 : i32
        %dma_start3A_381 = arith.constant 198 : i32
        %dma_start3A_382 = arith.constant 0 : i32
        %dma_start3A_383 = tpu.memref_slice %arg8[%dma_start3A_380, %dma_start3A_381, %dma_start3A_382] : memref<2x200x64xf32, #tpu.memory_space<vmem>> -> memref<1x1x64xf32, #tpu.memory_space<vmem>>
        %dma_start3A_384 = tpu.memref_squeeze %dma_start3A_383 : memref<1x1x64xf32, #tpu.memory_space<vmem>> -> memref<1x64xf32, #tpu.memory_space<vmem>>
        %dma_start3A_385 = arith.constant 0 : i32
        %dma_start3A_386 = tpu.memref_slice %arg2[%squeeze3A_379, %dma_start3A_385] : memref<1000000x64xf32, #tpu.memory_space<hbm>> -> memref<1x64xf32, #tpu.memory_space<hbm>>
        %dma_start3A_387 = arith.constant 198 : i32
        %dma_start3A_388 = arith.constant 0 : i32
        %dma_start3A_389 = tpu.memref_slice %arg8[%dma_start3A_380, %dma_start3A_387, %dma_start3A_388] : memref<2x200x64xf32, #tpu.memory_space<vmem>> -> memref<1x1x64xf32, #tpu.memory_space<vmem>>
        %dma_start3A_390 = tpu.memref_squeeze %dma_start3A_389 : memref<1x1x64xf32, #tpu.memory_space<vmem>> -> memref<1x64xf32, #tpu.memory_space<vmem>>
        %dma_start3A_391 = arith.constant 0 : i32
        %dma_start3A_392 = tpu.memref_slice %arg2[%squeeze3A_379, %dma_start3A_391] : memref<1000000x64xf32, #tpu.memory_space<hbm>> -> memref<1x64xf32, #tpu.memory_space<hbm>>
        tpu.enqueue_dma source(%dma_start3A_392 : memref<1x64xf32, #tpu.memory_space<hbm>>) target(%dma_start3A_390 : memref<1x64xf32, #tpu.memory_space<vmem>>) target_semaphore(%arg10 : memref<!tpu.dma_semaphore, #tpu.memory_space<semaphore_mem>>)
        %slice3A_393 = vector.extract_strided_slice %get3A_287 {offsets = [7], sizes = [1], strides = [1]} : vector<16xi32> to vector<1xi32>
        %squeeze3A_394 = vector.extract %slice3A_393[0] : i32 from vector<1xi32>
        %dma_start3A_395 = arith.constant 1 : i32
        %dma_start3A_396 = arith.constant 199 : i32
        %dma_start3A_397 = arith.constant 0 : i32
        %dma_start3A_398 = tpu.memref_slice %arg8[%dma_start3A_395, %dma_start3A_396, %dma_start3A_397] : memref<2x200x64xf32, #tpu.memory_space<vmem>> -> memref<1x1x64xf32, #tpu.memory_space<vmem>>
        %dma_start3A_399 = tpu.memref_squeeze %dma_start3A_398 : memref<1x1x64xf32, #tpu.memory_space<vmem>> -> memref<1x64xf32, #tpu.memory_space<vmem>>
        %dma_start3A_400 = arith.constant 0 : i32
        %dma_start3A_401 = tpu.memref_slice %arg2[%squeeze3A_394, %dma_start3A_400] : memref<1000000x64xf32, #tpu.memory_space<hbm>> -> memref<1x64xf32, #tpu.memory_space<hbm>>
        %dma_start3A_402 = arith.constant 199 : i32
        %dma_start3A_403 = arith.constant 0 : i32
        %dma_start3A_404 = tpu.memref_slice %arg8[%dma_start3A_395, %dma_start3A_402, %dma_start3A_403] : memref<2x200x64xf32, #tpu.memory_space<vmem>> -> memref<1x1x64xf32, #tpu.memory_space<vmem>>
        %dma_start3A_405 = tpu.memref_squeeze %dma_start3A_404 : memref<1x1x64xf32, #tpu.memory_space<vmem>> -> memref<1x64xf32, #tpu.memory_space<vmem>>
        %dma_start3A_406 = arith.constant 0 : i32
        %dma_start3A_407 = tpu.memref_slice %arg2[%squeeze3A_394, %dma_start3A_406] : memref<1000000x64xf32, #tpu.memory_space<hbm>> -> memref<1x64xf32, #tpu.memory_space<hbm>>
        tpu.enqueue_dma source(%dma_start3A_407 : memref<1x64xf32, #tpu.memory_space<hbm>>) target(%dma_start3A_405 : memref<1x64xf32, #tpu.memory_space<vmem>>) target_semaphore(%arg10 : memref<!tpu.dma_semaphore, #tpu.memory_space<semaphore_mem>>)
      } else {
      }
      %dma_wait3A_183 = arith.constant 0 : i32
      %dma_wait3A_184 = arith.constant 0 : i32
      %dma_wait3A_185 = arith.constant 0 : i32
      %dma_wait3A_186 = tpu.memref_slice %arg8[%dma_wait3A_183, %dma_wait3A_184, %dma_wait3A_185] : memref<2x200x64xf32, #tpu.memory_space<vmem>> -> memref<1x200x64xf32, #tpu.memory_space<vmem>>
      %dma_wait3A_187 = tpu.memref_squeeze %dma_wait3A_186 : memref<1x200x64xf32, #tpu.memory_space<vmem>> -> memref<200x64xf32, #tpu.memory_space<vmem>>
      %dma_wait3A_188 = arith.constant 0 : i32
      %dma_wait3A_189 = arith.constant 0 : i32
      %dma_wait3A_190 = tpu.memref_slice %arg2[%dma_wait3A_188, %dma_wait3A_189] : memref<1000000x64xf32, #tpu.memory_space<hbm>> -> memref<200x64xf32, #tpu.memory_space<hbm>>
      %dma_wait3A_191 = arith.constant 0 : i32
      %dma_wait3A_192 = arith.constant 0 : i32
      %dma_wait3A_193 = tpu.memref_slice %arg8[%dma_wait3A_183, %dma_wait3A_191, %dma_wait3A_192] : memref<2x200x64xf32, #tpu.memory_space<vmem>> -> memref<1x200x64xf32, #tpu.memory_space<vmem>>
      %dma_wait3A_194 = tpu.memref_squeeze %dma_wait3A_193 : memref<1x200x64xf32, #tpu.memory_space<vmem>> -> memref<200x64xf32, #tpu.memory_space<vmem>>
      %dma_wait3A_195 = arith.constant 0 : i32
      %dma_wait3A_196 = arith.constant 0 : i32
      %dma_wait3A_197 = tpu.memref_slice %arg2[%dma_wait3A_195, %dma_wait3A_196] : memref<1000000x64xf32, #tpu.memory_space<hbm>> -> memref<200x64xf32, #tpu.memory_space<hbm>>
      tpu.wait_dma2 semaphore(%arg9 : memref<!tpu.dma_semaphore, #tpu.memory_space<semaphore_mem>>) src(%dma_wait3A_197 : memref<200x64xf32, #tpu.memory_space<hbm>>) dst(%dma_wait3A_194 : memref<200x64xf32, #tpu.memory_space<vmem>>)
      %scan3A_198 = arith.constant 0 : i32
      %scan3A_199 = arith.constant 100 : i32
      %scan3A_200 = arith.addi %scan3A_198, %scan3A_199 : i32
      %scan3A_201 = arith.constant 1 : i32
      scf.for %scan3A_270 = %scan3A_198 to %scan3A_200 step %scan3A_201  : i32 {
        %mul3A_271 = arith.constant 1 : i32
        %mul3A_272 = arith.muli %scan3A_270, %mul3A_271 : i32
        %add3A_273 = arith.constant 0 : i32
        %add3A_274 = arith.addi %add3A_273, %mul3A_272 : i32
        %mul3A_275 = arith.constant 2 : i32
        %mul3A_276 = arith.muli %mul3A_275, %add3A_274 : i32
        %get3A_277 = arith.constant 0 : i32
        %get3A_278 = arith.index_cast %get3A_277 : i32 to index
        %get3A_279 = arith.index_cast %mul3A_276 : i32 to index
        %get3A_280 = arith.constant 0 : index
        %get3A_281 = tpu.vector_load %arg8[%get3A_278, %get3A_279, %get3A_280] {strides = array<i32>} : memref<2x200x64xf32, #tpu.memory_space<vmem>>, vector<1x1x16xf32>,
        %get3A_282 = vector.shape_cast %get3A_281 : vector<1x1x16xf32> to vector<16xf32>
        %get3A_283 = arith.index_cast %add3A_274 : i32 to index
        %get3A_284 = arith.constant 0 : index
        %get3A_285 = tpu.vector_load %arg7[%get3A_283, %get3A_284] {strides = array<i32>} : memref<100x128xf32, #tpu.memory_space<vmem>>, vector<1x16xf32>,
        %get3A_286 = vector.shape_cast %get3A_285 : vector<1x16xf32> to vector<16xf32>
        %add3A_287 = arith.addf %get3A_282, %get3A_286 : vector<16xf32>
        %mul3A_288 = arith.constant 2 : i32
        %mul3A_289 = arith.muli %mul3A_288, %add3A_274 : i32
        %swap3A = arith.constant 0 : i32
        %swap3A_290 = arith.index_cast %swap3A : i32 to index
        %swap3A_291 = arith.index_cast %mul3A_289 : i32 to index
        %swap3A_292 = arith.constant 0 : index
        %swap3A_293 = tpu.vector_load %arg8[%swap3A_290, %swap3A_291, %swap3A_292] {strides = array<i32>} : memref<2x200x64xf32, #tpu.memory_space<vmem>>, vector<1x1x16xf32>,
        %swap3A_294 = vector.shape_cast %swap3A_293 : vector<1x1x16xf32> to vector<16xf32>
        %swap3A_295 = vector.shape_cast %add3A_287 : vector<16xf32> to vector<1x1x16xf32>
        tpu.vector_store %arg8[%swap3A_290, %swap3A_291, %swap3A_292], %swap3A_295 {strides = array<i32>} : memref<2x200x64xf32, #tpu.memory_space<vmem>>, vector<1x1x16xf32>,
        %mul3A_296 = arith.constant 2 : i32
        %mul3A_297 = arith.muli %mul3A_296, %add3A_274 : i32
        %add3A_298 = arith.constant 1 : i32
        %add3A_299 = arith.addi %mul3A_297, %add3A_298 : i32
        %get3A_300 = arith.constant 0 : i32
        %get3A_301 = arith.index_cast %get3A_300 : i32 to index
        %get3A_302 = arith.index_cast %add3A_299 : i32 to index
        %get3A_303 = arith.constant 0 : index
        %get3A_304 = tpu.vector_load %arg8[%get3A_301, %get3A_302, %get3A_303] {strides = array<i32>} : memref<2x200x64xf32, #tpu.memory_space<vmem>>, vector<1x1x16xf32>,
        %get3A_305 = vector.shape_cast %get3A_304 : vector<1x1x16xf32> to vector<16xf32>
        %get3A_306 = arith.index_cast %add3A_274 : i32 to index
        %get3A_307 = arith.constant 64 : index
        %get3A_308 = tpu.vector_load %arg7[%get3A_306, %get3A_307] {strides = array<i32>} : memref<100x128xf32, #tpu.memory_space<vmem>>, vector<1x16xf32>,
        %get3A_309 = vector.shape_cast %get3A_308 : vector<1x16xf32> to vector<16xf32>
        %add3A_310 = arith.addf %get3A_305, %get3A_309 : vector<16xf32>
        %mul3A_311 = arith.constant 2 : i32
        %mul3A_312 = arith.muli %mul3A_311, %add3A_274 : i32
        %add3A_313 = arith.constant 1 : i32
        %add3A_314 = arith.addi %mul3A_312, %add3A_313 : i32
        %swap3A_315 = arith.constant 0 : i32
        %swap3A_316 = arith.index_cast %swap3A_315 : i32 to index
        %swap3A_317 = arith.index_cast %add3A_314 : i32 to index
        %swap3A_318 = arith.constant 0 : index
        %swap3A_319 = tpu.vector_load %arg8[%swap3A_316, %swap3A_317, %swap3A_318] {strides = array<i32>} : memref<2x200x64xf32, #tpu.memory_space<vmem>>, vector<1x1x16xf32>,
        %swap3A_320 = vector.shape_cast %swap3A_319 : vector<1x1x16xf32> to vector<16xf32>
        %swap3A_321 = vector.shape_cast %add3A_310 : vector<16xf32> to vector<1x1x16xf32>
        tpu.vector_store %arg8[%swap3A_316, %swap3A_317, %swap3A_318], %swap3A_321 {strides = array<i32>} : memref<2x200x64xf32, #tpu.memory_space<vmem>>, vector<1x1x16xf32>,
        %mul3A_322 = arith.constant 2 : i32
        %mul3A_323 = arith.muli %mul3A_322, %add3A_274 : i32
        %get3A_324 = arith.constant 0 : i32
        %get3A_325 = arith.index_cast %get3A_324 : i32 to index
        %get3A_326 = arith.index_cast %mul3A_323 : i32 to index
        %get3A_327 = arith.constant 16 : index
        %get3A_328 = tpu.vector_load %arg8[%get3A_325, %get3A_326, %get3A_327] {strides = array<i32>} : memref<2x200x64xf32, #tpu.memory_space<vmem>>, vector<1x1x16xf32>,
        %get3A_329 = vector.shape_cast %get3A_328 : vector<1x1x16xf32> to vector<16xf32>
        %get3A_330 = arith.index_cast %add3A_274 : i32 to index
        %get3A_331 = arith.constant 16 : index
        %get3A_332 = tpu.vector_load %arg7[%get3A_330, %get3A_331] {strides = array<i32>} : memref<100x128xf32, #tpu.memory_space<vmem>>, vector<1x16xf32>,
        %get3A_333 = vector.shape_cast %get3A_332 : vector<1x16xf32> to vector<16xf32>
        %add3A_334 = arith.addf %get3A_329, %get3A_333 : vector<16xf32>
        %mul3A_335 = arith.constant 2 : i32
        %mul3A_336 = arith.muli %mul3A_335, %add3A_274 : i32
        %swap3A_337 = arith.constant 0 : i32
        %swap3A_338 = arith.index_cast %swap3A_337 : i32 to index
        %swap3A_339 = arith.index_cast %mul3A_336 : i32 to index
        %swap3A_340 = arith.constant 16 : index
        %swap3A_341 = tpu.vector_load %arg8[%swap3A_338, %swap3A_339, %swap3A_340] {strides = array<i32>} : memref<2x200x64xf32, #tpu.memory_space<vmem>>, vector<1x1x16xf32>,
        %swap3A_342 = vector.shape_cast %swap3A_341 : vector<1x1x16xf32> to vector<16xf32>
        %swap3A_343 = vector.shape_cast %add3A_334 : vector<16xf32> to vector<1x1x16xf32>
        tpu.vector_store %arg8[%swap3A_338, %swap3A_339, %swap3A_340], %swap3A_343 {strides = array<i32>} : memref<2x200x64xf32, #tpu.memory_space<vmem>>, vector<1x1x16xf32>,
        %mul3A_344 = arith.constant 2 : i32
        %mul3A_345 = arith.muli %mul3A_344, %add3A_274 : i32
        %add3A_346 = arith.constant 1 : i32
        %add3A_347 = arith.addi %mul3A_345, %add3A_346 : i32
        %get3A_348 = arith.constant 0 : i32
        %get3A_349 = arith.index_cast %get3A_348 : i32 to index
        %get3A_350 = arith.index_cast %add3A_347 : i32 to index
        %get3A_351 = arith.constant 16 : index
        %get3A_352 = tpu.vector_load %arg8[%get3A_349, %get3A_350, %get3A_351] {strides = array<i32>} : memref<2x200x64xf32, #tpu.memory_space<vmem>>, vector<1x1x16xf32>,
        %get3A_353 = vector.shape_cast %get3A_352 : vector<1x1x16xf32> to vector<16xf32>
        %get3A_354 = arith.index_cast %add3A_274 : i32 to index
        %get3A_355 = arith.constant 80 : index
        %get3A_356 = tpu.vector_load %arg7[%get3A_354, %get3A_355] {strides = array<i32>} : memref<100x128xf32, #tpu.memory_space<vmem>>, vector<1x16xf32>,
        %get3A_357 = vector.shape_cast %get3A_356 : vector<1x16xf32> to vector<16xf32>
        %add3A_358 = arith.addf %get3A_353, %get3A_357 : vector<16xf32>
        %mul3A_359 = arith.constant 2 : i32
        %mul3A_360 = arith.muli %mul3A_359, %add3A_274 : i32
        %add3A_361 = arith.constant 1 : i32
        %add3A_362 = arith.addi %mul3A_360, %add3A_361 : i32
        %swap3A_363 = arith.constant 0 : i32
        %swap3A_364 = arith.index_cast %swap3A_363 : i32 to index
        %swap3A_365 = arith.index_cast %add3A_362 : i32 to index
        %swap3A_366 = arith.constant 16 : index
        %swap3A_367 = tpu.vector_load %arg8[%swap3A_364, %swap3A_365, %swap3A_366] {strides = array<i32>} : memref<2x200x64xf32, #tpu.memory_space<vmem>>, vector<1x1x16xf32>,
        %swap3A_368 = vector.shape_cast %swap3A_367 : vector<1x1x16xf32> to vector<16xf32>
        %swap3A_369 = vector.shape_cast %add3A_358 : vector<16xf32> to vector<1x1x16xf32>
        tpu.vector_store %arg8[%swap3A_364, %swap3A_365, %swap3A_366], %swap3A_369 {strides = array<i32>} : memref<2x200x64xf32, #tpu.memory_space<vmem>>, vector<1x1x16xf32>,
        %mul3A_370 = arith.constant 2 : i32
        %mul3A_371 = arith.muli %mul3A_370, %add3A_274 : i32
        %get3A_372 = arith.constant 0 : i32
        %get3A_373 = arith.index_cast %get3A_372 : i32 to index
        %get3A_374 = arith.index_cast %mul3A_371 : i32 to index
        %get3A_375 = arith.constant 32 : index
        %get3A_376 = tpu.vector_load %arg8[%get3A_373, %get3A_374, %get3A_375] {strides = array<i32>} : memref<2x200x64xf32, #tpu.memory_space<vmem>>, vector<1x1x16xf32>,
        %get3A_377 = vector.shape_cast %get3A_376 : vector<1x1x16xf32> to vector<16xf32>
        %get3A_378 = arith.index_cast %add3A_274 : i32 to index
        %get3A_379 = arith.constant 32 : index
        %get3A_380 = tpu.vector_load %arg7[%get3A_378, %get3A_379] {strides = array<i32>} : memref<100x128xf32, #tpu.memory_space<vmem>>, vector<1x16xf32>,
        %get3A_381 = vector.shape_cast %get3A_380 : vector<1x16xf32> to vector<16xf32>
        %add3A_382 = arith.addf %get3A_377, %get3A_381 : vector<16xf32>
        %mul3A_383 = arith.constant 2 : i32
        %mul3A_384 = arith.muli %mul3A_383, %add3A_274 : i32
        %swap3A_385 = arith.constant 0 : i32
        %swap3A_386 = arith.index_cast %swap3A_385 : i32 to index
        %swap3A_387 = arith.index_cast %mul3A_384 : i32 to index
        %swap3A_388 = arith.constant 32 : index
        %swap3A_389 = tpu.vector_load %arg8[%swap3A_386, %swap3A_387, %swap3A_388] {strides = array<i32>} : memref<2x200x64xf32, #tpu.memory_space<vmem>>, vector<1x1x16xf32>,
        %swap3A_390 = vector.shape_cast %swap3A_389 : vector<1x1x16xf32> to vector<16xf32>
        %swap3A_391 = vector.shape_cast %add3A_382 : vector<16xf32> to vector<1x1x16xf32>
        tpu.vector_store %arg8[%swap3A_386, %swap3A_387, %swap3A_388], %swap3A_391 {strides = array<i32>} : memref<2x200x64xf32, #tpu.memory_space<vmem>>, vector<1x1x16xf32>,
        %mul3A_392 = arith.constant 2 : i32
        %mul3A_393 = arith.muli %mul3A_392, %add3A_274 : i32
        %add3A_394 = arith.constant 1 : i32
        %add3A_395 = arith.addi %mul3A_393, %add3A_394 : i32
        %get3A_396 = arith.constant 0 : i32
        %get3A_397 = arith.index_cast %get3A_396 : i32 to index
        %get3A_398 = arith.index_cast %add3A_395 : i32 to index
        %get3A_399 = arith.constant 32 : index
        %get3A_400 = tpu.vector_load %arg8[%get3A_397, %get3A_398, %get3A_399] {strides = array<i32>} : memref<2x200x64xf32, #tpu.memory_space<vmem>>, vector<1x1x16xf32>,
        %get3A_401 = vector.shape_cast %get3A_400 : vector<1x1x16xf32> to vector<16xf32>
        %get3A_402 = arith.index_cast %add3A_274 : i32 to index
        %get3A_403 = arith.constant 96 : index
        %get3A_404 = tpu.vector_load %arg7[%get3A_402, %get3A_403] {strides = array<i32>} : memref<100x128xf32, #tpu.memory_space<vmem>>, vector<1x16xf32>,
        %get3A_405 = vector.shape_cast %get3A_404 : vector<1x16xf32> to vector<16xf32>
        %add3A_406 = arith.addf %get3A_401, %get3A_405 : vector<16xf32>
        %mul3A_407 = arith.constant 2 : i32
        %mul3A_408 = arith.muli %mul3A_407, %add3A_274 : i32
        %add3A_409 = arith.constant 1 : i32
        %add3A_410 = arith.addi %mul3A_408, %add3A_409 : i32
        %swap3A_411 = arith.constant 0 : i32
        %swap3A_412 = arith.index_cast %swap3A_411 : i32 to index
        %swap3A_413 = arith.index_cast %add3A_410 : i32 to index
        %swap3A_414 = arith.constant 32 : index
        %swap3A_415 = tpu.vector_load %arg8[%swap3A_412, %swap3A_413, %swap3A_414] {strides = array<i32>} : memref<2x200x64xf32, #tpu.memory_space<vmem>>, vector<1x1x16xf32>,
        %swap3A_416 = vector.shape_cast %swap3A_415 : vector<1x1x16xf32> to vector<16xf32>
        %swap3A_417 = vector.shape_cast %add3A_406 : vector<16xf32> to vector<1x1x16xf32>
        tpu.vector_store %arg8[%swap3A_412, %swap3A_413, %swap3A_414], %swap3A_417 {strides = array<i32>} : memref<2x200x64xf32, #tpu.memory_space<vmem>>, vector<1x1x16xf32>,
        %mul3A_418 = arith.constant 2 : i32
        %mul3A_419 = arith.muli %mul3A_418, %add3A_274 : i32
        %get3A_420 = arith.constant 0 : i32
        %get3A_421 = arith.index_cast %get3A_420 : i32 to index
        %get3A_422 = arith.index_cast %mul3A_419 : i32 to index
        %get3A_423 = arith.constant 48 : index
        %get3A_424 = tpu.vector_load %arg8[%get3A_421, %get3A_422, %get3A_423] {strides = array<i32>} : memref<2x200x64xf32, #tpu.memory_space<vmem>>, vector<1x1x16xf32>,
        %get3A_425 = vector.shape_cast %get3A_424 : vector<1x1x16xf32> to vector<16xf32>
        %get3A_426 = arith.index_cast %add3A_274 : i32 to index
        %get3A_427 = arith.constant 48 : index
        %get3A_428 = tpu.vector_load %arg7[%get3A_426, %get3A_427] {strides = array<i32>} : memref<100x128xf32, #tpu.memory_space<vmem>>, vector<1x16xf32>,
        %get3A_429 = vector.shape_cast %get3A_428 : vector<1x16xf32> to vector<16xf32>
        %add3A_430 = arith.addf %get3A_425, %get3A_429 : vector<16xf32>
        %mul3A_431 = arith.constant 2 : i32
        %mul3A_432 = arith.muli %mul3A_431, %add3A_274 : i32
        %swap3A_433 = arith.constant 0 : i32
        %swap3A_434 = arith.index_cast %swap3A_433 : i32 to index
        %swap3A_435 = arith.index_cast %mul3A_432 : i32 to index
        %swap3A_436 = arith.constant 48 : index
        %swap3A_437 = tpu.vector_load %arg8[%swap3A_434, %swap3A_435, %swap3A_436] {strides = array<i32>} : memref<2x200x64xf32, #tpu.memory_space<vmem>>, vector<1x1x16xf32>,
        %swap3A_438 = vector.shape_cast %swap3A_437 : vector<1x1x16xf32> to vector<16xf32>
        %swap3A_439 = vector.shape_cast %add3A_430 : vector<16xf32> to vector<1x1x16xf32>
        tpu.vector_store %arg8[%swap3A_434, %swap3A_435, %swap3A_436], %swap3A_439 {strides = array<i32>} : memref<2x200x64xf32, #tpu.memory_space<vmem>>, vector<1x1x16xf32>,
        %mul3A_440 = arith.constant 2 : i32
        %mul3A_441 = arith.muli %mul3A_440, %add3A_274 : i32
        %add3A_442 = arith.constant 1 : i32
        %add3A_443 = arith.addi %mul3A_441, %add3A_442 : i32
        %get3A_444 = arith.constant 0 : i32
        %get3A_445 = arith.index_cast %get3A_444 : i32 to index
        %get3A_446 = arith.index_cast %add3A_443 : i32 to index
        %get3A_447 = arith.constant 48 : index
        %get3A_448 = tpu.vector_load %arg8[%get3A_445, %get3A_446, %get3A_447] {strides = array<i32>} : memref<2x200x64xf32, #tpu.memory_space<vmem>>, vector<1x1x16xf32>,
        %get3A_449 = vector.shape_cast %get3A_448 : vector<1x1x16xf32> to vector<16xf32>
        %get3A_450 = arith.index_cast %add3A_274 : i32 to index
        %get3A_451 = arith.constant 112 : index
        %get3A_452 = tpu.vector_load %arg7[%get3A_450, %get3A_451] {strides = array<i32>} : memref<100x128xf32, #tpu.memory_space<vmem>>, vector<1x16xf32>,
        %get3A_453 = vector.shape_cast %get3A_452 : vector<1x16xf32> to vector<16xf32>
        %add3A_454 = arith.addf %get3A_449, %get3A_453 : vector<16xf32>
        %mul3A_455 = arith.constant 2 : i32
        %mul3A_456 = arith.muli %mul3A_455, %add3A_274 : i32
        %add3A_457 = arith.constant 1 : i32
        %add3A_458 = arith.addi %mul3A_456, %add3A_457 : i32
        %swap3A_459 = arith.constant 0 : i32
        %swap3A_460 = arith.index_cast %swap3A_459 : i32 to index
        %swap3A_461 = arith.index_cast %add3A_458 : i32 to index
        %swap3A_462 = arith.constant 48 : index
        %swap3A_463 = tpu.vector_load %arg8[%swap3A_460, %swap3A_461, %swap3A_462] {strides = array<i32>} : memref<2x200x64xf32, #tpu.memory_space<vmem>>, vector<1x1x16xf32>,
        %swap3A_464 = vector.shape_cast %swap3A_463 : vector<1x1x16xf32> to vector<16xf32>
        %swap3A_465 = vector.shape_cast %add3A_454 : vector<16xf32> to vector<1x1x16xf32>
        tpu.vector_store %arg8[%swap3A_460, %swap3A_461, %swap3A_462], %swap3A_465 {strides = array<i32>} : memref<2x200x64xf32, #tpu.memory_space<vmem>>, vector<1x1x16xf32>,
      }
      %scan3A_202 = arith.constant 100 : i32
      %add3A_203 = arith.addi %mul3A_4, %add3A_178 : i32
      %dma_start3A_204 = arith.constant 0 : i32
      %dma_start3A_205 = arith.constant 0 : i32
      %dma_start3A_206 = arith.constant 0 : i32
      %dma_start3A_207 = tpu.memref_slice %arg8[%dma_start3A_204, %dma_start3A_205, %dma_start3A_206] : memref<2x200x64xf32, #tpu.memory_space<vmem>> -> memref<1x200x64xf32, #tpu.memory_space<vmem>>
      %dma_start3A_208 = tpu.memref_squeeze %dma_start3A_207 : memref<1x200x64xf32, #tpu.memory_space<vmem>> -> memref<200x64xf32, #tpu.memory_space<vmem>>
      %dma_start3A_209 = arith.constant 0 : i32
      %dma_start3A_210 = arith.constant 0 : i32
      %dma_start3A_211 = tpu.memref_slice %arg5[%add3A_203, %dma_start3A_209, %dma_start3A_210] : memref<1024x200x64xf32, #tpu.memory_space<hbm>> -> memref<1x200x64xf32, #tpu.memory_space<hbm>>
      %dma_start3A_212 = tpu.memref_squeeze %dma_start3A_211 : memref<1x200x64xf32, #tpu.memory_space<hbm>> -> memref<200x64xf32, #tpu.memory_space<hbm>>
      %dma_start3A_213 = arith.constant 0 : i32
      %dma_start3A_214 = arith.constant 0 : i32
      %dma_start3A_215 = tpu.memref_slice %arg5[%add3A_203, %dma_start3A_213, %dma_start3A_214] : memref<1024x200x64xf32, #tpu.memory_space<hbm>> -> memref<1x200x64xf32, #tpu.memory_space<hbm>>
      %dma_start3A_216 = tpu.memref_squeeze %dma_start3A_215 : memref<1x200x64xf32, #tpu.memory_space<hbm>> -> memref<200x64xf32, #tpu.memory_space<hbm>>
      %dma_start3A_217 = arith.constant 0 : i32
      %dma_start3A_218 = arith.constant 0 : i32
      %dma_start3A_219 = tpu.memref_slice %arg8[%dma_start3A_204, %dma_start3A_217, %dma_start3A_218] : memref<2x200x64xf32, #tpu.memory_space<vmem>> -> memref<1x200x64xf32, #tpu.memory_space<vmem>>
      %dma_start3A_220 = tpu.memref_squeeze %dma_start3A_219 : memref<1x200x64xf32, #tpu.memory_space<vmem>> -> memref<200x64xf32, #tpu.memory_space<vmem>>
      tpu.enqueue_dma source(%dma_start3A_220 : memref<200x64xf32, #tpu.memory_space<vmem>>) target(%dma_start3A_216 : memref<200x64xf32, #tpu.memory_space<hbm>>) target_semaphore(%arg11 : memref<!tpu.dma_semaphore, #tpu.memory_space<semaphore_mem>>)
      %mul3A_221 = arith.constant 2 : i32
      %mul3A_222 = arith.muli %mul3A_221, %add3A_174 : i32
      %add3A_223 = arith.constant 1 : i32
      %add3A_224 = arith.addi %mul3A_222, %add3A_223 : i32
      %add3A_225 = arith.constant 1 : i32
      %add3A_226 = arith.addi %add3A_224, %add3A_225 : i32
      %lt3A_227 = arith.constant 64 : i32
      %lt3A_228 = arith.cmpi slt, %add3A_226, %lt3A_227 : i32
      %convert_element_type3A_229 = arith.extui %lt3A_228 : i1 to i32
      %cond3A_230 = arith.constant 0 : i32
      %cond3A_231 = arith.cmpi ne, %convert_element_type3A_229, %cond3A_230 : i32
      scf.if %cond3A_231 {
        %ge3A = arith.constant 1 : i32
        %ge3A_270 = arith.cmpi sge, %add3A_224, %ge3A : i32
        %convert_element_type3A_271 = arith.extui %ge3A_270 : i1 to i32
        %cond3A_272 = arith.constant 0 : i32
        %cond3A_273 = arith.cmpi ne, %convert_element_type3A_271, %cond3A_272 : i32
        scf.if %cond3A_273 {
          %sub3A = arith.constant 1 : i32
          %sub3A_408 = arith.subi %add3A_224, %sub3A : i32
          %add3A_409 = arith.addi %mul3A_4, %sub3A_408 : i32
          %dma_wait3A_410 = arith.constant 0 : i32
          %dma_wait3A_411 = arith.constant 0 : i32
          %dma_wait3A_412 = arith.constant 0 : i32
          %dma_wait3A_413 = tpu.memref_slice %arg8[%dma_wait3A_410, %dma_wait3A_411, %dma_wait3A_412] : memref<2x200x64xf32, #tpu.memory_space<vmem>> -> memref<1x200x64xf32, #tpu.memory_space<vmem>>
          %dma_wait3A_414 = tpu.memref_squeeze %dma_wait3A_413 : memref<1x200x64xf32, #tpu.memory_space<vmem>> -> memref<200x64xf32, #tpu.memory_space<vmem>>
          %dma_wait3A_415 = arith.constant 0 : i32
          %dma_wait3A_416 = arith.constant 0 : i32
          %dma_wait3A_417 = tpu.memref_slice %arg5[%add3A_409, %dma_wait3A_415, %dma_wait3A_416] : memref<1024x200x64xf32, #tpu.memory_space<hbm>> -> memref<1x200x64xf32, #tpu.memory_space<hbm>>
          %dma_wait3A_418 = tpu.memref_squeeze %dma_wait3A_417 : memref<1x200x64xf32, #tpu.memory_space<hbm>> -> memref<200x64xf32, #tpu.memory_space<hbm>>
          %dma_wait3A_419 = arith.constant 0 : i32
          %dma_wait3A_420 = arith.constant 0 : i32
          %dma_wait3A_421 = tpu.memref_slice %arg5[%add3A_409, %dma_wait3A_419, %dma_wait3A_420] : memref<1024x200x64xf32, #tpu.memory_space<hbm>> -> memref<1x200x64xf32, #tpu.memory_space<hbm>>
          %dma_wait3A_422 = tpu.memref_squeeze %dma_wait3A_421 : memref<1x200x64xf32, #tpu.memory_space<hbm>> -> memref<200x64xf32, #tpu.memory_space<hbm>>
          %dma_wait3A_423 = arith.constant 0 : i32
          %dma_wait3A_424 = arith.constant 0 : i32
          %dma_wait3A_425 = tpu.memref_slice %arg8[%dma_wait3A_410, %dma_wait3A_423, %dma_wait3A_424] : memref<2x200x64xf32, #tpu.memory_space<vmem>> -> memref<1x200x64xf32, #tpu.memory_space<vmem>>
          %dma_wait3A_426 = tpu.memref_squeeze %dma_wait3A_425 : memref<1x200x64xf32, #tpu.memory_space<vmem>> -> memref<200x64xf32, #tpu.memory_space<vmem>>
          tpu.wait_dma2 semaphore(%arg11 : memref<!tpu.dma_semaphore, #tpu.memory_space<semaphore_mem>>) src(%dma_wait3A_426 : memref<200x64xf32, #tpu.memory_space<vmem>>) dst(%dma_wait3A_422 : memref<200x64xf32, #tpu.memory_space<hbm>>)
        } else {
        }
        %add3A_274 = arith.constant 1 : i32
        %add3A_275 = arith.addi %add3A_224, %add3A_274 : i32
        %scan3A_276 = arith.constant 0 : i32
        %scan3A_277 = arith.constant 12 : i32
        %scan3A_278 = arith.addi %scan3A_276, %scan3A_277 : i32
        %scan3A_279 = arith.constant 1 : i32
        scf.for %scan3A_408 = %scan3A_276 to %scan3A_278 step %scan3A_279  : i32 {
          %mul3A_409 = arith.constant 1 : i32
          %mul3A_410 = arith.muli %scan3A_408, %mul3A_409 : i32
          %add3A_411 = arith.constant 0 : i32
          %add3A_412 = arith.addi %add3A_411, %mul3A_410 : i32
          %mul3A_413 = arith.constant 200 : i32
          %mul3A_414 = arith.muli %add3A_275, %mul3A_413 : i32
          %mul3A_415 = arith.constant 16 : i32
          %mul3A_416 = arith.muli %add3A_412, %mul3A_415 : i32
          %add3A_417 = arith.addi %mul3A_414, %mul3A_416 : i32
          %get3A_418 = arith.index_cast %add3A_417 : i32 to index
          %get3A_419 = tpu.vector_load %arg6[%get3A_418] {strides = array<i32>} : memref<12816xi32, #tpu.memory_space<vmem>>, vector<16xi32>,
          %get3A_420 = vector.shape_cast %get3A_419 : vector<16xi32> to vector<16xi32>
          %slice3A_421 = vector.extract_strided_slice %get3A_420 {offsets = [0], sizes = [1], strides = [1]} : vector<16xi32> to vector<1xi32>
          %squeeze3A_422 = vector.extract %slice3A_421[0] : i32 from vector<1xi32>
          %mul3A_423 = arith.constant 16 : i32
          %mul3A_424 = arith.muli %add3A_412, %mul3A_423 : i32
          %add3A_425 = arith.constant 0 : i32
          %add3A_426 = arith.addi %mul3A_424, %add3A_425 : i32
          %dma_start3A_427 = arith.constant 0 : i32
          %dma_start3A_428 = arith.constant 0 : i32
          %dma_start3A_429 = tpu.memref_slice %arg8[%dma_start3A_427, %add3A_426, %dma_start3A_428] : memref<2x200x64xf32, #tpu.memory_space<vmem>> -> memref<1x1x64xf32, #tpu.memory_space<vmem>>
          %dma_start3A_430 = tpu.memref_squeeze %dma_start3A_429 : memref<1x1x64xf32, #tpu.memory_space<vmem>> -> memref<1x64xf32, #tpu.memory_space<vmem>>
          %dma_start3A_431 = arith.constant 0 : i32
          %dma_start3A_432 = tpu.memref_slice %arg2[%squeeze3A_422, %dma_start3A_431] : memref<1000000x64xf32, #tpu.memory_space<hbm>> -> memref<1x64xf32, #tpu.memory_space<hbm>>
          %dma_start3A_433 = arith.constant 0 : i32
          %dma_start3A_434 = tpu.memref_slice %arg8[%dma_start3A_427, %add3A_426, %dma_start3A_433] : memref<2x200x64xf32, #tpu.memory_space<vmem>> -> memref<1x1x64xf32, #tpu.memory_space<vmem>>
          %dma_start3A_435 = tpu.memref_squeeze %dma_start3A_434 : memref<1x1x64xf32, #tpu.memory_space<vmem>> -> memref<1x64xf32, #tpu.memory_space<vmem>>
          %dma_start3A_436 = arith.constant 0 : i32
          %dma_start3A_437 = tpu.memref_slice %arg2[%squeeze3A_422, %dma_start3A_436] : memref<1000000x64xf32, #tpu.memory_space<hbm>> -> memref<1x64xf32, #tpu.memory_space<hbm>>
          tpu.enqueue_dma source(%dma_start3A_437 : memref<1x64xf32, #tpu.memory_space<hbm>>) target(%dma_start3A_435 : memref<1x64xf32, #tpu.memory_space<vmem>>) target_semaphore(%arg9 : memref<!tpu.dma_semaphore, #tpu.memory_space<semaphore_mem>>)
          %slice3A_438 = vector.extract_strided_slice %get3A_420 {offsets = [1], sizes = [1], strides = [1]} : vector<16xi32> to vector<1xi32>
          %squeeze3A_439 = vector.extract %slice3A_438[0] : i32 from vector<1xi32>
          %mul3A_440 = arith.constant 16 : i32
          %mul3A_441 = arith.muli %add3A_412, %mul3A_440 : i32
          %add3A_442 = arith.constant 1 : i32
          %add3A_443 = arith.addi %mul3A_441, %add3A_442 : i32
          %dma_start3A_444 = arith.constant 0 : i32
          %dma_start3A_445 = arith.constant 0 : i32
          %dma_start3A_446 = tpu.memref_slice %arg8[%dma_start3A_444, %add3A_443, %dma_start3A_445] : memref<2x200x64xf32, #tpu.memory_space<vmem>> -> memref<1x1x64xf32, #tpu.memory_space<vmem>>
          %dma_start3A_447 = tpu.memref_squeeze %dma_start3A_446 : memref<1x1x64xf32, #tpu.memory_space<vmem>> -> memref<1x64xf32, #tpu.memory_space<vmem>>
          %dma_start3A_448 = arith.constant 0 : i32
          %dma_start3A_449 = tpu.memref_slice %arg2[%squeeze3A_439, %dma_start3A_448] : memref<1000000x64xf32, #tpu.memory_space<hbm>> -> memref<1x64xf32, #tpu.memory_space<hbm>>
          %dma_start3A_450 = arith.constant 0 : i32
          %dma_start3A_451 = tpu.memref_slice %arg8[%dma_start3A_444, %add3A_443, %dma_start3A_450] : memref<2x200x64xf32, #tpu.memory_space<vmem>> -> memref<1x1x64xf32, #tpu.memory_space<vmem>>
          %dma_start3A_452 = tpu.memref_squeeze %dma_start3A_451 : memref<1x1x64xf32, #tpu.memory_space<vmem>> -> memref<1x64xf32, #tpu.memory_space<vmem>>
          %dma_start3A_453 = arith.constant 0 : i32
          %dma_start3A_454 = tpu.memref_slice %arg2[%squeeze3A_439, %dma_start3A_453] : memref<1000000x64xf32, #tpu.memory_space<hbm>> -> memref<1x64xf32, #tpu.memory_space<hbm>>
          tpu.enqueue_dma source(%dma_start3A_454 : memref<1x64xf32, #tpu.memory_space<hbm>>) target(%dma_start3A_452 : memref<1x64xf32, #tpu.memory_space<vmem>>) target_semaphore(%arg9 : memref<!tpu.dma_semaphore, #tpu.memory_space<semaphore_mem>>)
          %slice3A_455 = vector.extract_strided_slice %get3A_420 {offsets = [2], sizes = [1], strides = [1]} : vector<16xi32> to vector<1xi32>
          %squeeze3A_456 = vector.extract %slice3A_455[0] : i32 from vector<1xi32>
          %mul3A_457 = arith.constant 16 : i32
          %mul3A_458 = arith.muli %add3A_412, %mul3A_457 : i32
          %add3A_459 = arith.constant 2 : i32
          %add3A_460 = arith.addi %mul3A_458, %add3A_459 : i32
          %dma_start3A_461 = arith.constant 0 : i32
          %dma_start3A_462 = arith.constant 0 : i32
          %dma_start3A_463 = tpu.memref_slice %arg8[%dma_start3A_461, %add3A_460, %dma_start3A_462] : memref<2x200x64xf32, #tpu.memory_space<vmem>> -> memref<1x1x64xf32, #tpu.memory_space<vmem>>
          %dma_start3A_464 = tpu.memref_squeeze %dma_start3A_463 : memref<1x1x64xf32, #tpu.memory_space<vmem>> -> memref<1x64xf32, #tpu.memory_space<vmem>>
          %dma_start3A_465 = arith.constant 0 : i32
          %dma_start3A_466 = tpu.memref_slice %arg2[%squeeze3A_456, %dma_start3A_465] : memref<1000000x64xf32, #tpu.memory_space<hbm>> -> memref<1x64xf32, #tpu.memory_space<hbm>>
          %dma_start3A_467 = arith.constant 0 : i32
          %dma_start3A_468 = tpu.memref_slice %arg8[%dma_start3A_461, %add3A_460, %dma_start3A_467] : memref<2x200x64xf32, #tpu.memory_space<vmem>> -> memref<1x1x64xf32, #tpu.memory_space<vmem>>
          %dma_start3A_469 = tpu.memref_squeeze %dma_start3A_468 : memref<1x1x64xf32, #tpu.memory_space<vmem>> -> memref<1x64xf32, #tpu.memory_space<vmem>>
          %dma_start3A_470 = arith.constant 0 : i32
          %dma_start3A_471 = tpu.memref_slice %arg2[%squeeze3A_456, %dma_start3A_470] : memref<1000000x64xf32, #tpu.memory_space<hbm>> -> memref<1x64xf32, #tpu.memory_space<hbm>>
          tpu.enqueue_dma source(%dma_start3A_471 : memref<1x64xf32, #tpu.memory_space<hbm>>) target(%dma_start3A_469 : memref<1x64xf32, #tpu.memory_space<vmem>>) target_semaphore(%arg9 : memref<!tpu.dma_semaphore, #tpu.memory_space<semaphore_mem>>)
          %slice3A_472 = vector.extract_strided_slice %get3A_420 {offsets = [3], sizes = [1], strides = [1]} : vector<16xi32> to vector<1xi32>
          %squeeze3A_473 = vector.extract %slice3A_472[0] : i32 from vector<1xi32>
          %mul3A_474 = arith.constant 16 : i32
          %mul3A_475 = arith.muli %add3A_412, %mul3A_474 : i32
          %add3A_476 = arith.constant 3 : i32
          %add3A_477 = arith.addi %mul3A_475, %add3A_476 : i32
          %dma_start3A_478 = arith.constant 0 : i32
          %dma_start3A_479 = arith.constant 0 : i32
          %dma_start3A_480 = tpu.memref_slice %arg8[%dma_start3A_478, %add3A_477, %dma_start3A_479] : memref<2x200x64xf32, #tpu.memory_space<vmem>> -> memref<1x1x64xf32, #tpu.memory_space<vmem>>
          %dma_start3A_481 = tpu.memref_squeeze %dma_start3A_480 : memref<1x1x64xf32, #tpu.memory_space<vmem>> -> memref<1x64xf32, #tpu.memory_space<vmem>>
          %dma_start3A_482 = arith.constant 0 : i32
          %dma_start3A_483 = tpu.memref_slice %arg2[%squeeze3A_473, %dma_start3A_482] : memref<1000000x64xf32, #tpu.memory_space<hbm>> -> memref<1x64xf32, #tpu.memory_space<hbm>>
          %dma_start3A_484 = arith.constant 0 : i32
          %dma_start3A_485 = tpu.memref_slice %arg8[%dma_start3A_478, %add3A_477, %dma_start3A_484] : memref<2x200x64xf32, #tpu.memory_space<vmem>> -> memref<1x1x64xf32, #tpu.memory_space<vmem>>
          %dma_start3A_486 = tpu.memref_squeeze %dma_start3A_485 : memref<1x1x64xf32, #tpu.memory_space<vmem>> -> memref<1x64xf32, #tpu.memory_space<vmem>>
          %dma_start3A_487 = arith.constant 0 : i32
          %dma_start3A_488 = tpu.memref_slice %arg2[%squeeze3A_473, %dma_start3A_487] : memref<1000000x64xf32, #tpu.memory_space<hbm>> -> memref<1x64xf32, #tpu.memory_space<hbm>>
          tpu.enqueue_dma source(%dma_start3A_488 : memref<1x64xf32, #tpu.memory_space<hbm>>) target(%dma_start3A_486 : memref<1x64xf32, #tpu.memory_space<vmem>>) target_semaphore(%arg9 : memref<!tpu.dma_semaphore, #tpu.memory_space<semaphore_mem>>)
          %slice3A_489 = vector.extract_strided_slice %get3A_420 {offsets = [4], sizes = [1], strides = [1]} : vector<16xi32> to vector<1xi32>
          %squeeze3A_490 = vector.extract %slice3A_489[0] : i32 from vector<1xi32>
          %mul3A_491 = arith.constant 16 : i32
          %mul3A_492 = arith.muli %add3A_412, %mul3A_491 : i32
          %add3A_493 = arith.constant 4 : i32
          %add3A_494 = arith.addi %mul3A_492, %add3A_493 : i32
          %dma_start3A_495 = arith.constant 0 : i32
          %dma_start3A_496 = arith.constant 0 : i32
          %dma_start3A_497 = tpu.memref_slice %arg8[%dma_start3A_495, %add3A_494, %dma_start3A_496] : memref<2x200x64xf32, #tpu.memory_space<vmem>> -> memref<1x1x64xf32, #tpu.memory_space<vmem>>
          %dma_start3A_498 = tpu.memref_squeeze %dma_start3A_497 : memref<1x1x64xf32, #tpu.memory_space<vmem>> -> memref<1x64xf32, #tpu.memory_space<vmem>>
          %dma_start3A_499 = arith.constant 0 : i32
          %dma_start3A_500 = tpu.memref_slice %arg2[%squeeze3A_490, %dma_start3A_499] : memref<1000000x64xf32, #tpu.memory_space<hbm>> -> memref<1x64xf32, #tpu.memory_space<hbm>>
          %dma_start3A_501 = arith.constant 0 : i32
          %dma_start3A_502 = tpu.memref_slice %arg8[%dma_start3A_495, %add3A_494, %dma_start3A_501] : memref<2x200x64xf32, #tpu.memory_space<vmem>> -> memref<1x1x64xf32, #tpu.memory_space<vmem>>
          %dma_start3A_503 = tpu.memref_squeeze %dma_start3A_502 : memref<1x1x64xf32, #tpu.memory_space<vmem>> -> memref<1x64xf32, #tpu.memory_space<vmem>>
          %dma_start3A_504 = arith.constant 0 : i32
          %dma_start3A_505 = tpu.memref_slice %arg2[%squeeze3A_490, %dma_start3A_504] : memref<1000000x64xf32, #tpu.memory_space<hbm>> -> memref<1x64xf32, #tpu.memory_space<hbm>>
          tpu.enqueue_dma source(%dma_start3A_505 : memref<1x64xf32, #tpu.memory_space<hbm>>) target(%dma_start3A_503 : memref<1x64xf32, #tpu.memory_space<vmem>>) target_semaphore(%arg9 : memref<!tpu.dma_semaphore, #tpu.memory_space<semaphore_mem>>)
          %slice3A_506 = vector.extract_strided_slice %get3A_420 {offsets = [5], sizes = [1], strides = [1]} : vector<16xi32> to vector<1xi32>
          %squeeze3A_507 = vector.extract %slice3A_506[0] : i32 from vector<1xi32>
          %mul3A_508 = arith.constant 16 : i32
          %mul3A_509 = arith.muli %add3A_412, %mul3A_508 : i32
          %add3A_510 = arith.constant 5 : i32
          %add3A_511 = arith.addi %mul3A_509, %add3A_510 : i32
          %dma_start3A_512 = arith.constant 0 : i32
          %dma_start3A_513 = arith.constant 0 : i32
          %dma_start3A_514 = tpu.memref_slice %arg8[%dma_start3A_512, %add3A_511, %dma_start3A_513] : memref<2x200x64xf32, #tpu.memory_space<vmem>> -> memref<1x1x64xf32, #tpu.memory_space<vmem>>
          %dma_start3A_515 = tpu.memref_squeeze %dma_start3A_514 : memref<1x1x64xf32, #tpu.memory_space<vmem>> -> memref<1x64xf32, #tpu.memory_space<vmem>>
          %dma_start3A_516 = arith.constant 0 : i32
          %dma_start3A_517 = tpu.memref_slice %arg2[%squeeze3A_507, %dma_start3A_516] : memref<1000000x64xf32, #tpu.memory_space<hbm>> -> memref<1x64xf32, #tpu.memory_space<hbm>>
          %dma_start3A_518 = arith.constant 0 : i32
          %dma_start3A_519 = tpu.memref_slice %arg8[%dma_start3A_512, %add3A_511, %dma_start3A_518] : memref<2x200x64xf32, #tpu.memory_space<vmem>> -> memref<1x1x64xf32, #tpu.memory_space<vmem>>
          %dma_start3A_520 = tpu.memref_squeeze %dma_start3A_519 : memref<1x1x64xf32, #tpu.memory_space<vmem>> -> memref<1x64xf32, #tpu.memory_space<vmem>>
          %dma_start3A_521 = arith.constant 0 : i32
          %dma_start3A_522 = tpu.memref_slice %arg2[%squeeze3A_507, %dma_start3A_521] : memref<1000000x64xf32, #tpu.memory_space<hbm>> -> memref<1x64xf32, #tpu.memory_space<hbm>>
          tpu.enqueue_dma source(%dma_start3A_522 : memref<1x64xf32, #tpu.memory_space<hbm>>) target(%dma_start3A_520 : memref<1x64xf32, #tpu.memory_space<vmem>>) target_semaphore(%arg9 : memref<!tpu.dma_semaphore, #tpu.memory_space<semaphore_mem>>)
          %slice3A_523 = vector.extract_strided_slice %get3A_420 {offsets = [6], sizes = [1], strides = [1]} : vector<16xi32> to vector<1xi32>
          %squeeze3A_524 = vector.extract %slice3A_523[0] : i32 from vector<1xi32>
          %mul3A_525 = arith.constant 16 : i32
          %mul3A_526 = arith.muli %add3A_412, %mul3A_525 : i32
          %add3A_527 = arith.constant 6 : i32
          %add3A_528 = arith.addi %mul3A_526, %add3A_527 : i32
          %dma_start3A_529 = arith.constant 0 : i32
          %dma_start3A_530 = arith.constant 0 : i32
          %dma_start3A_531 = tpu.memref_slice %arg8[%dma_start3A_529, %add3A_528, %dma_start3A_530] : memref<2x200x64xf32, #tpu.memory_space<vmem>> -> memref<1x1x64xf32, #tpu.memory_space<vmem>>
          %dma_start3A_532 = tpu.memref_squeeze %dma_start3A_531 : memref<1x1x64xf32, #tpu.memory_space<vmem>> -> memref<1x64xf32, #tpu.memory_space<vmem>>
          %dma_start3A_533 = arith.constant 0 : i32
          %dma_start3A_534 = tpu.memref_slice %arg2[%squeeze3A_524, %dma_start3A_533] : memref<1000000x64xf32, #tpu.memory_space<hbm>> -> memref<1x64xf32, #tpu.memory_space<hbm>>
          %dma_start3A_535 = arith.constant 0 : i32
          %dma_start3A_536 = tpu.memref_slice %arg8[%dma_start3A_529, %add3A_528, %dma_start3A_535] : memref<2x200x64xf32, #tpu.memory_space<vmem>> -> memref<1x1x64xf32, #tpu.memory_space<vmem>>
          %dma_start3A_537 = tpu.memref_squeeze %dma_start3A_536 : memref<1x1x64xf32, #tpu.memory_space<vmem>> -> memref<1x64xf32, #tpu.memory_space<vmem>>
          %dma_start3A_538 = arith.constant 0 : i32
          %dma_start3A_539 = tpu.memref_slice %arg2[%squeeze3A_524, %dma_start3A_538] : memref<1000000x64xf32, #tpu.memory_space<hbm>> -> memref<1x64xf32, #tpu.memory_space<hbm>>
          tpu.enqueue_dma source(%dma_start3A_539 : memref<1x64xf32, #tpu.memory_space<hbm>>) target(%dma_start3A_537 : memref<1x64xf32, #tpu.memory_space<vmem>>) target_semaphore(%arg9 : memref<!tpu.dma_semaphore, #tpu.memory_space<semaphore_mem>>)
          %slice3A_540 = vector.extract_strided_slice %get3A_420 {offsets = [7], sizes = [1], strides = [1]} : vector<16xi32> to vector<1xi32>
          %squeeze3A_541 = vector.extract %slice3A_540[0] : i32 from vector<1xi32>
          %mul3A_542 = arith.constant 16 : i32
          %mul3A_543 = arith.muli %add3A_412, %mul3A_542 : i32
          %add3A_544 = arith.constant 7 : i32
          %add3A_545 = arith.addi %mul3A_543, %add3A_544 : i32
          %dma_start3A_546 = arith.constant 0 : i32
          %dma_start3A_547 = arith.constant 0 : i32
          %dma_start3A_548 = tpu.memref_slice %arg8[%dma_start3A_546, %add3A_545, %dma_start3A_547] : memref<2x200x64xf32, #tpu.memory_space<vmem>> -> memref<1x1x64xf32, #tpu.memory_space<vmem>>
          %dma_start3A_549 = tpu.memref_squeeze %dma_start3A_548 : memref<1x1x64xf32, #tpu.memory_space<vmem>> -> memref<1x64xf32, #tpu.memory_space<vmem>>
          %dma_start3A_550 = arith.constant 0 : i32
          %dma_start3A_551 = tpu.memref_slice %arg2[%squeeze3A_541, %dma_start3A_550] : memref<1000000x64xf32, #tpu.memory_space<hbm>> -> memref<1x64xf32, #tpu.memory_space<hbm>>
          %dma_start3A_552 = arith.constant 0 : i32
          %dma_start3A_553 = tpu.memref_slice %arg8[%dma_start3A_546, %add3A_545, %dma_start3A_552] : memref<2x200x64xf32, #tpu.memory_space<vmem>> -> memref<1x1x64xf32, #tpu.memory_space<vmem>>
          %dma_start3A_554 = tpu.memref_squeeze %dma_start3A_553 : memref<1x1x64xf32, #tpu.memory_space<vmem>> -> memref<1x64xf32, #tpu.memory_space<vmem>>
          %dma_start3A_555 = arith.constant 0 : i32
          %dma_start3A_556 = tpu.memref_slice %arg2[%squeeze3A_541, %dma_start3A_555] : memref<1000000x64xf32, #tpu.memory_space<hbm>> -> memref<1x64xf32, #tpu.memory_space<hbm>>
          tpu.enqueue_dma source(%dma_start3A_556 : memref<1x64xf32, #tpu.memory_space<hbm>>) target(%dma_start3A_554 : memref<1x64xf32, #tpu.memory_space<vmem>>) target_semaphore(%arg9 : memref<!tpu.dma_semaphore, #tpu.memory_space<semaphore_mem>>)
          %slice3A_557 = vector.extract_strided_slice %get3A_420 {offsets = [8], sizes = [1], strides = [1]} : vector<16xi32> to vector<1xi32>
          %squeeze3A_558 = vector.extract %slice3A_557[0] : i32 from vector<1xi32>
          %mul3A_559 = arith.constant 16 : i32
          %mul3A_560 = arith.muli %add3A_412, %mul3A_559 : i32
          %add3A_561 = arith.constant 8 : i32
          %add3A_562 = arith.addi %mul3A_560, %add3A_561 : i32
          %dma_start3A_563 = arith.constant 0 : i32
          %dma_start3A_564 = arith.constant 0 : i32
          %dma_start3A_565 = tpu.memref_slice %arg8[%dma_start3A_563, %add3A_562, %dma_start3A_564] : memref<2x200x64xf32, #tpu.memory_space<vmem>> -> memref<1x1x64xf32, #tpu.memory_space<vmem>>
          %dma_start3A_566 = tpu.memref_squeeze %dma_start3A_565 : memref<1x1x64xf32, #tpu.memory_space<vmem>> -> memref<1x64xf32, #tpu.memory_space<vmem>>
          %dma_start3A_567 = arith.constant 0 : i32
          %dma_start3A_568 = tpu.memref_slice %arg2[%squeeze3A_558, %dma_start3A_567] : memref<1000000x64xf32, #tpu.memory_space<hbm>> -> memref<1x64xf32, #tpu.memory_space<hbm>>
          %dma_start3A_569 = arith.constant 0 : i32
          %dma_start3A_570 = tpu.memref_slice %arg8[%dma_start3A_563, %add3A_562, %dma_start3A_569] : memref<2x200x64xf32, #tpu.memory_space<vmem>> -> memref<1x1x64xf32, #tpu.memory_space<vmem>>
          %dma_start3A_571 = tpu.memref_squeeze %dma_start3A_570 : memref<1x1x64xf32, #tpu.memory_space<vmem>> -> memref<1x64xf32, #tpu.memory_space<vmem>>
          %dma_start3A_572 = arith.constant 0 : i32
          %dma_start3A_573 = tpu.memref_slice %arg2[%squeeze3A_558, %dma_start3A_572] : memref<1000000x64xf32, #tpu.memory_space<hbm>> -> memref<1x64xf32, #tpu.memory_space<hbm>>
          tpu.enqueue_dma source(%dma_start3A_573 : memref<1x64xf32, #tpu.memory_space<hbm>>) target(%dma_start3A_571 : memref<1x64xf32, #tpu.memory_space<vmem>>) target_semaphore(%arg9 : memref<!tpu.dma_semaphore, #tpu.memory_space<semaphore_mem>>)
          %slice3A_574 = vector.extract_strided_slice %get3A_420 {offsets = [9], sizes = [1], strides = [1]} : vector<16xi32> to vector<1xi32>
          %squeeze3A_575 = vector.extract %slice3A_574[0] : i32 from vector<1xi32>
          %mul3A_576 = arith.constant 16 : i32
          %mul3A_577 = arith.muli %add3A_412, %mul3A_576 : i32
          %add3A_578 = arith.constant 9 : i32
          %add3A_579 = arith.addi %mul3A_577, %add3A_578 : i32
          %dma_start3A_580 = arith.constant 0 : i32
          %dma_start3A_581 = arith.constant 0 : i32
          %dma_start3A_582 = tpu.memref_slice %arg8[%dma_start3A_580, %add3A_579, %dma_start3A_581] : memref<2x200x64xf32, #tpu.memory_space<vmem>> -> memref<1x1x64xf32, #tpu.memory_space<vmem>>
          %dma_start3A_583 = tpu.memref_squeeze %dma_start3A_582 : memref<1x1x64xf32, #tpu.memory_space<vmem>> -> memref<1x64xf32, #tpu.memory_space<vmem>>
          %dma_start3A_584 = arith.constant 0 : i32
          %dma_start3A_585 = tpu.memref_slice %arg2[%squeeze3A_575, %dma_start3A_584] : memref<1000000x64xf32, #tpu.memory_space<hbm>> -> memref<1x64xf32, #tpu.memory_space<hbm>>
          %dma_start3A_586 = arith.constant 0 : i32
          %dma_start3A_587 = tpu.memref_slice %arg8[%dma_start3A_580, %add3A_579, %dma_start3A_586] : memref<2x200x64xf32, #tpu.memory_space<vmem>> -> memref<1x1x64xf32, #tpu.memory_space<vmem>>
          %dma_start3A_588 = tpu.memref_squeeze %dma_start3A_587 : memref<1x1x64xf32, #tpu.memory_space<vmem>> -> memref<1x64xf32, #tpu.memory_space<vmem>>
          %dma_start3A_589 = arith.constant 0 : i32
          %dma_start3A_590 = tpu.memref_slice %arg2[%squeeze3A_575, %dma_start3A_589] : memref<1000000x64xf32, #tpu.memory_space<hbm>> -> memref<1x64xf32, #tpu.memory_space<hbm>>
          tpu.enqueue_dma source(%dma_start3A_590 : memref<1x64xf32, #tpu.memory_space<hbm>>) target(%dma_start3A_588 : memref<1x64xf32, #tpu.memory_space<vmem>>) target_semaphore(%arg9 : memref<!tpu.dma_semaphore, #tpu.memory_space<semaphore_mem>>)
          %slice3A_591 = vector.extract_strided_slice %get3A_420 {offsets = [10], sizes = [1], strides = [1]} : vector<16xi32> to vector<1xi32>
          %squeeze3A_592 = vector.extract %slice3A_591[0] : i32 from vector<1xi32>
          %mul3A_593 = arith.constant 16 : i32
          %mul3A_594 = arith.muli %add3A_412, %mul3A_593 : i32
          %add3A_595 = arith.constant 10 : i32
          %add3A_596 = arith.addi %mul3A_594, %add3A_595 : i32
          %dma_start3A_597 = arith.constant 0 : i32
          %dma_start3A_598 = arith.constant 0 : i32
          %dma_start3A_599 = tpu.memref_slice %arg8[%dma_start3A_597, %add3A_596, %dma_start3A_598] : memref<2x200x64xf32, #tpu.memory_space<vmem>> -> memref<1x1x64xf32, #tpu.memory_space<vmem>>
          %dma_start3A_600 = tpu.memref_squeeze %dma_start3A_599 : memref<1x1x64xf32, #tpu.memory_space<vmem>> -> memref<1x64xf32, #tpu.memory_space<vmem>>
          %dma_start3A_601 = arith.constant 0 : i32
          %dma_start3A_602 = tpu.memref_slice %arg2[%squeeze3A_592, %dma_start3A_601] : memref<1000000x64xf32, #tpu.memory_space<hbm>> -> memref<1x64xf32, #tpu.memory_space<hbm>>
          %dma_start3A_603 = arith.constant 0 : i32
          %dma_start3A_604 = tpu.memref_slice %arg8[%dma_start3A_597, %add3A_596, %dma_start3A_603] : memref<2x200x64xf32, #tpu.memory_space<vmem>> -> memref<1x1x64xf32, #tpu.memory_space<vmem>>
          %dma_start3A_605 = tpu.memref_squeeze %dma_start3A_604 : memref<1x1x64xf32, #tpu.memory_space<vmem>> -> memref<1x64xf32, #tpu.memory_space<vmem>>
          %dma_start3A_606 = arith.constant 0 : i32
          %dma_start3A_607 = tpu.memref_slice %arg2[%squeeze3A_592, %dma_start3A_606] : memref<1000000x64xf32, #tpu.memory_space<hbm>> -> memref<1x64xf32, #tpu.memory_space<hbm>>
          tpu.enqueue_dma source(%dma_start3A_607 : memref<1x64xf32, #tpu.memory_space<hbm>>) target(%dma_start3A_605 : memref<1x64xf32, #tpu.memory_space<vmem>>) target_semaphore(%arg9 : memref<!tpu.dma_semaphore, #tpu.memory_space<semaphore_mem>>)
          %slice3A_608 = vector.extract_strided_slice %get3A_420 {offsets = [11], sizes = [1], strides = [1]} : vector<16xi32> to vector<1xi32>
          %squeeze3A_609 = vector.extract %slice3A_608[0] : i32 from vector<1xi32>
          %mul3A_610 = arith.constant 16 : i32
          %mul3A_611 = arith.muli %add3A_412, %mul3A_610 : i32
          %add3A_612 = arith.constant 11 : i32
          %add3A_613 = arith.addi %mul3A_611, %add3A_612 : i32
          %dma_start3A_614 = arith.constant 0 : i32
          %dma_start3A_615 = arith.constant 0 : i32
          %dma_start3A_616 = tpu.memref_slice %arg8[%dma_start3A_614, %add3A_613, %dma_start3A_615] : memref<2x200x64xf32, #tpu.memory_space<vmem>> -> memref<1x1x64xf32, #tpu.memory_space<vmem>>
          %dma_start3A_617 = tpu.memref_squeeze %dma_start3A_616 : memref<1x1x64xf32, #tpu.memory_space<vmem>> -> memref<1x64xf32, #tpu.memory_space<vmem>>
          %dma_start3A_618 = arith.constant 0 : i32
          %dma_start3A_619 = tpu.memref_slice %arg2[%squeeze3A_609, %dma_start3A_618] : memref<1000000x64xf32, #tpu.memory_space<hbm>> -> memref<1x64xf32, #tpu.memory_space<hbm>>
          %dma_start3A_620 = arith.constant 0 : i32
          %dma_start3A_621 = tpu.memref_slice %arg8[%dma_start3A_614, %add3A_613, %dma_start3A_620] : memref<2x200x64xf32, #tpu.memory_space<vmem>> -> memref<1x1x64xf32, #tpu.memory_space<vmem>>
          %dma_start3A_622 = tpu.memref_squeeze %dma_start3A_621 : memref<1x1x64xf32, #tpu.memory_space<vmem>> -> memref<1x64xf32, #tpu.memory_space<vmem>>
          %dma_start3A_623 = arith.constant 0 : i32
          %dma_start3A_624 = tpu.memref_slice %arg2[%squeeze3A_609, %dma_start3A_623] : memref<1000000x64xf32, #tpu.memory_space<hbm>> -> memref<1x64xf32, #tpu.memory_space<hbm>>
          tpu.enqueue_dma source(%dma_start3A_624 : memref<1x64xf32, #tpu.memory_space<hbm>>) target(%dma_start3A_622 : memref<1x64xf32, #tpu.memory_space<vmem>>) target_semaphore(%arg9 : memref<!tpu.dma_semaphore, #tpu.memory_space<semaphore_mem>>)
          %slice3A_625 = vector.extract_strided_slice %get3A_420 {offsets = [12], sizes = [1], strides = [1]} : vector<16xi32> to vector<1xi32>
          %squeeze3A_626 = vector.extract %slice3A_625[0] : i32 from vector<1xi32>
          %mul3A_627 = arith.constant 16 : i32
          %mul3A_628 = arith.muli %add3A_412, %mul3A_627 : i32
          %add3A_629 = arith.constant 12 : i32
          %add3A_630 = arith.addi %mul3A_628, %add3A_629 : i32
          %dma_start3A_631 = arith.constant 0 : i32
          %dma_start3A_632 = arith.constant 0 : i32
          %dma_start3A_633 = tpu.memref_slice %arg8[%dma_start3A_631, %add3A_630, %dma_start3A_632] : memref<2x200x64xf32, #tpu.memory_space<vmem>> -> memref<1x1x64xf32, #tpu.memory_space<vmem>>
          %dma_start3A_634 = tpu.memref_squeeze %dma_start3A_633 : memref<1x1x64xf32, #tpu.memory_space<vmem>> -> memref<1x64xf32, #tpu.memory_space<vmem>>
          %dma_start3A_635 = arith.constant 0 : i32
          %dma_start3A_636 = tpu.memref_slice %arg2[%squeeze3A_626, %dma_start3A_635] : memref<1000000x64xf32, #tpu.memory_space<hbm>> -> memref<1x64xf32, #tpu.memory_space<hbm>>
          %dma_start3A_637 = arith.constant 0 : i32
          %dma_start3A_638 = tpu.memref_slice %arg8[%dma_start3A_631, %add3A_630, %dma_start3A_637] : memref<2x200x64xf32, #tpu.memory_space<vmem>> -> memref<1x1x64xf32, #tpu.memory_space<vmem>>
          %dma_start3A_639 = tpu.memref_squeeze %dma_start3A_638 : memref<1x1x64xf32, #tpu.memory_space<vmem>> -> memref<1x64xf32, #tpu.memory_space<vmem>>
          %dma_start3A_640 = arith.constant 0 : i32
          %dma_start3A_641 = tpu.memref_slice %arg2[%squeeze3A_626, %dma_start3A_640] : memref<1000000x64xf32, #tpu.memory_space<hbm>> -> memref<1x64xf32, #tpu.memory_space<hbm>>
          tpu.enqueue_dma source(%dma_start3A_641 : memref<1x64xf32, #tpu.memory_space<hbm>>) target(%dma_start3A_639 : memref<1x64xf32, #tpu.memory_space<vmem>>) target_semaphore(%arg9 : memref<!tpu.dma_semaphore, #tpu.memory_space<semaphore_mem>>)
          %slice3A_642 = vector.extract_strided_slice %get3A_420 {offsets = [13], sizes = [1], strides = [1]} : vector<16xi32> to vector<1xi32>
          %squeeze3A_643 = vector.extract %slice3A_642[0] : i32 from vector<1xi32>
          %mul3A_644 = arith.constant 16 : i32
          %mul3A_645 = arith.muli %add3A_412, %mul3A_644 : i32
          %add3A_646 = arith.constant 13 : i32
          %add3A_647 = arith.addi %mul3A_645, %add3A_646 : i32
          %dma_start3A_648 = arith.constant 0 : i32
          %dma_start3A_649 = arith.constant 0 : i32
          %dma_start3A_650 = tpu.memref_slice %arg8[%dma_start3A_648, %add3A_647, %dma_start3A_649] : memref<2x200x64xf32, #tpu.memory_space<vmem>> -> memref<1x1x64xf32, #tpu.memory_space<vmem>>
          %dma_start3A_651 = tpu.memref_squeeze %dma_start3A_650 : memref<1x1x64xf32, #tpu.memory_space<vmem>> -> memref<1x64xf32, #tpu.memory_space<vmem>>
          %dma_start3A_652 = arith.constant 0 : i32
          %dma_start3A_653 = tpu.memref_slice %arg2[%squeeze3A_643, %dma_start3A_652] : memref<1000000x64xf32, #tpu.memory_space<hbm>> -> memref<1x64xf32, #tpu.memory_space<hbm>>
          %dma_start3A_654 = arith.constant 0 : i32
          %dma_start3A_655 = tpu.memref_slice %arg8[%dma_start3A_648, %add3A_647, %dma_start3A_654] : memref<2x200x64xf32, #tpu.memory_space<vmem>> -> memref<1x1x64xf32, #tpu.memory_space<vmem>>
          %dma_start3A_656 = tpu.memref_squeeze %dma_start3A_655 : memref<1x1x64xf32, #tpu.memory_space<vmem>> -> memref<1x64xf32, #tpu.memory_space<vmem>>
          %dma_start3A_657 = arith.constant 0 : i32
          %dma_start3A_658 = tpu.memref_slice %arg2[%squeeze3A_643, %dma_start3A_657] : memref<1000000x64xf32, #tpu.memory_space<hbm>> -> memref<1x64xf32, #tpu.memory_space<hbm>>
          tpu.enqueue_dma source(%dma_start3A_658 : memref<1x64xf32, #tpu.memory_space<hbm>>) target(%dma_start3A_656 : memref<1x64xf32, #tpu.memory_space<vmem>>) target_semaphore(%arg9 : memref<!tpu.dma_semaphore, #tpu.memory_space<semaphore_mem>>)
          %slice3A_659 = vector.extract_strided_slice %get3A_420 {offsets = [14], sizes = [1], strides = [1]} : vector<16xi32> to vector<1xi32>
          %squeeze3A_660 = vector.extract %slice3A_659[0] : i32 from vector<1xi32>
          %mul3A_661 = arith.constant 16 : i32
          %mul3A_662 = arith.muli %add3A_412, %mul3A_661 : i32
          %add3A_663 = arith.constant 14 : i32
          %add3A_664 = arith.addi %mul3A_662, %add3A_663 : i32
          %dma_start3A_665 = arith.constant 0 : i32
          %dma_start3A_666 = arith.constant 0 : i32
          %dma_start3A_667 = tpu.memref_slice %arg8[%dma_start3A_665, %add3A_664, %dma_start3A_666] : memref<2x200x64xf32, #tpu.memory_space<vmem>> -> memref<1x1x64xf32, #tpu.memory_space<vmem>>
          %dma_start3A_668 = tpu.memref_squeeze %dma_start3A_667 : memref<1x1x64xf32, #tpu.memory_space<vmem>> -> memref<1x64xf32, #tpu.memory_space<vmem>>
          %dma_start3A_669 = arith.constant 0 : i32
          %dma_start3A_670 = tpu.memref_slice %arg2[%squeeze3A_660, %dma_start3A_669] : memref<1000000x64xf32, #tpu.memory_space<hbm>> -> memref<1x64xf32, #tpu.memory_space<hbm>>
          %dma_start3A_671 = arith.constant 0 : i32
          %dma_start3A_672 = tpu.memref_slice %arg8[%dma_start3A_665, %add3A_664, %dma_start3A_671] : memref<2x200x64xf32, #tpu.memory_space<vmem>> -> memref<1x1x64xf32, #tpu.memory_space<vmem>>
          %dma_start3A_673 = tpu.memref_squeeze %dma_start3A_672 : memref<1x1x64xf32, #tpu.memory_space<vmem>> -> memref<1x64xf32, #tpu.memory_space<vmem>>
          %dma_start3A_674 = arith.constant 0 : i32
          %dma_start3A_675 = tpu.memref_slice %arg2[%squeeze3A_660, %dma_start3A_674] : memref<1000000x64xf32, #tpu.memory_space<hbm>> -> memref<1x64xf32, #tpu.memory_space<hbm>>
          tpu.enqueue_dma source(%dma_start3A_675 : memref<1x64xf32, #tpu.memory_space<hbm>>) target(%dma_start3A_673 : memref<1x64xf32, #tpu.memory_space<vmem>>) target_semaphore(%arg9 : memref<!tpu.dma_semaphore, #tpu.memory_space<semaphore_mem>>)
          %slice3A_676 = vector.extract_strided_slice %get3A_420 {offsets = [15], sizes = [1], strides = [1]} : vector<16xi32> to vector<1xi32>
          %squeeze3A_677 = vector.extract %slice3A_676[0] : i32 from vector<1xi32>
          %mul3A_678 = arith.constant 16 : i32
          %mul3A_679 = arith.muli %add3A_412, %mul3A_678 : i32
          %add3A_680 = arith.constant 15 : i32
          %add3A_681 = arith.addi %mul3A_679, %add3A_680 : i32
          %dma_start3A_682 = arith.constant 0 : i32
          %dma_start3A_683 = arith.constant 0 : i32
          %dma_start3A_684 = tpu.memref_slice %arg8[%dma_start3A_682, %add3A_681, %dma_start3A_683] : memref<2x200x64xf32, #tpu.memory_space<vmem>> -> memref<1x1x64xf32, #tpu.memory_space<vmem>>
          %dma_start3A_685 = tpu.memref_squeeze %dma_start3A_684 : memref<1x1x64xf32, #tpu.memory_space<vmem>> -> memref<1x64xf32, #tpu.memory_space<vmem>>
          %dma_start3A_686 = arith.constant 0 : i32
          %dma_start3A_687 = tpu.memref_slice %arg2[%squeeze3A_677, %dma_start3A_686] : memref<1000000x64xf32, #tpu.memory_space<hbm>> -> memref<1x64xf32, #tpu.memory_space<hbm>>
          %dma_start3A_688 = arith.constant 0 : i32
          %dma_start3A_689 = tpu.memref_slice %arg8[%dma_start3A_682, %add3A_681, %dma_start3A_688] : memref<2x200x64xf32, #tpu.memory_space<vmem>> -> memref<1x1x64xf32, #tpu.memory_space<vmem>>
          %dma_start3A_690 = tpu.memref_squeeze %dma_start3A_689 : memref<1x1x64xf32, #tpu.memory_space<vmem>> -> memref<1x64xf32, #tpu.memory_space<vmem>>
          %dma_start3A_691 = arith.constant 0 : i32
          %dma_start3A_692 = tpu.memref_slice %arg2[%squeeze3A_677, %dma_start3A_691] : memref<1000000x64xf32, #tpu.memory_space<hbm>> -> memref<1x64xf32, #tpu.memory_space<hbm>>
          tpu.enqueue_dma source(%dma_start3A_692 : memref<1x64xf32, #tpu.memory_space<hbm>>) target(%dma_start3A_690 : memref<1x64xf32, #tpu.memory_space<vmem>>) target_semaphore(%arg9 : memref<!tpu.dma_semaphore, #tpu.memory_space<semaphore_mem>>)
        }
        %scan3A_280 = arith.constant 12 : i32
        %mul3A_281 = arith.constant 200 : i32
        %mul3A_282 = arith.muli %add3A_275, %mul3A_281 : i32
        %add3A_283 = arith.constant 192 : i32
        %add3A_284 = arith.addi %mul3A_282, %add3A_283 : i32
        %get3A_285 = arith.index_cast %add3A_284 : i32 to index
        %get3A_286 = tpu.vector_load %arg6[%get3A_285] {strides = array<i32>} : memref<12816xi32, #tpu.memory_space<vmem>>, vector<16xi32>,
        %get3A_287 = vector.shape_cast %get3A_286 : vector<16xi32> to vector<16xi32>
        %slice3A_288 = vector.extract_strided_slice %get3A_287 {offsets = [0], sizes = [1], strides = [1]} : vector<16xi32> to vector<1xi32>
        %squeeze3A_289 = vector.extract %slice3A_288[0] : i32 from vector<1xi32>
        %dma_start3A_290 = arith.constant 0 : i32
        %dma_start3A_291 = arith.constant 192 : i32
        %dma_start3A_292 = arith.constant 0 : i32
        %dma_start3A_293 = tpu.memref_slice %arg8[%dma_start3A_290, %dma_start3A_291, %dma_start3A_292] : memref<2x200x64xf32, #tpu.memory_space<vmem>> -> memref<1x1x64xf32, #tpu.memory_space<vmem>>
        %dma_start3A_294 = tpu.memref_squeeze %dma_start3A_293 : memref<1x1x64xf32, #tpu.memory_space<vmem>> -> memref<1x64xf32, #tpu.memory_space<vmem>>
        %dma_start3A_295 = arith.constant 0 : i32
        %dma_start3A_296 = tpu.memref_slice %arg2[%squeeze3A_289, %dma_start3A_295] : memref<1000000x64xf32, #tpu.memory_space<hbm>> -> memref<1x64xf32, #tpu.memory_space<hbm>>
        %dma_start3A_297 = arith.constant 192 : i32
        %dma_start3A_298 = arith.constant 0 : i32
        %dma_start3A_299 = tpu.memref_slice %arg8[%dma_start3A_290, %dma_start3A_297, %dma_start3A_298] : memref<2x200x64xf32, #tpu.memory_space<vmem>> -> memref<1x1x64xf32, #tpu.memory_space<vmem>>
        %dma_start3A_300 = tpu.memref_squeeze %dma_start3A_299 : memref<1x1x64xf32, #tpu.memory_space<vmem>> -> memref<1x64xf32, #tpu.memory_space<vmem>>
        %dma_start3A_301 = arith.constant 0 : i32
        %dma_start3A_302 = tpu.memref_slice %arg2[%squeeze3A_289, %dma_start3A_301] : memref<1000000x64xf32, #tpu.memory_space<hbm>> -> memref<1x64xf32, #tpu.memory_space<hbm>>
        tpu.enqueue_dma source(%dma_start3A_302 : memref<1x64xf32, #tpu.memory_space<hbm>>) target(%dma_start3A_300 : memref<1x64xf32, #tpu.memory_space<vmem>>) target_semaphore(%arg9 : memref<!tpu.dma_semaphore, #tpu.memory_space<semaphore_mem>>)
        %slice3A_303 = vector.extract_strided_slice %get3A_287 {offsets = [1], sizes = [1], strides = [1]} : vector<16xi32> to vector<1xi32>
        %squeeze3A_304 = vector.extract %slice3A_303[0] : i32 from vector<1xi32>
        %dma_start3A_305 = arith.constant 0 : i32
        %dma_start3A_306 = arith.constant 193 : i32
        %dma_start3A_307 = arith.constant 0 : i32
        %dma_start3A_308 = tpu.memref_slice %arg8[%dma_start3A_305, %dma_start3A_306, %dma_start3A_307] : memref<2x200x64xf32, #tpu.memory_space<vmem>> -> memref<1x1x64xf32, #tpu.memory_space<vmem>>
        %dma_start3A_309 = tpu.memref_squeeze %dma_start3A_308 : memref<1x1x64xf32, #tpu.memory_space<vmem>> -> memref<1x64xf32, #tpu.memory_space<vmem>>
        %dma_start3A_310 = arith.constant 0 : i32
        %dma_start3A_311 = tpu.memref_slice %arg2[%squeeze3A_304, %dma_start3A_310] : memref<1000000x64xf32, #tpu.memory_space<hbm>> -> memref<1x64xf32, #tpu.memory_space<hbm>>
        %dma_start3A_312 = arith.constant 193 : i32
        %dma_start3A_313 = arith.constant 0 : i32
        %dma_start3A_314 = tpu.memref_slice %arg8[%dma_start3A_305, %dma_start3A_312, %dma_start3A_313] : memref<2x200x64xf32, #tpu.memory_space<vmem>> -> memref<1x1x64xf32, #tpu.memory_space<vmem>>
        %dma_start3A_315 = tpu.memref_squeeze %dma_start3A_314 : memref<1x1x64xf32, #tpu.memory_space<vmem>> -> memref<1x64xf32, #tpu.memory_space<vmem>>
        %dma_start3A_316 = arith.constant 0 : i32
        %dma_start3A_317 = tpu.memref_slice %arg2[%squeeze3A_304, %dma_start3A_316] : memref<1000000x64xf32, #tpu.memory_space<hbm>> -> memref<1x64xf32, #tpu.memory_space<hbm>>
        tpu.enqueue_dma source(%dma_start3A_317 : memref<1x64xf32, #tpu.memory_space<hbm>>) target(%dma_start3A_315 : memref<1x64xf32, #tpu.memory_space<vmem>>) target_semaphore(%arg9 : memref<!tpu.dma_semaphore, #tpu.memory_space<semaphore_mem>>)
        %slice3A_318 = vector.extract_strided_slice %get3A_287 {offsets = [2], sizes = [1], strides = [1]} : vector<16xi32> to vector<1xi32>
        %squeeze3A_319 = vector.extract %slice3A_318[0] : i32 from vector<1xi32>
        %dma_start3A_320 = arith.constant 0 : i32
        %dma_start3A_321 = arith.constant 194 : i32
        %dma_start3A_322 = arith.constant 0 : i32
        %dma_start3A_323 = tpu.memref_slice %arg8[%dma_start3A_320, %dma_start3A_321, %dma_start3A_322] : memref<2x200x64xf32, #tpu.memory_space<vmem>> -> memref<1x1x64xf32, #tpu.memory_space<vmem>>
        %dma_start3A_324 = tpu.memref_squeeze %dma_start3A_323 : memref<1x1x64xf32, #tpu.memory_space<vmem>> -> memref<1x64xf32, #tpu.memory_space<vmem>>
        %dma_start3A_325 = arith.constant 0 : i32
        %dma_start3A_326 = tpu.memref_slice %arg2[%squeeze3A_319, %dma_start3A_325] : memref<1000000x64xf32, #tpu.memory_space<hbm>> -> memref<1x64xf32, #tpu.memory_space<hbm>>
        %dma_start3A_327 = arith.constant 194 : i32
        %dma_start3A_328 = arith.constant 0 : i32
        %dma_start3A_329 = tpu.memref_slice %arg8[%dma_start3A_320, %dma_start3A_327, %dma_start3A_328] : memref<2x200x64xf32, #tpu.memory_space<vmem>> -> memref<1x1x64xf32, #tpu.memory_space<vmem>>
        %dma_start3A_330 = tpu.memref_squeeze %dma_start3A_329 : memref<1x1x64xf32, #tpu.memory_space<vmem>> -> memref<1x64xf32, #tpu.memory_space<vmem>>
        %dma_start3A_331 = arith.constant 0 : i32
        %dma_start3A_332 = tpu.memref_slice %arg2[%squeeze3A_319, %dma_start3A_331] : memref<1000000x64xf32, #tpu.memory_space<hbm>> -> memref<1x64xf32, #tpu.memory_space<hbm>>
        tpu.enqueue_dma source(%dma_start3A_332 : memref<1x64xf32, #tpu.memory_space<hbm>>) target(%dma_start3A_330 : memref<1x64xf32, #tpu.memory_space<vmem>>) target_semaphore(%arg9 : memref<!tpu.dma_semaphore, #tpu.memory_space<semaphore_mem>>)
        %slice3A_333 = vector.extract_strided_slice %get3A_287 {offsets = [3], sizes = [1], strides = [1]} : vector<16xi32> to vector<1xi32>
        %squeeze3A_334 = vector.extract %slice3A_333[0] : i32 from vector<1xi32>
        %dma_start3A_335 = arith.constant 0 : i32
        %dma_start3A_336 = arith.constant 195 : i32
        %dma_start3A_337 = arith.constant 0 : i32
        %dma_start3A_338 = tpu.memref_slice %arg8[%dma_start3A_335, %dma_start3A_336, %dma_start3A_337] : memref<2x200x64xf32, #tpu.memory_space<vmem>> -> memref<1x1x64xf32, #tpu.memory_space<vmem>>
        %dma_start3A_339 = tpu.memref_squeeze %dma_start3A_338 : memref<1x1x64xf32, #tpu.memory_space<vmem>> -> memref<1x64xf32, #tpu.memory_space<vmem>>
        %dma_start3A_340 = arith.constant 0 : i32
        %dma_start3A_341 = tpu.memref_slice %arg2[%squeeze3A_334, %dma_start3A_340] : memref<1000000x64xf32, #tpu.memory_space<hbm>> -> memref<1x64xf32, #tpu.memory_space<hbm>>
        %dma_start3A_342 = arith.constant 195 : i32
        %dma_start3A_343 = arith.constant 0 : i32
        %dma_start3A_344 = tpu.memref_slice %arg8[%dma_start3A_335, %dma_start3A_342, %dma_start3A_343] : memref<2x200x64xf32, #tpu.memory_space<vmem>> -> memref<1x1x64xf32, #tpu.memory_space<vmem>>
        %dma_start3A_345 = tpu.memref_squeeze %dma_start3A_344 : memref<1x1x64xf32, #tpu.memory_space<vmem>> -> memref<1x64xf32, #tpu.memory_space<vmem>>
        %dma_start3A_346 = arith.constant 0 : i32
        %dma_start3A_347 = tpu.memref_slice %arg2[%squeeze3A_334, %dma_start3A_346] : memref<1000000x64xf32, #tpu.memory_space<hbm>> -> memref<1x64xf32, #tpu.memory_space<hbm>>
        tpu.enqueue_dma source(%dma_start3A_347 : memref<1x64xf32, #tpu.memory_space<hbm>>) target(%dma_start3A_345 : memref<1x64xf32, #tpu.memory_space<vmem>>) target_semaphore(%arg9 : memref<!tpu.dma_semaphore, #tpu.memory_space<semaphore_mem>>)
        %slice3A_348 = vector.extract_strided_slice %get3A_287 {offsets = [4], sizes = [1], strides = [1]} : vector<16xi32> to vector<1xi32>
        %squeeze3A_349 = vector.extract %slice3A_348[0] : i32 from vector<1xi32>
        %dma_start3A_350 = arith.constant 0 : i32
        %dma_start3A_351 = arith.constant 196 : i32
        %dma_start3A_352 = arith.constant 0 : i32
        %dma_start3A_353 = tpu.memref_slice %arg8[%dma_start3A_350, %dma_start3A_351, %dma_start3A_352] : memref<2x200x64xf32, #tpu.memory_space<vmem>> -> memref<1x1x64xf32, #tpu.memory_space<vmem>>
        %dma_start3A_354 = tpu.memref_squeeze %dma_start3A_353 : memref<1x1x64xf32, #tpu.memory_space<vmem>> -> memref<1x64xf32, #tpu.memory_space<vmem>>
        %dma_start3A_355 = arith.constant 0 : i32
        %dma_start3A_356 = tpu.memref_slice %arg2[%squeeze3A_349, %dma_start3A_355] : memref<1000000x64xf32, #tpu.memory_space<hbm>> -> memref<1x64xf32, #tpu.memory_space<hbm>>
        %dma_start3A_357 = arith.constant 196 : i32
        %dma_start3A_358 = arith.constant 0 : i32
        %dma_start3A_359 = tpu.memref_slice %arg8[%dma_start3A_350, %dma_start3A_357, %dma_start3A_358] : memref<2x200x64xf32, #tpu.memory_space<vmem>> -> memref<1x1x64xf32, #tpu.memory_space<vmem>>
        %dma_start3A_360 = tpu.memref_squeeze %dma_start3A_359 : memref<1x1x64xf32, #tpu.memory_space<vmem>> -> memref<1x64xf32, #tpu.memory_space<vmem>>
        %dma_start3A_361 = arith.constant 0 : i32
        %dma_start3A_362 = tpu.memref_slice %arg2[%squeeze3A_349, %dma_start3A_361] : memref<1000000x64xf32, #tpu.memory_space<hbm>> -> memref<1x64xf32, #tpu.memory_space<hbm>>
        tpu.enqueue_dma source(%dma_start3A_362 : memref<1x64xf32, #tpu.memory_space<hbm>>) target(%dma_start3A_360 : memref<1x64xf32, #tpu.memory_space<vmem>>) target_semaphore(%arg9 : memref<!tpu.dma_semaphore, #tpu.memory_space<semaphore_mem>>)
        %slice3A_363 = vector.extract_strided_slice %get3A_287 {offsets = [5], sizes = [1], strides = [1]} : vector<16xi32> to vector<1xi32>
        %squeeze3A_364 = vector.extract %slice3A_363[0] : i32 from vector<1xi32>
        %dma_start3A_365 = arith.constant 0 : i32
        %dma_start3A_366 = arith.constant 197 : i32
        %dma_start3A_367 = arith.constant 0 : i32
        %dma_start3A_368 = tpu.memref_slice %arg8[%dma_start3A_365, %dma_start3A_366, %dma_start3A_367] : memref<2x200x64xf32, #tpu.memory_space<vmem>> -> memref<1x1x64xf32, #tpu.memory_space<vmem>>
        %dma_start3A_369 = tpu.memref_squeeze %dma_start3A_368 : memref<1x1x64xf32, #tpu.memory_space<vmem>> -> memref<1x64xf32, #tpu.memory_space<vmem>>
        %dma_start3A_370 = arith.constant 0 : i32
        %dma_start3A_371 = tpu.memref_slice %arg2[%squeeze3A_364, %dma_start3A_370] : memref<1000000x64xf32, #tpu.memory_space<hbm>> -> memref<1x64xf32, #tpu.memory_space<hbm>>
        %dma_start3A_372 = arith.constant 197 : i32
        %dma_start3A_373 = arith.constant 0 : i32
        %dma_start3A_374 = tpu.memref_slice %arg8[%dma_start3A_365, %dma_start3A_372, %dma_start3A_373] : memref<2x200x64xf32, #tpu.memory_space<vmem>> -> memref<1x1x64xf32, #tpu.memory_space<vmem>>
        %dma_start3A_375 = tpu.memref_squeeze %dma_start3A_374 : memref<1x1x64xf32, #tpu.memory_space<vmem>> -> memref<1x64xf32, #tpu.memory_space<vmem>>
        %dma_start3A_376 = arith.constant 0 : i32
        %dma_start3A_377 = tpu.memref_slice %arg2[%squeeze3A_364, %dma_start3A_376] : memref<1000000x64xf32, #tpu.memory_space<hbm>> -> memref<1x64xf32, #tpu.memory_space<hbm>>
        tpu.enqueue_dma source(%dma_start3A_377 : memref<1x64xf32, #tpu.memory_space<hbm>>) target(%dma_start3A_375 : memref<1x64xf32, #tpu.memory_space<vmem>>) target_semaphore(%arg9 : memref<!tpu.dma_semaphore, #tpu.memory_space<semaphore_mem>>)
        %slice3A_378 = vector.extract_strided_slice %get3A_287 {offsets = [6], sizes = [1], strides = [1]} : vector<16xi32> to vector<1xi32>
        %squeeze3A_379 = vector.extract %slice3A_378[0] : i32 from vector<1xi32>
        %dma_start3A_380 = arith.constant 0 : i32
        %dma_start3A_381 = arith.constant 198 : i32
        %dma_start3A_382 = arith.constant 0 : i32
        %dma_start3A_383 = tpu.memref_slice %arg8[%dma_start3A_380, %dma_start3A_381, %dma_start3A_382] : memref<2x200x64xf32, #tpu.memory_space<vmem>> -> memref<1x1x64xf32, #tpu.memory_space<vmem>>
        %dma_start3A_384 = tpu.memref_squeeze %dma_start3A_383 : memref<1x1x64xf32, #tpu.memory_space<vmem>> -> memref<1x64xf32, #tpu.memory_space<vmem>>
        %dma_start3A_385 = arith.constant 0 : i32
        %dma_start3A_386 = tpu.memref_slice %arg2[%squeeze3A_379, %dma_start3A_385] : memref<1000000x64xf32, #tpu.memory_space<hbm>> -> memref<1x64xf32, #tpu.memory_space<hbm>>
        %dma_start3A_387 = arith.constant 198 : i32
        %dma_start3A_388 = arith.constant 0 : i32
        %dma_start3A_389 = tpu.memref_slice %arg8[%dma_start3A_380, %dma_start3A_387, %dma_start3A_388] : memref<2x200x64xf32, #tpu.memory_space<vmem>> -> memref<1x1x64xf32, #tpu.memory_space<vmem>>
        %dma_start3A_390 = tpu.memref_squeeze %dma_start3A_389 : memref<1x1x64xf32, #tpu.memory_space<vmem>> -> memref<1x64xf32, #tpu.memory_space<vmem>>
        %dma_start3A_391 = arith.constant 0 : i32
        %dma_start3A_392 = tpu.memref_slice %arg2[%squeeze3A_379, %dma_start3A_391] : memref<1000000x64xf32, #tpu.memory_space<hbm>> -> memref<1x64xf32, #tpu.memory_space<hbm>>
        tpu.enqueue_dma source(%dma_start3A_392 : memref<1x64xf32, #tpu.memory_space<hbm>>) target(%dma_start3A_390 : memref<1x64xf32, #tpu.memory_space<vmem>>) target_semaphore(%arg9 : memref<!tpu.dma_semaphore, #tpu.memory_space<semaphore_mem>>)
        %slice3A_393 = vector.extract_strided_slice %get3A_287 {offsets = [7], sizes = [1], strides = [1]} : vector<16xi32> to vector<1xi32>
        %squeeze3A_394 = vector.extract %slice3A_393[0] : i32 from vector<1xi32>
        %dma_start3A_395 = arith.constant 0 : i32
        %dma_start3A_396 = arith.constant 199 : i32
        %dma_start3A_397 = arith.constant 0 : i32
        %dma_start3A_398 = tpu.memref_slice %arg8[%dma_start3A_395, %dma_start3A_396, %dma_start3A_397] : memref<2x200x64xf32, #tpu.memory_space<vmem>> -> memref<1x1x64xf32, #tpu.memory_space<vmem>>
        %dma_start3A_399 = tpu.memref_squeeze %dma_start3A_398 : memref<1x1x64xf32, #tpu.memory_space<vmem>> -> memref<1x64xf32, #tpu.memory_space<vmem>>
        %dma_start3A_400 = arith.constant 0 : i32
        %dma_start3A_401 = tpu.memref_slice %arg2[%squeeze3A_394, %dma_start3A_400] : memref<1000000x64xf32, #tpu.memory_space<hbm>> -> memref<1x64xf32, #tpu.memory_space<hbm>>
        %dma_start3A_402 = arith.constant 199 : i32
        %dma_start3A_403 = arith.constant 0 : i32
        %dma_start3A_404 = tpu.memref_slice %arg8[%dma_start3A_395, %dma_start3A_402, %dma_start3A_403] : memref<2x200x64xf32, #tpu.memory_space<vmem>> -> memref<1x1x64xf32, #tpu.memory_space<vmem>>
        %dma_start3A_405 = tpu.memref_squeeze %dma_start3A_404 : memref<1x1x64xf32, #tpu.memory_space<vmem>> -> memref<1x64xf32, #tpu.memory_space<vmem>>
        %dma_start3A_406 = arith.constant 0 : i32
        %dma_start3A_407 = tpu.memref_slice %arg2[%squeeze3A_394, %dma_start3A_406] : memref<1000000x64xf32, #tpu.memory_space<hbm>> -> memref<1x64xf32, #tpu.memory_space<hbm>>
        tpu.enqueue_dma source(%dma_start3A_407 : memref<1x64xf32, #tpu.memory_space<hbm>>) target(%dma_start3A_405 : memref<1x64xf32, #tpu.memory_space<vmem>>) target_semaphore(%arg9 : memref<!tpu.dma_semaphore, #tpu.memory_space<semaphore_mem>>)
      } else {
      }
      %dma_wait3A_232 = arith.constant 1 : i32
      %dma_wait3A_233 = arith.constant 0 : i32
      %dma_wait3A_234 = arith.constant 0 : i32
      %dma_wait3A_235 = tpu.memref_slice %arg8[%dma_wait3A_232, %dma_wait3A_233, %dma_wait3A_234] : memref<2x200x64xf32, #tpu.memory_space<vmem>> -> memref<1x200x64xf32, #tpu.memory_space<vmem>>
      %dma_wait3A_236 = tpu.memref_squeeze %dma_wait3A_235 : memref<1x200x64xf32, #tpu.memory_space<vmem>> -> memref<200x64xf32, #tpu.memory_space<vmem>>
      %dma_wait3A_237 = arith.constant 0 : i32
      %dma_wait3A_238 = arith.constant 0 : i32
      %dma_wait3A_239 = tpu.memref_slice %arg2[%dma_wait3A_237, %dma_wait3A_238] : memref<1000000x64xf32, #tpu.memory_space<hbm>> -> memref<200x64xf32, #tpu.memory_space<hbm>>
      %dma_wait3A_240 = arith.constant 0 : i32
      %dma_wait3A_241 = arith.constant 0 : i32
      %dma_wait3A_242 = tpu.memref_slice %arg8[%dma_wait3A_232, %dma_wait3A_240, %dma_wait3A_241] : memref<2x200x64xf32, #tpu.memory_space<vmem>> -> memref<1x200x64xf32, #tpu.memory_space<vmem>>
      %dma_wait3A_243 = tpu.memref_squeeze %dma_wait3A_242 : memref<1x200x64xf32, #tpu.memory_space<vmem>> -> memref<200x64xf32, #tpu.memory_space<vmem>>
      %dma_wait3A_244 = arith.constant 0 : i32
      %dma_wait3A_245 = arith.constant 0 : i32
      %dma_wait3A_246 = tpu.memref_slice %arg2[%dma_wait3A_244, %dma_wait3A_245] : memref<1000000x64xf32, #tpu.memory_space<hbm>> -> memref<200x64xf32, #tpu.memory_space<hbm>>
      tpu.wait_dma2 semaphore(%arg10 : memref<!tpu.dma_semaphore, #tpu.memory_space<semaphore_mem>>) src(%dma_wait3A_246 : memref<200x64xf32, #tpu.memory_space<hbm>>) dst(%dma_wait3A_243 : memref<200x64xf32, #tpu.memory_space<vmem>>)
      %scan3A_247 = arith.constant 0 : i32
      %scan3A_248 = arith.constant 100 : i32
      %scan3A_249 = arith.addi %scan3A_247, %scan3A_248 : i32
      %scan3A_250 = arith.constant 1 : i32
      scf.for %scan3A_270 = %scan3A_247 to %scan3A_249 step %scan3A_250  : i32 {
        %mul3A_271 = arith.constant 1 : i32
        %mul3A_272 = arith.muli %scan3A_270, %mul3A_271 : i32
        %add3A_273 = arith.constant 0 : i32
        %add3A_274 = arith.addi %add3A_273, %mul3A_272 : i32
        %mul3A_275 = arith.constant 2 : i32
        %mul3A_276 = arith.muli %mul3A_275, %add3A_274 : i32
        %get3A_277 = arith.constant 1 : i32
        %get3A_278 = arith.index_cast %get3A_277 : i32 to index
        %get3A_279 = arith.index_cast %mul3A_276 : i32 to index
        %get3A_280 = arith.constant 0 : index
        %get3A_281 = tpu.vector_load %arg8[%get3A_278, %get3A_279, %get3A_280] {strides = array<i32>} : memref<2x200x64xf32, #tpu.memory_space<vmem>>, vector<1x1x16xf32>,
        %get3A_282 = vector.shape_cast %get3A_281 : vector<1x1x16xf32> to vector<16xf32>
        %get3A_283 = arith.index_cast %add3A_274 : i32 to index
        %get3A_284 = arith.constant 0 : index
        %get3A_285 = tpu.vector_load %arg7[%get3A_283, %get3A_284] {strides = array<i32>} : memref<100x128xf32, #tpu.memory_space<vmem>>, vector<1x16xf32>,
        %get3A_286 = vector.shape_cast %get3A_285 : vector<1x16xf32> to vector<16xf32>
        %add3A_287 = arith.addf %get3A_282, %get3A_286 : vector<16xf32>
        %mul3A_288 = arith.constant 2 : i32
        %mul3A_289 = arith.muli %mul3A_288, %add3A_274 : i32
        %swap3A = arith.constant 1 : i32
        %swap3A_290 = arith.index_cast %swap3A : i32 to index
        %swap3A_291 = arith.index_cast %mul3A_289 : i32 to index
        %swap3A_292 = arith.constant 0 : index
        %swap3A_293 = tpu.vector_load %arg8[%swap3A_290, %swap3A_291, %swap3A_292] {strides = array<i32>} : memref<2x200x64xf32, #tpu.memory_space<vmem>>, vector<1x1x16xf32>,
        %swap3A_294 = vector.shape_cast %swap3A_293 : vector<1x1x16xf32> to vector<16xf32>
        %swap3A_295 = vector.shape_cast %add3A_287 : vector<16xf32> to vector<1x1x16xf32>
        tpu.vector_store %arg8[%swap3A_290, %swap3A_291, %swap3A_292], %swap3A_295 {strides = array<i32>} : memref<2x200x64xf32, #tpu.memory_space<vmem>>, vector<1x1x16xf32>,
        %mul3A_296 = arith.constant 2 : i32
        %mul3A_297 = arith.muli %mul3A_296, %add3A_274 : i32
        %add3A_298 = arith.constant 1 : i32
        %add3A_299 = arith.addi %mul3A_297, %add3A_298 : i32
        %get3A_300 = arith.constant 1 : i32
        %get3A_301 = arith.index_cast %get3A_300 : i32 to index
        %get3A_302 = arith.index_cast %add3A_299 : i32 to index
        %get3A_303 = arith.constant 0 : index
        %get3A_304 = tpu.vector_load %arg8[%get3A_301, %get3A_302, %get3A_303] {strides = array<i32>} : memref<2x200x64xf32, #tpu.memory_space<vmem>>, vector<1x1x16xf32>,
        %get3A_305 = vector.shape_cast %get3A_304 : vector<1x1x16xf32> to vector<16xf32>
        %get3A_306 = arith.index_cast %add3A_274 : i32 to index
        %get3A_307 = arith.constant 64 : index
        %get3A_308 = tpu.vector_load %arg7[%get3A_306, %get3A_307] {strides = array<i32>} : memref<100x128xf32, #tpu.memory_space<vmem>>, vector<1x16xf32>,
        %get3A_309 = vector.shape_cast %get3A_308 : vector<1x16xf32> to vector<16xf32>
        %add3A_310 = arith.addf %get3A_305, %get3A_309 : vector<16xf32>
        %mul3A_311 = arith.constant 2 : i32
        %mul3A_312 = arith.muli %mul3A_311, %add3A_274 : i32
        %add3A_313 = arith.constant 1 : i32
        %add3A_314 = arith.addi %mul3A_312, %add3A_313 : i32
        %swap3A_315 = arith.constant 1 : i32
        %swap3A_316 = arith.index_cast %swap3A_315 : i32 to index
        %swap3A_317 = arith.index_cast %add3A_314 : i32 to index
        %swap3A_318 = arith.constant 0 : index
        %swap3A_319 = tpu.vector_load %arg8[%swap3A_316, %swap3A_317, %swap3A_318] {strides = array<i32>} : memref<2x200x64xf32, #tpu.memory_space<vmem>>, vector<1x1x16xf32>,
        %swap3A_320 = vector.shape_cast %swap3A_319 : vector<1x1x16xf32> to vector<16xf32>
        %swap3A_321 = vector.shape_cast %add3A_310 : vector<16xf32> to vector<1x1x16xf32>
        tpu.vector_store %arg8[%swap3A_316, %swap3A_317, %swap3A_318], %swap3A_321 {strides = array<i32>} : memref<2x200x64xf32, #tpu.memory_space<vmem>>, vector<1x1x16xf32>,
        %mul3A_322 = arith.constant 2 : i32
        %mul3A_323 = arith.muli %mul3A_322, %add3A_274 : i32
        %get3A_324 = arith.constant 1 : i32
        %get3A_325 = arith.index_cast %get3A_324 : i32 to index
        %get3A_326 = arith.index_cast %mul3A_323 : i32 to index
        %get3A_327 = arith.constant 16 : index
        %get3A_328 = tpu.vector_load %arg8[%get3A_325, %get3A_326, %get3A_327] {strides = array<i32>} : memref<2x200x64xf32, #tpu.memory_space<vmem>>, vector<1x1x16xf32>,
        %get3A_329 = vector.shape_cast %get3A_328 : vector<1x1x16xf32> to vector<16xf32>
        %get3A_330 = arith.index_cast %add3A_274 : i32 to index
        %get3A_331 = arith.constant 16 : index
        %get3A_332 = tpu.vector_load %arg7[%get3A_330, %get3A_331] {strides = array<i32>} : memref<100x128xf32, #tpu.memory_space<vmem>>, vector<1x16xf32>,
        %get3A_333 = vector.shape_cast %get3A_332 : vector<1x16xf32> to vector<16xf32>
        %add3A_334 = arith.addf %get3A_329, %get3A_333 : vector<16xf32>
        %mul3A_335 = arith.constant 2 : i32
        %mul3A_336 = arith.muli %mul3A_335, %add3A_274 : i32
        %swap3A_337 = arith.constant 1 : i32
        %swap3A_338 = arith.index_cast %swap3A_337 : i32 to index
        %swap3A_339 = arith.index_cast %mul3A_336 : i32 to index
        %swap3A_340 = arith.constant 16 : index
        %swap3A_341 = tpu.vector_load %arg8[%swap3A_338, %swap3A_339, %swap3A_340] {strides = array<i32>} : memref<2x200x64xf32, #tpu.memory_space<vmem>>, vector<1x1x16xf32>,
        %swap3A_342 = vector.shape_cast %swap3A_341 : vector<1x1x16xf32> to vector<16xf32>
        %swap3A_343 = vector.shape_cast %add3A_334 : vector<16xf32> to vector<1x1x16xf32>
        tpu.vector_store %arg8[%swap3A_338, %swap3A_339, %swap3A_340], %swap3A_343 {strides = array<i32>} : memref<2x200x64xf32, #tpu.memory_space<vmem>>, vector<1x1x16xf32>,
        %mul3A_344 = arith.constant 2 : i32
        %mul3A_345 = arith.muli %mul3A_344, %add3A_274 : i32
        %add3A_346 = arith.constant 1 : i32
        %add3A_347 = arith.addi %mul3A_345, %add3A_346 : i32
        %get3A_348 = arith.constant 1 : i32
        %get3A_349 = arith.index_cast %get3A_348 : i32 to index
        %get3A_350 = arith.index_cast %add3A_347 : i32 to index
        %get3A_351 = arith.constant 16 : index
        %get3A_352 = tpu.vector_load %arg8[%get3A_349, %get3A_350, %get3A_351] {strides = array<i32>} : memref<2x200x64xf32, #tpu.memory_space<vmem>>, vector<1x1x16xf32>,
        %get3A_353 = vector.shape_cast %get3A_352 : vector<1x1x16xf32> to vector<16xf32>
        %get3A_354 = arith.index_cast %add3A_274 : i32 to index
        %get3A_355 = arith.constant 80 : index
        %get3A_356 = tpu.vector_load %arg7[%get3A_354, %get3A_355] {strides = array<i32>} : memref<100x128xf32, #tpu.memory_space<vmem>>, vector<1x16xf32>,
        %get3A_357 = vector.shape_cast %get3A_356 : vector<1x16xf32> to vector<16xf32>
        %add3A_358 = arith.addf %get3A_353, %get3A_357 : vector<16xf32>
        %mul3A_359 = arith.constant 2 : i32
        %mul3A_360 = arith.muli %mul3A_359, %add3A_274 : i32
        %add3A_361 = arith.constant 1 : i32
        %add3A_362 = arith.addi %mul3A_360, %add3A_361 : i32
        %swap3A_363 = arith.constant 1 : i32
        %swap3A_364 = arith.index_cast %swap3A_363 : i32 to index
        %swap3A_365 = arith.index_cast %add3A_362 : i32 to index
        %swap3A_366 = arith.constant 16 : index
        %swap3A_367 = tpu.vector_load %arg8[%swap3A_364, %swap3A_365, %swap3A_366] {strides = array<i32>} : memref<2x200x64xf32, #tpu.memory_space<vmem>>, vector<1x1x16xf32>,
        %swap3A_368 = vector.shape_cast %swap3A_367 : vector<1x1x16xf32> to vector<16xf32>
        %swap3A_369 = vector.shape_cast %add3A_358 : vector<16xf32> to vector<1x1x16xf32>
        tpu.vector_store %arg8[%swap3A_364, %swap3A_365, %swap3A_366], %swap3A_369 {strides = array<i32>} : memref<2x200x64xf32, #tpu.memory_space<vmem>>, vector<1x1x16xf32>,
        %mul3A_370 = arith.constant 2 : i32
        %mul3A_371 = arith.muli %mul3A_370, %add3A_274 : i32
        %get3A_372 = arith.constant 1 : i32
        %get3A_373 = arith.index_cast %get3A_372 : i32 to index
        %get3A_374 = arith.index_cast %mul3A_371 : i32 to index
        %get3A_375 = arith.constant 32 : index
        %get3A_376 = tpu.vector_load %arg8[%get3A_373, %get3A_374, %get3A_375] {strides = array<i32>} : memref<2x200x64xf32, #tpu.memory_space<vmem>>, vector<1x1x16xf32>,
        %get3A_377 = vector.shape_cast %get3A_376 : vector<1x1x16xf32> to vector<16xf32>
        %get3A_378 = arith.index_cast %add3A_274 : i32 to index
        %get3A_379 = arith.constant 32 : index
        %get3A_380 = tpu.vector_load %arg7[%get3A_378, %get3A_379] {strides = array<i32>} : memref<100x128xf32, #tpu.memory_space<vmem>>, vector<1x16xf32>,
        %get3A_381 = vector.shape_cast %get3A_380 : vector<1x16xf32> to vector<16xf32>
        %add3A_382 = arith.addf %get3A_377, %get3A_381 : vector<16xf32>
        %mul3A_383 = arith.constant 2 : i32
        %mul3A_384 = arith.muli %mul3A_383, %add3A_274 : i32
        %swap3A_385 = arith.constant 1 : i32
        %swap3A_386 = arith.index_cast %swap3A_385 : i32 to index
        %swap3A_387 = arith.index_cast %mul3A_384 : i32 to index
        %swap3A_388 = arith.constant 32 : index
        %swap3A_389 = tpu.vector_load %arg8[%swap3A_386, %swap3A_387, %swap3A_388] {strides = array<i32>} : memref<2x200x64xf32, #tpu.memory_space<vmem>>, vector<1x1x16xf32>,
        %swap3A_390 = vector.shape_cast %swap3A_389 : vector<1x1x16xf32> to vector<16xf32>
        %swap3A_391 = vector.shape_cast %add3A_382 : vector<16xf32> to vector<1x1x16xf32>
        tpu.vector_store %arg8[%swap3A_386, %swap3A_387, %swap3A_388], %swap3A_391 {strides = array<i32>} : memref<2x200x64xf32, #tpu.memory_space<vmem>>, vector<1x1x16xf32>,
        %mul3A_392 = arith.constant 2 : i32
        %mul3A_393 = arith.muli %mul3A_392, %add3A_274 : i32
        %add3A_394 = arith.constant 1 : i32
        %add3A_395 = arith.addi %mul3A_393, %add3A_394 : i32
        %get3A_396 = arith.constant 1 : i32
        %get3A_397 = arith.index_cast %get3A_396 : i32 to index
        %get3A_398 = arith.index_cast %add3A_395 : i32 to index
        %get3A_399 = arith.constant 32 : index
        %get3A_400 = tpu.vector_load %arg8[%get3A_397, %get3A_398, %get3A_399] {strides = array<i32>} : memref<2x200x64xf32, #tpu.memory_space<vmem>>, vector<1x1x16xf32>,
        %get3A_401 = vector.shape_cast %get3A_400 : vector<1x1x16xf32> to vector<16xf32>
        %get3A_402 = arith.index_cast %add3A_274 : i32 to index
        %get3A_403 = arith.constant 96 : index
        %get3A_404 = tpu.vector_load %arg7[%get3A_402, %get3A_403] {strides = array<i32>} : memref<100x128xf32, #tpu.memory_space<vmem>>, vector<1x16xf32>,
        %get3A_405 = vector.shape_cast %get3A_404 : vector<1x16xf32> to vector<16xf32>
        %add3A_406 = arith.addf %get3A_401, %get3A_405 : vector<16xf32>
        %mul3A_407 = arith.constant 2 : i32
        %mul3A_408 = arith.muli %mul3A_407, %add3A_274 : i32
        %add3A_409 = arith.constant 1 : i32
        %add3A_410 = arith.addi %mul3A_408, %add3A_409 : i32
        %swap3A_411 = arith.constant 1 : i32
        %swap3A_412 = arith.index_cast %swap3A_411 : i32 to index
        %swap3A_413 = arith.index_cast %add3A_410 : i32 to index
        %swap3A_414 = arith.constant 32 : index
        %swap3A_415 = tpu.vector_load %arg8[%swap3A_412, %swap3A_413, %swap3A_414] {strides = array<i32>} : memref<2x200x64xf32, #tpu.memory_space<vmem>>, vector<1x1x16xf32>,
        %swap3A_416 = vector.shape_cast %swap3A_415 : vector<1x1x16xf32> to vector<16xf32>
        %swap3A_417 = vector.shape_cast %add3A_406 : vector<16xf32> to vector<1x1x16xf32>
        tpu.vector_store %arg8[%swap3A_412, %swap3A_413, %swap3A_414], %swap3A_417 {strides = array<i32>} : memref<2x200x64xf32, #tpu.memory_space<vmem>>, vector<1x1x16xf32>,
        %mul3A_418 = arith.constant 2 : i32
        %mul3A_419 = arith.muli %mul3A_418, %add3A_274 : i32
        %get3A_420 = arith.constant 1 : i32
        %get3A_421 = arith.index_cast %get3A_420 : i32 to index
        %get3A_422 = arith.index_cast %mul3A_419 : i32 to index
        %get3A_423 = arith.constant 48 : index
        %get3A_424 = tpu.vector_load %arg8[%get3A_421, %get3A_422, %get3A_423] {strides = array<i32>} : memref<2x200x64xf32, #tpu.memory_space<vmem>>, vector<1x1x16xf32>,
        %get3A_425 = vector.shape_cast %get3A_424 : vector<1x1x16xf32> to vector<16xf32>
        %get3A_426 = arith.index_cast %add3A_274 : i32 to index
        %get3A_427 = arith.constant 48 : index
        %get3A_428 = tpu.vector_load %arg7[%get3A_426, %get3A_427] {strides = array<i32>} : memref<100x128xf32, #tpu.memory_space<vmem>>, vector<1x16xf32>,
        %get3A_429 = vector.shape_cast %get3A_428 : vector<1x16xf32> to vector<16xf32>
        %add3A_430 = arith.addf %get3A_425, %get3A_429 : vector<16xf32>
        %mul3A_431 = arith.constant 2 : i32
        %mul3A_432 = arith.muli %mul3A_431, %add3A_274 : i32
        %swap3A_433 = arith.constant 1 : i32
        %swap3A_434 = arith.index_cast %swap3A_433 : i32 to index
        %swap3A_435 = arith.index_cast %mul3A_432 : i32 to index
        %swap3A_436 = arith.constant 48 : index
        %swap3A_437 = tpu.vector_load %arg8[%swap3A_434, %swap3A_435, %swap3A_436] {strides = array<i32>} : memref<2x200x64xf32, #tpu.memory_space<vmem>>, vector<1x1x16xf32>,
        %swap3A_438 = vector.shape_cast %swap3A_437 : vector<1x1x16xf32> to vector<16xf32>
        %swap3A_439 = vector.shape_cast %add3A_430 : vector<16xf32> to vector<1x1x16xf32>
        tpu.vector_store %arg8[%swap3A_434, %swap3A_435, %swap3A_436], %swap3A_439 {strides = array<i32>} : memref<2x200x64xf32, #tpu.memory_space<vmem>>, vector<1x1x16xf32>,
        %mul3A_440 = arith.constant 2 : i32
        %mul3A_441 = arith.muli %mul3A_440, %add3A_274 : i32
        %add3A_442 = arith.constant 1 : i32
        %add3A_443 = arith.addi %mul3A_441, %add3A_442 : i32
        %get3A_444 = arith.constant 1 : i32
        %get3A_445 = arith.index_cast %get3A_444 : i32 to index
        %get3A_446 = arith.index_cast %add3A_443 : i32 to index
        %get3A_447 = arith.constant 48 : index
        %get3A_448 = tpu.vector_load %arg8[%get3A_445, %get3A_446, %get3A_447] {strides = array<i32>} : memref<2x200x64xf32, #tpu.memory_space<vmem>>, vector<1x1x16xf32>,
        %get3A_449 = vector.shape_cast %get3A_448 : vector<1x1x16xf32> to vector<16xf32>
        %get3A_450 = arith.index_cast %add3A_274 : i32 to index
        %get3A_451 = arith.constant 112 : index
        %get3A_452 = tpu.vector_load %arg7[%get3A_450, %get3A_451] {strides = array<i32>} : memref<100x128xf32, #tpu.memory_space<vmem>>, vector<1x16xf32>,
        %get3A_453 = vector.shape_cast %get3A_452 : vector<1x16xf32> to vector<16xf32>
        %add3A_454 = arith.addf %get3A_449, %get3A_453 : vector<16xf32>
        %mul3A_455 = arith.constant 2 : i32
        %mul3A_456 = arith.muli %mul3A_455, %add3A_274 : i32
        %add3A_457 = arith.constant 1 : i32
        %add3A_458 = arith.addi %mul3A_456, %add3A_457 : i32
        %swap3A_459 = arith.constant 1 : i32
        %swap3A_460 = arith.index_cast %swap3A_459 : i32 to index
        %swap3A_461 = arith.index_cast %add3A_458 : i32 to index
        %swap3A_462 = arith.constant 48 : index
        %swap3A_463 = tpu.vector_load %arg8[%swap3A_460, %swap3A_461, %swap3A_462] {strides = array<i32>} : memref<2x200x64xf32, #tpu.memory_space<vmem>>, vector<1x1x16xf32>,
        %swap3A_464 = vector.shape_cast %swap3A_463 : vector<1x1x16xf32> to vector<16xf32>
        %swap3A_465 = vector.shape_cast %add3A_454 : vector<16xf32> to vector<1x1x16xf32>
        tpu.vector_store %arg8[%swap3A_460, %swap3A_461, %swap3A_462], %swap3A_465 {strides = array<i32>} : memref<2x200x64xf32, #tpu.memory_space<vmem>>, vector<1x1x16xf32>,
      }
      %scan3A_251 = arith.constant 100 : i32
      %add3A_252 = arith.addi %mul3A_4, %add3A_224 : i32
      %dma_start3A_253 = arith.constant 1 : i32
      %dma_start3A_254 = arith.constant 0 : i32
      %dma_start3A_255 = arith.constant 0 : i32
      %dma_start3A_256 = tpu.memref_slice %arg8[%dma_start3A_253, %dma_start3A_254, %dma_start3A_255] : memref<2x200x64xf32, #tpu.memory_space<vmem>> -> memref<1x200x64xf32, #tpu.memory_space<vmem>>
      %dma_start3A_257 = tpu.memref_squeeze %dma_start3A_256 : memref<1x200x64xf32, #tpu.memory_space<vmem>> -> memref<200x64xf32, #tpu.memory_space<vmem>>
      %dma_start3A_258 = arith.constant 0 : i32
      %dma_start3A_259 = arith.constant 0 : i32
      %dma_start3A_260 = tpu.memref_slice %arg5[%add3A_252, %dma_start3A_258, %dma_start3A_259] : memref<1024x200x64xf32, #tpu.memory_space<hbm>> -> memref<1x200x64xf32, #tpu.memory_space<hbm>>
      %dma_start3A_261 = tpu.memref_squeeze %dma_start3A_260 : memref<1x200x64xf32, #tpu.memory_space<hbm>> -> memref<200x64xf32, #tpu.memory_space<hbm>>
      %dma_start3A_262 = arith.constant 0 : i32
      %dma_start3A_263 = arith.constant 0 : i32
      %dma_start3A_264 = tpu.memref_slice %arg5[%add3A_252, %dma_start3A_262, %dma_start3A_263] : memref<1024x200x64xf32, #tpu.memory_space<hbm>> -> memref<1x200x64xf32, #tpu.memory_space<hbm>>
      %dma_start3A_265 = tpu.memref_squeeze %dma_start3A_264 : memref<1x200x64xf32, #tpu.memory_space<hbm>> -> memref<200x64xf32, #tpu.memory_space<hbm>>
      %dma_start3A_266 = arith.constant 0 : i32
      %dma_start3A_267 = arith.constant 0 : i32
      %dma_start3A_268 = tpu.memref_slice %arg8[%dma_start3A_253, %dma_start3A_266, %dma_start3A_267] : memref<2x200x64xf32, #tpu.memory_space<vmem>> -> memref<1x200x64xf32, #tpu.memory_space<vmem>>
      %dma_start3A_269 = tpu.memref_squeeze %dma_start3A_268 : memref<1x200x64xf32, #tpu.memory_space<vmem>> -> memref<200x64xf32, #tpu.memory_space<vmem>>
      tpu.enqueue_dma source(%dma_start3A_269 : memref<200x64xf32, #tpu.memory_space<vmem>>) target(%dma_start3A_265 : memref<200x64xf32, #tpu.memory_space<hbm>>) target_semaphore(%arg12 : memref<!tpu.dma_semaphore, #tpu.memory_space<semaphore_mem>>)
    }
    %scan3A_132 = arith.constant 32 : i32
    %add3A_133 = arith.constant 62 : i32
    %add3A_134 = arith.addi %mul3A_4, %add3A_133 : i32
    %dma_wait3A = arith.constant 0 : i32
    %dma_wait3A_135 = arith.constant 0 : i32
    %dma_wait3A_136 = arith.constant 0 : i32
    %dma_wait3A_137 = tpu.memref_slice %arg8[%dma_wait3A, %dma_wait3A_135, %dma_wait3A_136] : memref<2x200x64xf32, #tpu.memory_space<vmem>> -> memref<1x200x64xf32, #tpu.memory_space<vmem>>
    %dma_wait3A_138 = tpu.memref_squeeze %dma_wait3A_137 : memref<1x200x64xf32, #tpu.memory_space<vmem>> -> memref<200x64xf32, #tpu.memory_space<vmem>>
    %dma_wait3A_139 = arith.constant 0 : i32
    %dma_wait3A_140 = arith.constant 0 : i32
    %dma_wait3A_141 = tpu.memref_slice %arg5[%add3A_134, %dma_wait3A_139, %dma_wait3A_140] : memref<1024x200x64xf32, #tpu.memory_space<hbm>> -> memref<1x200x64xf32, #tpu.memory_space<hbm>>
    %dma_wait3A_142 = tpu.memref_squeeze %dma_wait3A_141 : memref<1x200x64xf32, #tpu.memory_space<hbm>> -> memref<200x64xf32, #tpu.memory_space<hbm>>
    %dma_wait3A_143 = arith.constant 0 : i32
    %dma_wait3A_144 = arith.constant 0 : i32
    %dma_wait3A_145 = tpu.memref_slice %arg5[%add3A_134, %dma_wait3A_143, %dma_wait3A_144] : memref<1024x200x64xf32, #tpu.memory_space<hbm>> -> memref<1x200x64xf32, #tpu.memory_space<hbm>>
    %dma_wait3A_146 = tpu.memref_squeeze %dma_wait3A_145 : memref<1x200x64xf32, #tpu.memory_space<hbm>> -> memref<200x64xf32, #tpu.memory_space<hbm>>
    %dma_wait3A_147 = arith.constant 0 : i32
    %dma_wait3A_148 = arith.constant 0 : i32
    %dma_wait3A_149 = tpu.memref_slice %arg8[%dma_wait3A, %dma_wait3A_147, %dma_wait3A_148] : memref<2x200x64xf32, #tpu.memory_space<vmem>> -> memref<1x200x64xf32, #tpu.memory_space<vmem>>
    %dma_wait3A_150 = tpu.memref_squeeze %dma_wait3A_149 : memref<1x200x64xf32, #tpu.memory_space<vmem>> -> memref<200x64xf32, #tpu.memory_space<vmem>>
    tpu.wait_dma2 semaphore(%arg11 : memref<!tpu.dma_semaphore, #tpu.memory_space<semaphore_mem>>) src(%dma_wait3A_150 : memref<200x64xf32, #tpu.memory_space<vmem>>) dst(%dma_wait3A_146 : memref<200x64xf32, #tpu.memory_space<hbm>>)
    %add3A_151 = arith.constant 63 : i32
    %add3A_152 = arith.addi %mul3A_4, %add3A_151 : i32
    %dma_wait3A_153 = arith.constant 1 : i32
    %dma_wait3A_154 = arith.constant 0 : i32
    %dma_wait3A_155 = arith.constant 0 : i32
    %dma_wait3A_156 = tpu.memref_slice %arg8[%dma_wait3A_153, %dma_wait3A_154, %dma_wait3A_155] : memref<2x200x64xf32, #tpu.memory_space<vmem>> -> memref<1x200x64xf32, #tpu.memory_space<vmem>>
    %dma_wait3A_157 = tpu.memref_squeeze %dma_wait3A_156 : memref<1x200x64xf32, #tpu.memory_space<vmem>> -> memref<200x64xf32, #tpu.memory_space<vmem>>
    %dma_wait3A_158 = arith.constant 0 : i32
    %dma_wait3A_159 = arith.constant 0 : i32
    %dma_wait3A_160 = tpu.memref_slice %arg5[%add3A_152, %dma_wait3A_158, %dma_wait3A_159] : memref<1024x200x64xf32, #tpu.memory_space<hbm>> -> memref<1x200x64xf32, #tpu.memory_space<hbm>>
    %dma_wait3A_161 = tpu.memref_squeeze %dma_wait3A_160 : memref<1x200x64xf32, #tpu.memory_space<hbm>> -> memref<200x64xf32, #tpu.memory_space<hbm>>
    %dma_wait3A_162 = arith.constant 0 : i32
    %dma_wait3A_163 = arith.constant 0 : i32
    %dma_wait3A_164 = tpu.memref_slice %arg5[%add3A_152, %dma_wait3A_162, %dma_wait3A_163] : memref<1024x200x64xf32, #tpu.memory_space<hbm>> -> memref<1x200x64xf32, #tpu.memory_space<hbm>>
    %dma_wait3A_165 = tpu.memref_squeeze %dma_wait3A_164 : memref<1x200x64xf32, #tpu.memory_space<hbm>> -> memref<200x64xf32, #tpu.memory_space<hbm>>
    %dma_wait3A_166 = arith.constant 0 : i32
    %dma_wait3A_167 = arith.constant 0 : i32
    %dma_wait3A_168 = tpu.memref_slice %arg8[%dma_wait3A_153, %dma_wait3A_166, %dma_wait3A_167] : memref<2x200x64xf32, #tpu.memory_space<vmem>> -> memref<1x200x64xf32, #tpu.memory_space<vmem>>
    %dma_wait3A_169 = tpu.memref_squeeze %dma_wait3A_168 : memref<1x200x64xf32, #tpu.memory_space<vmem>> -> memref<200x64xf32, #tpu.memory_space<vmem>>
    tpu.wait_dma2 semaphore(%arg12 : memref<!tpu.dma_semaphore, #tpu.memory_space<semaphore_mem>>) src(%dma_wait3A_169 : memref<200x64xf32, #tpu.memory_space<vmem>>) dst(%dma_wait3A_165 : memref<200x64xf32, #tpu.memory_space<hbm>>)
    return
  }
}

</mosaic_0001>

<sc_bundles>
// kernel: kernel.3.cloned.1.call-start
scs
__scs_entry_jumppad:
0x0: {  	(pc) =	sbr.rel $0x88, $3  }
0x1: {  	(tag) =	ssettag $0x0;
	lr =	simm.s32 $0x1  }
0x2: {  	[smem:$0x3F9F] =	sst lr;
	_ =	strace $0xD0000000  }
0x3: {  	_ = 	snop  }
0x4: {  	_ = 	snop  }
0x5: {  	_ = 	snop  }
0x6: {  	_ = 	snop  }
0x7: {  	_ = 	snop  }
__scs_overlays_trampoline_lowered:
0x8: {  	[smem:$0x3FAE] =	sst s0  }
0x9: {  	[smem:$0x3FAF] =	sst s1  }
0xa: {  	[smem:$0x3FB0] =	sst s2  }
0xb: {  	[smem:$0x3FB1] =	sst s3  }
0xc: {  	[smem:$0x3FB2] =	sst s4  }
0xd: {  	[smem:$0x3FB3] =	sst s5  }
0xe: {  	[smem:$0x3FB4] =	sst s6  }
0xf: {  	[smem:$0x3FB5] =	sst s7  }
0x10: {  	[smem:$0x3FB6] =	sst s8  }
0x11: {  	[smem:$0x3FB7] =	sst s9;
	s0 =	simm.s32 @!p0 $0x0  }
0x12: {  	s1 =	sld [smem:$0x3F9D];
	s0 =	simm.s32 @p0 $0x1  }
0x13: {  	[smem:$0x3FB8] =	sst s0;
	s0 =	simm.s32 @!p1 $0x0  }
0x14: {  	s2 =	sld [smem:$0x3F9C];
	s0 =	simm.s32 @p1 $0x1  }
0x15: {  	[smem:$0x3FB9] =	sst s0;
	s0 =	simm.s32 @!p2 $0x0  }
0x16: {  	s3 =	sld [smem:$0x3FDB];
	s0 =	simm.s32 @p2 $0x1  }
0x17: {  	s4 =	simm.s32 $0x1BF5;
	[smem:$0x3FBB] =	sst s0  }
0x18: {  	s0 =	sld [smem:$0x3F9E];
	_ =	swait.ge [sflag:s4], $0x0  }
0x19: {  	s7 =	sld [smem:$0x3F9F]  }
0x1a: {  	s8 =	sadd.s32 $0xFFFFE003, lr  }
0x1b: {  	s9 =	sadd.s32 $0xFFFFFEF7, lr;
	s5 =	simm.s32 $0xFFFFFFFF;
	p2 =	slt.u32 s8, $0xFFFFF086  }
0x1c: {  	p1 =	slt.u32 s9, $0xF7A;
	s5 =	simm.s32 @!p2 $0x0  }
0x1d: {  	s5 =	simm.s32 @p1 $0x1;
	p0 =	seq.s32 s7, s2  }
0x1e: {  	s7 =	smul.u32 @!p0 $0xF7A, s2;
	p2 =	seq.s32 @!p0 s5, $0x0  }
0x1f: {  	s9 =	smul.u32 $0xF7A, s1;
	s8 =	simm.s32 @!p0 $0x1BF5;
	p2 =	por !p2, p0  }
0x20: {  	[sflag:s8] =	ssyncset.s32 @!p0 $0xFFFFF086;
	s6 =	sadd.s32 @!p0 s3, s7;
	s7 =	simm.s32 @!p0 $0x108  }
0x21: {  	s3 =	sadd.s32 s3, s9;
	s6 =	sadd.s32 @!p0 $0x88, s6;
	s7 =	simm.s32 @p2 $0x1082  }
0x22: {  	[simem:s7], [sflag:s8] =	dma.local @!p0 [hbm:s6], $0xF7A  }
0x23: {  	s9 =	sor.u32 $0xD0000000, s2;
	s6 =	simm.s32 $0x108;
	_ =	swait.ge @!p0 [sflag:s8], $0x0  }
0x24: {  	s3 =	sadd.s32 $0x88, s3;
	s6 =	simm.s32 @!p1 $0x1082;
	[sflag:s4] =	ssyncset.s32 $0xFFFFF086  }
0x25: {  	[simem:s6], [sflag:s4] =	dma.local [hbm:s3], $0xF7A  }
0x26: {  	[smem:$0x3F9F] =	sst s1;
	(tag) =	ssettag s2;
	_ =	strace s9  }
0x27: {  	s1 =	sld [smem:$0x3FAF]  }
0x28: {  	s2 =	sld [smem:$0x3FB0]  }
0x29: {  	s4 =	sld [smem:$0x3FB2]  }
0x2a: {  	p0 =	seq.s32 s5, $0x0;
	s5 =	sld [smem:$0x3FB3]  }
0x2b: {  	s6 =	sld [smem:$0x3FB4]  }
0x2c: {  	s7 =	sld [smem:$0x3FB5]  }
0x2d: {  	s3 =	simm.s32 $0x108;
	s8 =	sld [smem:$0x3FB6]  }
0x2e: {  	s3 =	simm.s32 @!p0 $0x1082;
	s9 =	sld [smem:$0x3FB7]  }
0x2f: {  	lr =	sadd.s32 s0, s3;
	s0 =	sld [smem:$0x3FAE]  }
0x30: {  	s3 =	sld [smem:$0x3FB1]  }
0x31: {  	[smem:$0x3FBA] =	sst s10  }
0x32: {  	s10 =	sld [smem:$0x3FB8];
	_ =	sdelay $0x3  }
0x33: {  	p0 =	seq.s32 s10, $0x1;
	s10 =	sld [smem:$0x3FBA];
	_ =	sdelay $0x3  }
0x34: {  	[smem:$0x3FBA] =	sst s10  }
0x35: {  	s10 =	sld [smem:$0x3FB9];
	_ =	sdelay $0x3  }
0x36: {  	p1 =	seq.s32 s10, $0x1;
	s10 =	sld [smem:$0x3FBA];
	_ =	sdelay $0x3  }
0x37: {  	[smem:$0x3FBA] =	sst s10  }
0x38: {  	s10 =	sld [smem:$0x3FBB]  }
0x39: {  	_ = 	snop;
	(pc) =	sbr.ind lr, $3  }
0x3a: {  	_ = 	snop  }
0x3b: {  	_ = 	snop  }
0x3c: {  	p2 =	seq.s32 s10, $0x1;
	s10 =	sld [smem:$0x3FBA]  }
0x3d: {  	_ =	shalt  }
0x3e: {  	_ =	shalt  }
0x3f: {  	_ =	shalt  }
0x40: {  	_ =	shalt  }
0x41: {  	_ =	shalt  }
0x42: {  	_ =	shalt  }
0x43: {  	_ =	shalt  }
0x44: {  	_ =	shalt  }
0x45: {  	_ =	shalt  }
0x46: {  	_ =	shalt  }
0x47: {  	_ =	shalt  }
0x48: {  	_ =	shalt  }
0x49: {  	_ =	shalt  }
0x4a: {  	_ =	shalt  }
0x4b: {  	_ =	shalt  }
0x4c: {  	_ =	shalt  }
0x4d: {  	_ =	shalt  }
0x4e: {  	_ =	shalt  }
0x4f: {  	_ =	shalt  }
0x50: {  	_ =	shalt  }
0x51: {  	_ =	shalt  }
0x52: {  	_ =	shalt  }
0x53: {  	_ =	shalt  }
0x54: {  	_ =	shalt  }
0x55: {  	_ =	shalt  }
0x56: {  	_ =	shalt  }
0x57: {  	_ =	shalt  }
0x58: {  	_ =	shalt  }
0x59: {  	_ =	shalt  }
0x5a: {  	_ =	shalt  }
0x5b: {  	_ =	shalt  }
0x5c: {  	_ =	shalt  }
0x5d: {  	_ =	shalt  }
0x5e: {  	_ =	shalt  }
0x5f: {  	_ =	shalt  }
0x60: {  	_ =	shalt  }
0x61: {  	_ =	shalt  }
0x62: {  	_ =	shalt  }
0x63: {  	_ =	shalt  }
0x64: {  	_ =	shalt  }
0x65: {  	_ =	shalt  }
0x66: {  	_ =	shalt  }
0x67: {  	_ =	shalt  }
0x68: {  	_ =	shalt  }
0x69: {  	_ =	shalt  }
0x6a: {  	_ =	shalt  }
0x6b: {  	_ =	shalt  }
0x6c: {  	_ =	shalt  }
0x6d: {  	_ =	shalt  }
0x6e: {  	_ =	shalt  }
0x6f: {  	_ =	shalt  }
0x70: {  	_ =	shalt  }
0x71: {  	_ =	shalt  }
0x72: {  	_ =	shalt  }
0x73: {  	_ =	shalt  }
0x74: {  	_ =	shalt  }
0x75: {  	_ =	shalt  }
0x76: {  	_ =	shalt  }
0x77: {  	_ =	shalt  }
0x78: {  	_ =	shalt  }
0x79: {  	_ =	shalt  }
0x7a: {  	_ =	shalt  }
0x7b: {  	_ =	shalt  }
0x7c: {  	_ =	shalt  }
0x7d: {  	_ =	shalt  }
0x7e: {  	_ =	shalt  }
0x7f: {  	_ =	shalt  }
0x80: {  	_ =	shalt  }
0x81: {  	_ =	shalt  }
0x82: {  	_ =	shalt  }
0x83: {  	_ =	shalt  }
0x84: {  	_ =	shalt  }
0x85: {  	_ =	shalt  }
0x86: {  	_ =	shalt  }
0x87: {  	_ =	shalt  }
.Lfunc_end0:
.L_simem_size_0:
called_computation_lowered:
.L_overlay_start_0:
0x88: {  	s0 =	sld [smem:$0x3FD9]  }
0x89: {  	s1 =	sld [smem:$0x3FFE];
	_ =	sdelay $0x3  }
0x8a: {  	s0 =	sadd.s32 s1, s0  }
0x8b: {  	[smem:$0x3FC6] =	sst s0  }
0x8c: {  	_ = 	snop  }
0x8d: {  	s0 =	sld [smem:$0x3FD0];
	(tm) =	ssettm $0x1  }
0x8e: {  	s16 =	sld [smem:$0x3FFB];
	_ =	sdelay $0x3  }
0x8f: {  	_ =	strace s16  }
0x90: {  	s1 =	sld [smem:$0x3FFC];
	_ =	sdelay $0x3  }
0x91: {  	_ =	strace s1  }
0x92: {  	s1 =	sld [smem:$0x3FFD];
	_ =	sdelay $0x3  }
0x93: {  	_ =	strace s1  }
0x94: {  	_ =	strace $0x8FFFFFFF  }
0x95: {  	s17 =	sld [smem:$0x3FDB];
	_ =	sdelay $0x1  }
0x96: {  	s2 =	simm.s32 $_scs_section_size  }
0x97: {  	s3 =	simm.s32 $_size__tile_overlayer_lowered;
	s4 =	simm.s32 $_tile_overlayer_lowered  }
0x98: {  	s20 =	simm.s32 $0x1BFF;
	s19 =	sshll.u32 s4, $0x1;
	s1 =	sadd.s32 s2, s17  }
0x99: {  	s5 =	simm.s32 $0x0;
	s18 =	sshll.u32 s3, $0x1;
	s3 =	sadd.s32 s19, s1  }
0x9a: {  	[timem:s5], [sflag:s20] =	dma.local [hbm:s3], s18  }
0x9b: {  	_ =	swait.ge [sflag:s20], s18  }
0x9c: {  	s2 =	ssub.s32 $0x0, s18;
	[sflag:s20] =	ssyncset.done $0x0  }
0x9d: {  	[sflag:s20] =	ssyncadd.s32 s2;
	_ =	sdelay $0x1  }
0x9e: {  	s21 =	simm.s32 $0x1B8B  }
0x9f: {  	_ =	swait.ge [sflag:s21], $0x1  }
0xa0: {  	[sflag:s21] =	ssyncset.done $0x0  }
0xa1: {  	s23 =	simm.s32 $0x1B8E;
	s22 =	sld [smem:$0x3FFE];
	[sflag:s21] =	ssyncadd.s32 $0xFFFFFFFF  }
0xa2: {  	s24 =	simm.s32 $execute0_lowered;
	[smem:$0x3FD2] =	sst s23  }
0xa3: {  	s3 =	sshll.u32 s24, $0x1;
	_ =	strace $0x80000046;
	[dreg:$0x1] =	wrdreg $0xFFFFFFFF  }
0xa4: {  	s25 =	simm.s32 $_size_execute0_lowered;
	s1 =	sadd.s32 s1, s3;
	[dreg:$0x0] =	wrdreg $0x0  }
0xa5: {  	s3 =	sshll.u32 s25, $0x1;
	[dreg:$0x2] =	wrdreg s1  }
0xa6: {  	[dreg:$0x3] =	wrdreg s3  }
0xa7: {  	[dreg:$0x4] =	wrdreg $0xC0  }
0xa8: {  	_ =	task [dreg:s5], $0x5FFFF  }
0xa9: {  	[dreg:$0x1] =	wrdreg $0xFFFFFFFF  }
0xaa: {  	[dreg:$0x0] =	wrdreg $0x60  }
0xab: {  	[dreg:$0x2] =	wrdreg s22  }
0xac: {  	[dreg:$0x3] =	wrdreg s0  }
0xad: {  	[dreg:$0x4] =	wrdreg $0x9  }
0xae: {  	_ =	task.clear_ibuf [dreg:s5], $0x5FFFF;
	_ =	strace $0x90000046  }
0xaf: {  	s26 =	simm.s32 $0x9;
	_ =	strace $0x80000048  }
0xb0: {  	_ =	swait.ge [sflag:s26], $0x1  }
0xb1: {  	[sflag:s26] =	ssyncadd.s32 $0xFFFFFFFF  }
0xb2: {  	_ =	strace $0x90000048  }
0xb3: {  	_ =	sfence  }
0xb4: {  	s28 =	sld [smem:$0x0];
	_ =	sdelay $0x1  }
0xb5: {  	s29 =	srdreg.scid  }
0xb6: {  	s30 =	sshll.u32 s29, $0xD;
	s31 =	sshrl.u32 s29, $0x2  }
0xb7: {  	s2 =	sand.u32 $0x4000, s30;
	s1 =	sand.u32 $0x1, s29;
	s0 =	sadd.s32 s31, s28  }
0xb8: {  	s1 =	sor.u32 s2, s1;
	s0 =	sshll.u32 s0, $0x11  }
0xb9: {  	s0 =	sor.u32 s0, s1  }
0xba: {  	s0 =	sadd.s32 $0x8F2B, s0  }
0xbb: {  	[sflag:s0] =	ssyncadd.remote.s32 $0x1  }
0xbc: {  	_ =	sfence.sel $0xFFFF  }
0xbd: {  	[dreg:$0x0] =	wrdreg $0xFFFFFFFF;
	(pc) =	sbr.abs _section_cstart, $3  }
0xbe: {  	[dreg:$0x1] =	wrdreg $0xFFFFFFFF  }
0xbf: {  	_ =	task.clear_ibuf [dreg:s5], $0x2FFFF;
	_ =	strace $0x9FFFFFFF  }
0xc0: {  	(tm) =	ssettm $0x7FFFFFFF  }
0xc1: {  	_ =	shalt  }
tec
execute0_lowered:
.L_overlay_start_1:
0x0: {  	(tag) =	ssettag $0x1  }
0x1: {  	s1 =	rddreg [dreg:$0x0];
	s23 =	stileid.u32  }
0x2: {  	s2 =	rddreg [dreg:$0x1];
	s0 =	simm.s32 $0x0;
	s3 =	smul.u32 $0x640, s23  }
0x3: {  	[smem:$0x7FF] =	sst s0  }
0x4: {  	s30 =	simm.s32 $0x5;
	_ =	strace $0x80000047;
	s2 =	sadd.s32 s2, s3  }
0x5: {  	[tilespmem:s0], [sflag:$0x5] =	stream.linear.gather [hbm4b:s2+s0], $0x3200, $0x38;
	[tilespmem:$0x12E80] =	vst v63  }
0x6: {  	_ =	swait.ge [sflag:s30], $0x3200  }
0x7: {  	[sflag:s30] =	ssyncset.done $0x0  }
0x8: {  	s31 =	simm.s32 $0x3280;
	[sflag:s30] =	ssyncadd.s32 $0xFFFFCE00  }
0x9: {  	[tilespmem:s31], [sflag:$0x5] =	stream.linear.gather [hbm4b:s1+s0], $0x3200, $0x38;
	[tilespmem:$0x12E80] =	vst v63  }
0xa: {  	_ =	swait.ge [sflag:s30], $0x3200  }
0xb: {  	[sflag:s30] =	ssyncset.done $0x0  }
0xc: {  	[sflag:s30] =	ssyncadd.s32 $0xFFFFCE00  }
0xd: {  	v0 =	vld [tilespmem:s0+$0x0];
	_ =	sdelay $0x4  }
0xe: {  	v0 =	vshll.u32 v0, $0x4  }
0xf: {  	(v2sf) =	vpush v0, $0x0  }
0x10: {  	(v2sf) =	vpush v0, $0x1  }
0x11: {  	(v2sf) =	vpush v0, $0x2;
	_ =	sdelay $0x1  }
0x12: {  	(v2sf) =	vpush v0, $0x4;
	_ =	sdelay $0x1  }
0x13: {  	(v2sf) =	vpush v0, $0x3  }
0x14: {  	s4 =	simm.s32 $0x2000;
	s5 =	simm.s32 $0x0;
	(v2sf) =	vpush v0, $0x5  }
0x15: {  	s3 =	sadd.s32 $0xF42C00, s1;
	s2 =	sadd.s32 $0x800, s1;
	s1 =	simm.s32 $0x0;
	(v2sf) =	vpush v0, $0x6  }
.LBB2_1:
0x16: {  	p0 =	sne.s32 s4, $0x16000  }
0x17: {  	s15 =	sadd.s32 $0x6700, s1;
	s9 =	sadd.s32 $0x6C00, s1;
	s6 =	smov.u32 s4  }
0x18: {  	s4 =	sadd.s32 $0x2000, s4;
	s12 =	sadd.s32 $0x6A00, s1;
	s7 =	sadd.s32 $0x6C80, s1;
	(v2sf) =	vpush v0, $0x7  }
0x19: {  	s14 =	sadd.s32 $0x6900, s1;
	s11 =	sadd.s32 $0x6A80, s1;
	s8 =	sadd.s32 $0x6D00, s1  }
0x1a: {  	s16 =	sadd.s32 $0x6680, s1;
	s17 =	sadd.s32 $0x6880, s1;
	(v2sf) =	vpush v0, $0x8  }
0x1b: {  	s18 =	sadd.s32 $0x6980, s1;
	s5 =	sadd.s32 $0x10, s5  }
0x1c: {  	s19 =	sadd.s32 $0x6780, s1;
	s10 =	sadd.s32 $0x6B80, s1;
	s13 =	spop (v2sf);
	(v2sf) =	vpush v0, $0x9  }
0x1d: {  	s20 =	sand.u32 $0x1FFFFFF0, s13;
	s13 =	sadd.s32 $0x6B00, s1;
	s21 =	spop (v2sf)  }
0x1e: {  	s20 =	sadd.s32 s2, s20;
	s21 =	sand.u32 $0x1FFFFFF0, s21;
	s22 =	spop (v2sf);
	(v2sf) =	vpush v0, $0xA  }
0x1f: {  	[tilespmem:s16], [sflag:$0x1] =	stream.linear.gather [hbm4b:s20+s0], $0x80, $0x38;
	[tilespmem:$0x12E80] =	vst v63  }
0x20: {  	s16 =	sadd.s32 s2, s21;
	s20 =	sadd.s32 $0x6800, s1;
	s21 =	spop (v2sf);
	(v2sf) =	vpush v0, $0xB  }
0x21: {  	[tilespmem:s15], [sflag:$0x1] =	stream.linear.gather [hbm4b:s16+s0], $0x80, $0x38;
	[tilespmem:$0x12E80] =	vst v63  }
0x22: {  	s15 =	sand.u32 $0x1FFFFFF0, s22;
	s16 =	sand.u32 $0x1FFFFFF0, s21;
	s21 =	spop (v2sf);
	(v2sf) =	vpush v0, $0xC  }
0x23: {  	s15 =	sadd.s32 s2, s15;
	s21 =	sand.u32 $0x1FFFFFF0, s21;
	s22 =	spop (v2sf)  }
0x24: {  	[tilespmem:s19], [sflag:$0x1] =	stream.linear.gather [hbm4b:s15+s0], $0x80, $0x38;
	(v2sf) =	vpush v0, $0xD;
	[tilespmem:$0x12E80] =	vst v63  }
0x25: {  	s15 =	sadd.s32 s2, s21;
	s19 =	sand.u32 $0x1FFFFFF0, s22;
	s21 =	spop (v2sf)  }
0x26: {  	[tilespmem:s20], [sflag:$0x1] =	stream.linear.gather [hbm4b:s15+s0], $0x80, $0x38;
	(v2sf) =	vpush v0, $0xE;
	[tilespmem:$0x12E80] =	vst v63  }
0x27: {  	s15 =	sadd.s32 s2, s16;
	s16 =	sand.u32 $0x1FFFFFF0, s21;
	s20 =	spop (v2sf)  }
0x28: {  	[tilespmem:s17], [sflag:$0x1] =	stream.linear.gather [hbm4b:s15+s0], $0x80, $0x38;
	(v2sf) =	vpush v0, $0xF;
	[tilespmem:$0x12E80] =	vst v63  }
0x29: {  	s15 =	sadd.s32 s2, s19;
	s17 =	sand.u32 $0x1FFFFFF0, s20;
	s19 =	spop (v2sf)  }
0x2a: {  	[tilespmem:s14], [sflag:$0x1] =	stream.linear.gather [hbm4b:s15+s0], $0x80, $0x38;
	[tilespmem:$0x12E80] =	vst v63  }
0x2b: {  	s14 =	sadd.s32 s2, s16;
	s15 =	sand.u32 $0x1FFFFFF0, s19;
	s16 =	spop (v2sf)  }
0x2c: {  	[tilespmem:s18], [sflag:$0x1] =	stream.linear.gather [hbm4b:s14+s0], $0x80, $0x38;
	[tilespmem:$0x12E80] =	vst v63  }
0x2d: {  	s14 =	sadd.s32 s2, s17;
	s16 =	sand.u32 $0x1FFFFFF0, s16;
	s17 =	spop (v2sf)  }
0x2e: {  	[tilespmem:s12], [sflag:$0x1] =	stream.linear.gather [hbm4b:s14+s0], $0x80, $0x38;
	[tilespmem:$0x12E80] =	vst v63  }
0x2f: {  	s12 =	sadd.s32 s2, s15;
	s14 =	sand.u32 $0x1FFFFFF0, s17;
	s15 =	spop (v2sf)  }
0x30: {  	[tilespmem:s11], [sflag:$0x1] =	stream.linear.gather [hbm4b:s12+s0], $0x80, $0x38;
	[tilespmem:$0x12E80] =	vst v63  }
0x31: {  	s11 =	sadd.s32 s2, s16;
	s12 =	sand.u32 $0x1FFFFFF0, s15;
	s15 =	spop (v2sf)  }
0x32: {  	[tilespmem:s13], [sflag:$0x1] =	stream.linear.gather [hbm4b:s11+s0], $0x80, $0x38;
	[tilespmem:$0x12E80] =	vst v63  }
0x33: {  	s11 =	sadd.s32 s2, s14;
	s13 =	sand.u32 $0x1FFFFFF0, s15;
	s14 =	spop (v2sf)  }
0x34: {  	[tilespmem:s10], [sflag:$0x1] =	stream.linear.gather [hbm4b:s11+s0], $0x80, $0x38;
	[tilespmem:$0x12E80] =	vst v63  }
0x35: {  	s10 =	sadd.s32 s2, s12;
	s11 =	sand.u32 $0x1FFFFFF0, s14;
	s12 =	spop (v2sf)  }
0x36: {  	[tilespmem:s9], [sflag:$0x1] =	stream.linear.gather [hbm4b:s10+s0], $0x80, $0x38;
	[tilespmem:$0x12E80] =	vst v63  }
0x37: {  	s9 =	sadd.s32 s2, s13;
	s10 =	sand.u32 $0x1FFFFFF0, s12;
	s12 =	spop (v2sf)  }
0x38: {  	[tilespmem:s7], [sflag:$0x1] =	stream.linear.gather [hbm4b:s9+s0], $0x80, $0x38;
	[tilespmem:$0x12E80] =	vst v63  }
0x39: {  	s7 =	sadd.s32 s2, s11;
	s9 =	sand.u32 $0x1FFFFFF0, s12  }
0x3a: {  	[tilespmem:s8], [sflag:$0x1] =	stream.linear.gather [hbm4b:s7+s0], $0x80, $0x38;
	[tilespmem:$0x12E80] =	vst v63  }
0x3b: {  	s7 =	sadd.s32 $0x6D80, s1;
	s8 =	sadd.s32 s2, s10  }
0x3c: {  	[tilespmem:s7], [sflag:$0x1] =	stream.linear.gather [hbm4b:s8+s0], $0x80, $0x38;
	[tilespmem:$0x12E80] =	vst v63  }
0x3d: {  	s1 =	sadd.s32 $0x6E00, s1;
	s7 =	sadd.s32 s2, s9  }
0x3e: {  	[tilespmem:s1], [sflag:$0x1] =	stream.linear.gather [hbm4b:s7+s0], $0x80, $0x38;
	[tilespmem:$0x12E80] =	vst v63  }
0x3f: {  	v0 =	vld [tilespmem:s5+$0x0];
	_ =	sdelay $0x4  }
0x40: {  	v0 =	vshll.u32 v0, $0x4  }
0x41: {  	(v2sf) =	vpush v0, $0x0  }
0x42: {  	(v2sf) =	vpush v0, $0x1  }
0x43: {  	(v2sf) =	vpush v0, $0x2;
	_ =	sdelay $0x1  }
0x44: {  	(v2sf) =	vpush v0, $0x4  }
.Ltmp0:
0x45: {  	(pc) =	sbr.rel @p0 .LBB2_1-.Ltmp0, $3  }
0x46: {  	(v2sf) =	vpush v0, $0x3  }
0x47: {  	(v2sf) =	vpush v0, $0x5;
	_ =	sdelay $0x1  }
0x48: {  	s1 =	sshra.s32 s6, $0x2;
	(v2sf) =	vpush v0, $0x6  }
0x49: {  	_ =	sdelay $0x1  }
0x4a: {  	s7 =	sadd.s32 $0x6700, s1;
	s6 =	sadd.s32 $0x6C00, s1  }
0x4b: {  	s8 =	sadd.s32 $0x6A00, s1;
	s4 =	sadd.s32 $0x6C80, s1;
	(v2sf) =	vpush v0, $0x7;
	s9 =	sadd.s32 $0x6900, s1  }
0x4c: {  	s10 =	sadd.s32 $0x6A80, s1;
	s5 =	sadd.s32 $0x6D00, s1;
	s11 =	sadd.s32 $0x6680, s1  }
0x4d: {  	s12 =	sadd.s32 $0x6880, s1;
	s13 =	sadd.s32 $0x6980, s1;
	(v2sf) =	vpush v0, $0x8;
	s14 =	spop (v2sf)  }
0x4e: {  	s15 =	sadd.s32 $0x6780, s1;
	s14 =	sand.u32 $0x1FFFFFF0, s14;
	s16 =	spop (v2sf)  }
0x4f: {  	(v2sf) =	vpush v0, $0x9;
	s14 =	sadd.s32 s2, s14;
	s16 =	sand.u32 $0x1FFFFFF0, s16;
	s17 =	spop (v2sf)  }
0x50: {  	[tilespmem:s11], [sflag:$0x1] =	stream.linear.gather [hbm4b:s14+s0], $0x80, $0x38;
	[tilespmem:$0x12E80] =	vst v63  }
0x51: {  	s18 =	sadd.s32 $0x6800, s1;
	(v2sf) =	vpush v0, $0xA;
	s19 =	sadd.s32 s2, s16;
	s20 =	spop (v2sf)  }
0x52: {  	[tilespmem:s7], [sflag:$0x1] =	stream.linear.gather [hbm4b:s19+s0], $0x80, $0x38;
	[tilespmem:$0x12E80] =	vst v63  }
0x53: {  	s11 =	sadd.s32 $0x6B80, s1;
	s21 =	sand.u32 $0x1FFFFFF0, s17;
	(v2sf) =	vpush v0, $0xB;
	s22 =	spop (v2sf)  }
0x54: {  	s14 =	sadd.s32 s2, s21;
	s7 =	sadd.s32 $0x6B00, s1;
	s17 =	sand.u32 $0x1FFFFFF0, s22  }
0x55: {  	(v2sf) =	vpush v0, $0xC;
	[tilespmem:s15], [sflag:$0x1] =	stream.linear.gather [hbm4b:s14+s0], $0x80, $0x38;
	[tilespmem:$0x12E80] =	vst v63  }
0x56: {  	s24 =	sand.u32 $0x1FFFFFF0, s20;
	s25 =	spop (v2sf);
	s26 =	sadd.s32 s2, s17  }
0x57: {  	(v2sf) =	vpush v0, $0xD;
	[tilespmem:s18], [sflag:$0x1] =	stream.linear.gather [hbm4b:s26+s0], $0x80, $0x38;
	[tilespmem:$0x12E80] =	vst v63  }
0x58: {  	s14 =	sadd.s32 s2, s24;
	s15 =	sand.u32 $0x1FFFFFF0, s25;
	s28 =	spop (v2sf)  }
0x59: {  	(v2sf) =	vpush v0, $0xE;
	[tilespmem:s12], [sflag:$0x1] =	stream.linear.gather [hbm4b:s14+s0], $0x80, $0x38;
	[tilespmem:$0x12E80] =	vst v63  }
0x5a: {  	s15 =	sadd.s32 s2, s15;
	s29 =	sand.u32 $0x1FFFFFF0, s28;
	s31 =	spop (v2sf)  }
0x5b: {  	(v2sf) =	vpush v0, $0xF;
	[tilespmem:s9], [sflag:$0x1] =	stream.linear.gather [hbm4b:s15+s0], $0x80, $0x38;
	[tilespmem:$0x12E80] =	vst v63  }
0x5c: {  	s16 =	sand.u32 $0x1FFFFFF0, s31;
	s17 =	spop (v2sf);
	s12 =	sadd.s32 s2, s29  }
0x5d: {  	[tilespmem:s13], [sflag:$0x1] =	stream.linear.gather [hbm4b:s12+s0], $0x80, $0x38;
	[tilespmem:$0x12E80] =	vst v63  }
0x5e: {  	s18 =	sand.u32 $0x1FFFFFF0, s17;
	s9 =	sadd.s32 s2, s16;
	s19 =	spop (v2sf)  }
0x5f: {  	[tilespmem:s8], [sflag:$0x1] =	stream.linear.gather [hbm4b:s9+s0], $0x80, $0x38;
	[tilespmem:$0x12E80] =	vst v63  }
0x60: {  	s12 =	sadd.s32 s2, s18;
	s20 =	sand.u32 $0x1FFFFFF0, s19;
	s21 =	spop (v2sf)  }
0x61: {  	[tilespmem:s10], [sflag:$0x1] =	stream.linear.gather [hbm4b:s12+s0], $0x80, $0x38;
	[tilespmem:$0x12E80] =	vst v63  }
0x62: {  	s9 =	sand.u32 $0x1FFFFFF0, s21;
	s8 =	sadd.s32 s2, s20;
	s22 =	spop (v2sf)  }
0x63: {  	[tilespmem:s7], [sflag:$0x1] =	stream.linear.gather [hbm4b:s8+s0], $0x80, $0x38;
	[tilespmem:$0x12E80] =	vst v63  }
0x64: {  	s9 =	sadd.s32 s2, s9;
	s24 =	sand.u32 $0x1FFFFFF0, s22;
	s25 =	spop (v2sf)  }
0x65: {  	[tilespmem:s11], [sflag:$0x1] =	stream.linear.gather [hbm4b:s9+s0], $0x80, $0x38;
	[tilespmem:$0x12E80] =	vst v63  }
0x66: {  	s7 =	sadd.s32 s2, s24;
	s8 =	sand.u32 $0x1FFFFFF0, s25;
	s26 =	spop (v2sf)  }
0x67: {  	[tilespmem:s6], [sflag:$0x1] =	stream.linear.gather [hbm4b:s7+s0], $0x80, $0x38;
	[tilespmem:$0x12E80] =	vst v63  }
0x68: {  	s28 =	sand.u32 $0x1FFFFFF0, s26;
	s8 =	sadd.s32 s2, s8;
	s29 =	spop (v2sf)  }
0x69: {  	[tilespmem:s4], [sflag:$0x1] =	stream.linear.gather [hbm4b:s8+s0], $0x80, $0x38;
	[tilespmem:$0x12E80] =	vst v63  }
0x6a: {  	s31 =	sand.u32 $0x1FFFFFF0, s29;
	s6 =	sadd.s32 s2, s28;
	s8 =	spop (v2sf)  }
0x6b: {  	[tilespmem:s5], [sflag:$0x1] =	stream.linear.gather [hbm4b:s6+s0], $0x80, $0x38;
	[tilespmem:$0x12E80] =	vst v63  }
0x6c: {  	s10 =	sadd.s32 $0x6D80, s1;
	s4 =	sadd.s32 s2, s31;
	s9 =	sand.u32 $0x1FFFFFF0, s8  }
0x6d: {  	[tilespmem:s10], [sflag:$0x1] =	stream.linear.gather [hbm4b:s4+s0], $0x80, $0x38;
	[tilespmem:$0x12E80] =	vst v63  }
0x6e: {  	s11 =	sadd.s32 $0x6E00, s1;
	s12 =	sadd.s32 s2, s9  }
0x6f: {  	[tilespmem:s11], [sflag:$0x1] =	stream.linear.gather [hbm4b:s12+s0], $0x80, $0x38;
	[tilespmem:$0x12E80] =	vst v63  }
0x70: {  	v63 =	vld [tilespmem:$0xC0];
	_ =	sdelay $0x4  }
0x71: {  	v0 =	vshll.u32 v63, $0x4  }
0x72: {  	(v2sf) =	vpush v0, $0x0;
	_ =	sdelay $0x1  }
0x73: {  	(v2sf) =	vpush v0, $0x1;
	_ =	sdelay $0x1  }
0x74: {  	(v2sf) =	vpush v0, $0x2;
	_ =	sdelay $0x2  }
0x75: {  	(v2sf) =	vpush v0, $0x3;
	_ =	sdelay $0x7  }
0x76: {  	s13 =	spop (v2sf);
	(v2sf) =	vpush v0, $0x4;
	_ =	sdelay $0x1  }
0x77: {  	s15 =	spop (v2sf);
	(v2sf) =	vpush v0, $0x5  }
0x78: {  	s14 =	simm.s32 $0xC680;
	s0 =	sand.u32 $0x1FFFFFF0, s13  }
0x79: {  	s4 =	simm.s32 $0x0;
	s0 =	sadd.s32 s2, s0;
	s17 =	spop (v2sf)  }
0x7a: {  	(v2sf) =	vpush v0, $0x6;
	[tilespmem:s14], [sflag:$0x1] =	stream.linear.gather [hbm4b:s0+s4], $0x80, $0x38;
	[tilespmem:$0x12E80] =	vst v63  }
0x7b: {  	s0 =	sand.u32 $0x1FFFFFF0, s15  }
0x7c: {  	s16 =	simm.s32 $0xC700;
	s19 =	spop (v2sf);
	s0 =	sadd.s32 s2, s0  }
0x7d: {  	(v2sf) =	vpush v0, $0x7;
	[tilespmem:s16], [sflag:$0x1] =	stream.linear.gather [hbm4b:s0+s4], $0x80, $0x38;
	[tilespmem:$0x12E80] =	vst v63  }
0x7e: {  	s0 =	sand.u32 $0x1FFFFFF0, s17  }
0x7f: {  	s18 =	simm.s32 $0xC780;
	s0 =	sadd.s32 s2, s0  }
0x80: {  	[tilespmem:s18], [sflag:$0x1] =	stream.linear.gather [hbm4b:s0+s4], $0x80, $0x38;
	[tilespmem:$0x12E80] =	vst v63  }
0x81: {  	s0 =	sand.u32 $0x1FFFFFF0, s19  }
0x82: {  	s20 =	simm.s32 $0xC800;
	s0 =	sadd.s32 s2, s0  }
0x83: {  	[tilespmem:s20], [sflag:$0x1] =	stream.linear.gather [hbm4b:s0+s4], $0x80, $0x38;
	[tilespmem:$0x12E80] =	vst v63  }
0x84: {  	s21 =	spop (v2sf)  }
0x85: {  	s0 =	sand.u32 $0x1FFFFFF0, s21  }
0x86: {  	s22 =	simm.s32 $0xC880;
	s24 =	spop (v2sf);
	s0 =	sadd.s32 s2, s0  }
0x87: {  	[tilespmem:s22], [sflag:$0x1] =	stream.linear.gather [hbm4b:s0+s4], $0x80, $0x38;
	[tilespmem:$0x12E80] =	vst v63  }
0x88: {  	s0 =	sand.u32 $0x1FFFFFF0, s24  }
0x89: {  	s25 =	simm.s32 $0xC900;
	s26 =	spop (v2sf);
	s0 =	sadd.s32 s2, s0  }
0x8a: {  	[tilespmem:s25], [sflag:$0x1] =	stream.linear.gather [hbm4b:s0+s4], $0x80, $0x38;
	[tilespmem:$0x12E80] =	vst v63  }
0x8b: {  	s30 =	simm.s32 $0x0;
	s28 =	simm.s32 $0xC980;
	s0 =	sand.u32 $0x1FFFFFF0, s26  }
0x8c: {  	s7 =	simm.s32 $0xC8;
	s29 =	spop (v2sf);
	s0 =	sadd.s32 s2, s0  }
0x8d: {  	[tilespmem:s28], [sflag:$0x1] =	stream.linear.gather [hbm4b:s0+s4], $0x80, $0x38;
	[tilespmem:$0x12E80] =	vst v63  }
0x8e: {  	s31 =	simm.s32 $0xCA00;
	s13 =	sshll.u32 s23, $0x6;
	s0 =	sand.u32 $0x1FFFFFF0, s29  }
0x8f: {  	s15 =	simm.s32 $0x190;
	s26 =	simm.s32 $0x2;
	s0 =	sadd.s32 s2, s0  }
0x90: {  	[tilespmem:s31], [sflag:$0x1] =	stream.linear.gather [hbm4b:s0+s4], $0x80, $0x38;
	[tilespmem:$0x12E80] =	vst v63  }
.LBB2_3:
0x91: {  	p0 =	seq.s32 s30, $0x0  }
0x92: {  	s0 =	simm.s32 @!p0 $0x4  }
0x93: {  	_ =	swait.ge @!p0 [sflag:s0], $0x6400  }
0x94: {  	[sflag:s0] =	ssyncset.done @!p0 $0x0  }
0x95: {  	[sflag:s0] =	ssyncadd.s32 @!p0 $0xFFFF9C00  }
0x96: {  	v0 =	vld [tilespmem:s7+$0x0];
	_ =	sdelay $0x4  }
0x97: {  	v0 =	vshll.u32 v0, $0x4  }
0x98: {  	(v2sf) =	vpush v0, $0x0  }
0x99: {  	(v2sf) =	vpush v0, $0x1  }
0x9a: {  	(v2sf) =	vpush v0, $0x2;
	_ =	sdelay $0x1  }
0x9b: {  	(v2sf) =	vpush v0, $0x4  }
0x9c: {  	s31 =	sshllo.u32 s30, $0x1  }
0x9d: {  	s1 =	smul.u32 $0x320, s31;
	(v2sf) =	vpush v0, $0x3  }
0x9e: {  	s6 =	simm.s32 $0x2000;
	s5 =	simm.s32 $0x0;
	(v2sf) =	vpush v0, $0x5  }
0x9f: {  	s14 =	smov.u32 s7;
	s1 =	sshra.s32 s1, $0x2;
	s0 =	sshll.u32 s30, $0x1;
	(v2sf) =	vpush v0, $0x6  }
.LBB2_4:
0xa0: {  	p0 =	sne.s32 s6, $0x16000  }
0xa1: {  	s20 =	sadd.s32 $0xCB00, s5;
	s11 =	sadd.s32 $0xD000, s5;
	s8 =	smov.u32 s6  }
0xa2: {  	s6 =	sadd.s32 $0x2000, s6;
	s17 =	sadd.s32 $0xCE00, s5;
	s9 =	sadd.s32 $0xD080, s5;
	(v2sf) =	vpush v0, $0x7  }
0xa3: {  	s19 =	sadd.s32 $0xCD00, s5;
	s16 =	sadd.s32 $0xCE80, s5;
	s10 =	sadd.s32 $0xD100, s5  }
0xa4: {  	s21 =	sadd.s32 $0xCA80, s5;
	s22 =	sadd.s32 $0xCC80, s5;
	(v2sf) =	vpush v0, $0x8  }
0xa5: {  	s23 =	sadd.s32 $0xCD80, s5;
	s14 =	sadd.s32 $0x10, s14  }
0xa6: {  	s25 =	sadd.s32 $0xCB80, s5;
	s12 =	sadd.s32 $0xCF80, s5;
	s18 =	spop (v2sf);
	(v2sf) =	vpush v0, $0x9  }
0xa7: {  	s28 =	sand.u32 $0x1FFFFFF0, s18;
	s18 =	sadd.s32 $0xCF00, s5;
	s29 =	spop (v2sf)  }
0xa8: {  	s28 =	sadd.s32 s2, s28;
	s29 =	sand.u32 $0x1FFFFFF0, s29;
	s24 =	spop (v2sf);
	(v2sf) =	vpush v0, $0xA  }
0xa9: {  	[tilespmem:s21], [sflag:$0x2] =	stream.linear.gather [hbm4b:s28+s4], $0x80, $0x38;
	[tilespmem:$0x12E80] =	vst v63  }
0xaa: {  	s21 =	sadd.s32 s2, s29;
	s28 =	sadd.s32 $0xCC00, s5;
	s29 =	spop (v2sf);
	(v2sf) =	vpush v0, $0xB  }
0xab: {  	[tilespmem:s20], [sflag:$0x2] =	stream.linear.gather [hbm4b:s21+s4], $0x80, $0x38;
	[tilespmem:$0x12E80] =	vst v63  }
0xac: {  	s20 =	sand.u32 $0x1FFFFFF0, s24;
	s21 =	sand.u32 $0x1FFFFFF0, s29;
	s24 =	spop (v2sf);
	(v2sf) =	vpush v0, $0xC  }
0xad: {  	s20 =	sadd.s32 s2, s20;
	s24 =	sand.u32 $0x1FFFFFF0, s24;
	s29 =	spop (v2sf)  }
0xae: {  	[tilespmem:s25], [sflag:$0x2] =	stream.linear.gather [hbm4b:s20+s4], $0x80, $0x38;
	(v2sf) =	vpush v0, $0xD;
	[tilespmem:$0x12E80] =	vst v63  }
0xaf: {  	s20 =	sadd.s32 s2, s24;
	s24 =	sand.u32 $0x1FFFFFF0, s29;
	s25 =	spop (v2sf)  }
0xb0: {  	[tilespmem:s28], [sflag:$0x2] =	stream.linear.gather [hbm4b:s20+s4], $0x80, $0x38;
	(v2sf) =	vpush v0, $0xE;
	[tilespmem:$0x12E80] =	vst v63  }
0xb1: {  	s20 =	sadd.s32 s2, s21;
	s21 =	sand.u32 $0x1FFFFFF0, s25;
	s25 =	spop (v2sf)  }
0xb2: {  	[tilespmem:s22], [sflag:$0x2] =	stream.linear.gather [hbm4b:s20+s4], $0x80, $0x38;
	(v2sf) =	vpush v0, $0xF;
	[tilespmem:$0x12E80] =	vst v63  }
0xb3: {  	s20 =	sadd.s32 s2, s24;
	s22 =	sand.u32 $0x1FFFFFF0, s25;
	s24 =	spop (v2sf)  }
0xb4: {  	[tilespmem:s19], [sflag:$0x2] =	stream.linear.gather [hbm4b:s20+s4], $0x80, $0x38;
	[tilespmem:$0x12E80] =	vst v63  }
0xb5: {  	s19 =	sadd.s32 s2, s21;
	s20 =	sand.u32 $0x1FFFFFF0, s24;
	s21 =	spop (v2sf)  }
0xb6: {  	[tilespmem:s23], [sflag:$0x2] =	stream.linear.gather [hbm4b:s19+s4], $0x80, $0x38;
	[tilespmem:$0x12E80] =	vst v63  }
0xb7: {  	s19 =	sadd.s32 s2, s22;
	s21 =	sand.u32 $0x1FFFFFF0, s21;
	s22 =	spop (v2sf)  }
0xb8: {  	[tilespmem:s17], [sflag:$0x2] =	stream.linear.gather [hbm4b:s19+s4], $0x80, $0x38;
	[tilespmem:$0x12E80] =	vst v63  }
0xb9: {  	s17 =	sadd.s32 s2, s20;
	s19 =	sand.u32 $0x1FFFFFF0, s22;
	s20 =	spop (v2sf)  }
0xba: {  	[tilespmem:s16], [sflag:$0x2] =	stream.linear.gather [hbm4b:s17+s4], $0x80, $0x38;
	[tilespmem:$0x12E80] =	vst v63  }
0xbb: {  	s16 =	sadd.s32 s2, s21;
	s17 =	sand.u32 $0x1FFFFFF0, s20;
	s20 =	spop (v2sf)  }
0xbc: {  	[tilespmem:s18], [sflag:$0x2] =	stream.linear.gather [hbm4b:s16+s4], $0x80, $0x38;
	[tilespmem:$0x12E80] =	vst v63  }
0xbd: {  	s16 =	sadd.s32 s2, s19;
	s18 =	sand.u32 $0x1FFFFFF0, s20;
	s19 =	spop (v2sf)  }
0xbe: {  	[tilespmem:s12], [sflag:$0x2] =	stream.linear.gather [hbm4b:s16+s4], $0x80, $0x38;
	[tilespmem:$0x12E80] =	vst v63  }
0xbf: {  	s12 =	sadd.s32 s2, s17;
	s16 =	sand.u32 $0x1FFFFFF0, s19;
	s17 =	spop (v2sf)  }
0xc0: {  	[tilespmem:s11], [sflag:$0x2] =	stream.linear.gather [hbm4b:s12+s4], $0x80, $0x38;
	[tilespmem:$0x12E80] =	vst v63  }
0xc1: {  	s11 =	sadd.s32 s2, s18;
	s12 =	sand.u32 $0x1FFFFFF0, s17;
	s17 =	spop (v2sf)  }
0xc2: {  	[tilespmem:s9], [sflag:$0x2] =	stream.linear.gather [hbm4b:s11+s4], $0x80, $0x38;
	[tilespmem:$0x12E80] =	vst v63  }
0xc3: {  	s9 =	sadd.s32 s2, s16;
	s11 =	sand.u32 $0x1FFFFFF0, s17  }
0xc4: {  	[tilespmem:s10], [sflag:$0x2] =	stream.linear.gather [hbm4b:s9+s4], $0x80, $0x38;
	[tilespmem:$0x12E80] =	vst v63  }
0xc5: {  	s9 =	sadd.s32 $0xD180, s5;
	s10 =	sadd.s32 s2, s12  }
0xc6: {  	[tilespmem:s9], [sflag:$0x2] =	stream.linear.gather [hbm4b:s10+s4], $0x80, $0x38;
	[tilespmem:$0x12E80] =	vst v63  }
0xc7: {  	s5 =	sadd.s32 $0xD200, s5;
	s9 =	sadd.s32 s2, s11  }
0xc8: {  	[tilespmem:s5], [sflag:$0x2] =	stream.linear.gather [hbm4b:s9+s4], $0x80, $0x38;
	[tilespmem:$0x12E80] =	vst v63  }
0xc9: {  	v0 =	vld [tilespmem:s14+$0x0];
	_ =	sdelay $0x4  }
0xca: {  	v0 =	vshll.u32 v0, $0x4  }
0xcb: {  	(v2sf) =	vpush v0, $0x0  }
0xcc: {  	(v2sf) =	vpush v0, $0x1  }
0xcd: {  	(v2sf) =	vpush v0, $0x2;
	_ =	sdelay $0x1  }
0xce: {  	(v2sf) =	vpush v0, $0x4  }
.Ltmp1:
0xcf: {  	(pc) =	sbr.rel @p0 .LBB2_4-.Ltmp1, $3  }
0xd0: {  	(v2sf) =	vpush v0, $0x3  }
0xd1: {  	(v2sf) =	vpush v0, $0x5;
	_ =	sdelay $0x1  }
0xd2: {  	s5 =	sshra.s32 s8, $0x2;
	(v2sf) =	vpush v0, $0x6  }
0xd3: {  	_ =	sdelay $0x5  }
0xd4: {  	s6 =	spop (v2sf)  }
0xd5: {  	s8 =	spop (v2sf)  }
0xd6: {  	s16 =	spop (v2sf)  }
0xd7: {  	s19 =	spop (v2sf);
	(v2sf) =	vpush v0, $0x7  }
0xd8: {  	s6 =	sand.u32 $0x1FFFFFF0, s6  }
0xd9: {  	s9 =	sadd.s32 $0xCA80, s5;
	s6 =	sadd.s32 s2, s6  }
0xda: {  	[tilespmem:s9], [sflag:$0x2] =	stream.linear.gather [hbm4b:s6+s4], $0x80, $0x38;
	[tilespmem:$0x12E80] =	vst v63  }
0xdb: {  	s8 =	sand.u32 $0x1FFFFFF0, s8;
	s20 =	spop (v2sf);
	(v2sf) =	vpush v0, $0x8  }
0xdc: {  	s14 =	sadd.s32 $0xCB00, s5;
	s8 =	sadd.s32 s2, s8  }
0xdd: {  	[tilespmem:s14], [sflag:$0x2] =	stream.linear.gather [hbm4b:s8+s4], $0x80, $0x38;
	[tilespmem:$0x12E80] =	vst v63  }
0xde: {  	s17 =	sand.u32 $0x1FFFFFF0, s16;
	s24 =	spop (v2sf);
	(v2sf) =	vpush v0, $0x9  }
0xdf: {  	s18 =	sadd.s32 $0xCB80, s5;
	s6 =	sadd.s32 s2, s17  }
0xe0: {  	[tilespmem:s18], [sflag:$0x2] =	stream.linear.gather [hbm4b:s6+s4], $0x80, $0x38;
	[tilespmem:$0x12E80] =	vst v63  }
0xe1: {  	s6 =	sand.u32 $0x1FFFFFF0, s20;
	s28 =	spop (v2sf);
	(v2sf) =	vpush v0, $0xA  }
0xe2: {  	s21 =	sadd.s32 $0xCC00, s5;
	s22 =	sand.u32 $0x1FFFFFF0, s19;
	s6 =	sadd.s32 s2, s6  }
0xe3: {  	[tilespmem:s21], [sflag:$0x2] =	stream.linear.gather [hbm4b:s6+s4], $0x80, $0x38;
	[tilespmem:$0x12E80] =	vst v63  }
0xe4: {  	s23 =	sadd.s32 $0xCC80, s5;
	s6 =	sadd.s32 s2, s22  }
0xe5: {  	[tilespmem:s23], [sflag:$0x2] =	stream.linear.gather [hbm4b:s6+s4], $0x80, $0x38;
	[tilespmem:$0x12E80] =	vst v63  }
0xe6: {  	s6 =	sand.u32 $0x1FFFFFF0, s24;
	s8 =	spop (v2sf);
	(v2sf) =	vpush v0, $0xB  }
0xe7: {  	s25 =	sadd.s32 $0xCD00, s5;
	s6 =	sadd.s32 s2, s6  }
0xe8: {  	[tilespmem:s25], [sflag:$0x2] =	stream.linear.gather [hbm4b:s6+s4], $0x80, $0x38;
	[tilespmem:$0x12E80] =	vst v63  }
0xe9: {  	s6 =	sand.u32 $0x1FFFFFF0, s28  }
0xea: {  	s29 =	sadd.s32 $0xCD80, s5;
	s6 =	sadd.s32 s2, s6;
	s10 =	spop (v2sf);
	(v2sf) =	vpush v0, $0xC  }
0xeb: {  	[tilespmem:s29], [sflag:$0x2] =	stream.linear.gather [hbm4b:s6+s4], $0x80, $0x38;
	[tilespmem:$0x12E80] =	vst v63  }
0xec: {  	s6 =	sand.u32 $0x1FFFFFF0, s8  }
0xed: {  	s9 =	sadd.s32 $0xCE00, s5;
	s6 =	sadd.s32 s2, s6;
	s12 =	spop (v2sf);
	(v2sf) =	vpush v0, $0xD  }
0xee: {  	[tilespmem:s9], [sflag:$0x2] =	stream.linear.gather [hbm4b:s6+s4], $0x80, $0x38;
	[tilespmem:$0x12E80] =	vst v63  }
0xef: {  	s6 =	sand.u32 $0x1FFFFFF0, s10  }
0xf0: {  	s11 =	sadd.s32 $0xCE80, s5;
	s6 =	sadd.s32 s2, s6;
	s16 =	spop (v2sf);
	(v2sf) =	vpush v0, $0xE  }
0xf1: {  	[tilespmem:s11], [sflag:$0x2] =	stream.linear.gather [hbm4b:s6+s4], $0x80, $0x38;
	[tilespmem:$0x12E80] =	vst v63  }
0xf2: {  	s6 =	sand.u32 $0x1FFFFFF0, s12  }
0xf3: {  	s14 =	sadd.s32 $0xCF00, s5;
	s6 =	sadd.s32 s2, s6  }
0xf4: {  	[tilespmem:s14], [sflag:$0x2] =	stream.linear.gather [hbm4b:s6+s4], $0x80, $0x38;
	[tilespmem:$0x12E80] =	vst v63  }
0xf5: {  	s6 =	sand.u32 $0x1FFFFFF0, s16;
	s18 =	spop (v2sf);
	(v2sf) =	vpush v0, $0xF  }
0xf6: {  	s17 =	sadd.s32 $0xCF80, s5;
	s6 =	sadd.s32 s2, s6  }
0xf7: {  	[tilespmem:s17], [sflag:$0x2] =	stream.linear.gather [hbm4b:s6+s4], $0x80, $0x38;
	[tilespmem:$0x12E80] =	vst v63  }
0xf8: {  	s6 =	sand.u32 $0x1FFFFFF0, s18  }
0xf9: {  	s19 =	sadd.s32 $0xD000, s5;
	s6 =	sadd.s32 s2, s6;
	s20 =	spop (v2sf)  }
0xfa: {  	[tilespmem:s19], [sflag:$0x2] =	stream.linear.gather [hbm4b:s6+s4], $0x80, $0x38;
	[tilespmem:$0x12E80] =	vst v63  }
0xfb: {  	s6 =	sand.u32 $0x1FFFFFF0, s20  }
0xfc: {  	s21 =	sadd.s32 $0xD080, s5;
	s22 =	spop (v2sf);
	s6 =	sadd.s32 s2, s6  }
0xfd: {  	[tilespmem:s21], [sflag:$0x2] =	stream.linear.gather [hbm4b:s6+s4], $0x80, $0x38;
	[tilespmem:$0x12E80] =	vst v63  }
0xfe: {  	s6 =	sand.u32 $0x1FFFFFF0, s22  }
0xff: {  	s23 =	sadd.s32 $0xD100, s5;
	s24 =	spop (v2sf);
	s6 =	sadd.s32 s2, s6  }
0x100: {  	[tilespmem:s23], [sflag:$0x2] =	stream.linear.gather [hbm4b:s6+s4], $0x80, $0x38;
	[tilespmem:$0x12E80] =	vst v63  }
0x101: {  	s6 =	sand.u32 $0x1FFFFFF0, s24  }
0x102: {  	s25 =	sadd.s32 $0xD180, s5;
	s6 =	sadd.s32 s2, s6  }
0x103: {  	[tilespmem:s25], [sflag:$0x2] =	stream.linear.gather [hbm4b:s6+s4], $0x80, $0x38;
	[tilespmem:$0x12E80] =	vst v63  }
0x104: {  	s28 =	spop (v2sf)  }
0x105: {  	s6 =	sand.u32 $0x1FFFFFF0, s28  }
0x106: {  	s29 =	sadd.s32 $0xD200, s5;
	s6 =	sadd.s32 s2, s6  }
0x107: {  	[tilespmem:s29], [sflag:$0x2] =	stream.linear.gather [hbm4b:s6+s4], $0x80, $0x38;
	[tilespmem:$0x12E80] =	vst v63  }
0x108: {  	v0 =	vld [tilespmem:s1+$0xC0];
	_ =	sdelay $0x4  }
0x109: {  	v0 =	vshll.u32 v0, $0x4  }
0x10a: {  	(v2sf) =	vpush v0, $0x0;
	_ =	sdelay $0x1  }
0x10b: {  	(v2sf) =	vpush v0, $0x1;
	_ =	sdelay $0x1  }
0x10c: {  	(v2sf) =	vpush v0, $0x2;
	_ =	sdelay $0x2  }
0x10d: {  	(v2sf) =	vpush v0, $0x3;
	_ =	sdelay $0x7  }
0x10e: {  	s8 =	spop (v2sf);
	(v2sf) =	vpush v0, $0x4;
	_ =	sdelay $0x1  }
0x10f: {  	s11 =	spop (v2sf);
	(v2sf) =	vpush v0, $0x5  }
0x110: {  	s9 =	simm.s32 $0x0;
	s1 =	sand.u32 $0x1FFFFFF0, s8  }
0x111: {  	s10 =	simm.s32 $0x12A80;
	s1 =	sadd.s32 s2, s1;
	s14 =	spop (v2sf)  }
0x112: {  	(v2sf) =	vpush v0, $0x6;
	[tilespmem:s10], [sflag:$0x2] =	stream.linear.gather [hbm4b:s1+s9], $0x80, $0x38;
	[tilespmem:$0x12E80] =	vst v63  }
0x113: {  	s1 =	sand.u32 $0x1FFFFFF0, s11  }
0x114: {  	s12 =	simm.s32 $0x12B00;
	s17 =	spop (v2sf);
	s1 =	sadd.s32 s2, s1  }
0x115: {  	(v2sf) =	vpush v0, $0x7;
	[tilespmem:s12], [sflag:$0x2] =	stream.linear.gather [hbm4b:s1+s9], $0x80, $0x38;
	[tilespmem:$0x12E80] =	vst v63  }
0x116: {  	s1 =	sand.u32 $0x1FFFFFF0, s14  }
0x117: {  	s16 =	simm.s32 $0x12B80;
	s1 =	sadd.s32 s2, s1  }
0x118: {  	[tilespmem:s16], [sflag:$0x2] =	stream.linear.gather [hbm4b:s1+s9], $0x80, $0x38;
	[tilespmem:$0x12E80] =	vst v63  }
0x119: {  	s1 =	sand.u32 $0x1FFFFFF0, s17  }
0x11a: {  	s18 =	simm.s32 $0x12C00;
	s1 =	sadd.s32 s2, s1  }
0x11b: {  	[tilespmem:s18], [sflag:$0x2] =	stream.linear.gather [hbm4b:s1+s9], $0x80, $0x38;
	[tilespmem:$0x12E80] =	vst v63  }
0x11c: {  	s19 =	spop (v2sf)  }
0x11d: {  	s1 =	sand.u32 $0x1FFFFFF0, s19  }
0x11e: {  	s20 =	simm.s32 $0x12C80;
	s21 =	spop (v2sf);
	s1 =	sadd.s32 s2, s1  }
0x11f: {  	[tilespmem:s20], [sflag:$0x2] =	stream.linear.gather [hbm4b:s1+s9], $0x80, $0x38;
	[tilespmem:$0x12E80] =	vst v63  }
0x120: {  	s1 =	sand.u32 $0x1FFFFFF0, s21  }
0x121: {  	s22 =	simm.s32 $0x12D00;
	s23 =	spop (v2sf);
	s1 =	sadd.s32 s2, s1  }
0x122: {  	[tilespmem:s22], [sflag:$0x2] =	stream.linear.gather [hbm4b:s1+s9], $0x80, $0x38;
	[tilespmem:$0x12E80] =	vst v63  }
0x123: {  	s1 =	sand.u32 $0x1FFFFFF0, s23  }
0x124: {  	s24 =	simm.s32 $0x12D80;
	s25 =	spop (v2sf);
	s1 =	sadd.s32 s2, s1  }
0x125: {  	[tilespmem:s24], [sflag:$0x2] =	stream.linear.gather [hbm4b:s1+s9], $0x80, $0x38;
	[tilespmem:$0x12E80] =	vst v63  }
0x126: {  	s1 =	sand.u32 $0x1FFFFFF0, s25  }
0x127: {  	s28 =	simm.s32 $0x12E00;
	s29 =	simm.s32 $0x1;
	s1 =	sadd.s32 s2, s1  }
0x128: {  	[tilespmem:s28], [sflag:$0x2] =	stream.linear.gather [hbm4b:s1+s9], $0x80, $0x38;
	[tilespmem:$0x12E80] =	vst v63  }
0x129: {  	_ =	swait.ge [sflag:s29], $0x6400  }
0x12a: {  	[sflag:s29] =	ssyncset.done $0x0  }
0x12b: {  	s5 =	simm.s32 $0x6700;
	[sflag:s29] =	ssyncadd.s32 $0xFFFF9C00  }
0x12c: {  	s6 =	simm.s32 $0x0;
	s8 =	simm.s32 $0x200;
	s1 =	simm.s32 $0x6700;
	v0 =	vld [tilespmem:s5+$0xFFFFFF80]  }
.LBB2_6:
0x12d: {  	p0 =	sne.s32 s8, $0xC600;
	v1 =	vld [tilespmem:s6+$0x3280];
	_ =	sdelay $0x4  }
0x12e: {  	v0 =	vadd.f32 v1, v0;
	_ =	sdelay $0x1  }
0x12f: {  	[tilespmem:s5+$0xFFFFFF80] =	vst v0;
	v0 =	vld [tilespmem:s5+$0x0]  }
0x130: {  	v1 =	vld [tilespmem:s6+$0x32C0];
	_ =	sdelay $0x4  }
0x131: {  	v0 =	vadd.f32 v1, v0;
	_ =	sdelay $0x1  }
0x132: {  	[tilespmem:s5+$0x0] =	vst v0;
	v0 =	vld [tilespmem:s5+$0xFFFFFF90]  }
0x133: {  	v1 =	vld [tilespmem:s6+$0x3290];
	_ =	sdelay $0x4  }
0x134: {  	v0 =	vadd.f32 v1, v0;
	_ =	sdelay $0x1  }
0x135: {  	[tilespmem:s5+$0xFFFFFF90] =	vst v0;
	v0 =	vld [tilespmem:s5+$0x10]  }
0x136: {  	v1 =	vld [tilespmem:s6+$0x32D0];
	_ =	sdelay $0x4  }
0x137: {  	v0 =	vadd.f32 v1, v0;
	_ =	sdelay $0x1  }
0x138: {  	[tilespmem:s5+$0x10] =	vst v0;
	v0 =	vld [tilespmem:s5+$0xFFFFFFA0]  }
0x139: {  	v1 =	vld [tilespmem:s6+$0x32A0];
	_ =	sdelay $0x4  }
0x13a: {  	v0 =	vadd.f32 v1, v0;
	_ =	sdelay $0x1  }
0x13b: {  	[tilespmem:s5+$0xFFFFFFA0] =	vst v0;
	v0 =	vld [tilespmem:s5+$0x20]  }
0x13c: {  	v1 =	vld [tilespmem:s6+$0x32E0];
	_ =	sdelay $0x4  }
0x13d: {  	v0 =	vadd.f32 v1, v0;
	_ =	sdelay $0x1  }
0x13e: {  	[tilespmem:s5+$0x20] =	vst v0;
	v0 =	vld [tilespmem:s5+$0xFFFFFFB0]  }
0x13f: {  	v1 =	vld [tilespmem:s6+$0x32B0];
	_ =	sdelay $0x4  }
0x140: {  	v0 =	vadd.f32 v1, v0;
	_ =	sdelay $0x1  }
0x141: {  	[tilespmem:s5+$0xFFFFFFB0] =	vst v0;
	v0 =	vld [tilespmem:s5+$0x30]  }
0x142: {  	v1 =	vld [tilespmem:s6+$0x32F0];
	_ =	sdelay $0x2  }
.Ltmp2:
0x143: {  	(pc) =	sbr.rel @p0 .LBB2_6-.Ltmp2, $4  }
0x144: {  	_ = 	snop  }
0x145: {  	v1 =	vadd.f32 v1, v0  }
0x146: {  	s5 =	sadd.s32 $0x100, s5  }
0x147: {  	s6 =	sshra.s32 s8, $0x2;
	s8 =	sadd.s32 $0x200, s8;
	v0 =	vld [tilespmem:s5+$0xFFFFFF80];
	[tilespmem:s1+$0x30] =	vst v1;
	s1 =	smov.u32 s5  }
0x148: {  	v1 =	vld [tilespmem:s6+$0x3280];
	_ =	sdelay $0x4  }
0x149: {  	v0 =	vadd.f32 v1, v0;
	_ =	sdelay $0x1  }
0x14a: {  	v50 =	vld [tilespmem:s5+$0x0];
	[tilespmem:s5+$0xFFFFFF80] =	vst v0  }
0x14b: {  	v51 =	vld [tilespmem:s6+$0x32C0];
	_ =	sdelay $0x4  }
0x14c: {  	v0 =	vadd.f32 v51, v50;
	_ =	sdelay $0x1  }
0x14d: {  	v52 =	vld [tilespmem:s5+$0xFFFFFF90];
	[tilespmem:s5+$0x0] =	vst v0  }
0x14e: {  	v53 =	vld [tilespmem:s6+$0x3290];
	_ =	sdelay $0x4  }
0x14f: {  	v0 =	vadd.f32 v53, v52;
	_ =	sdelay $0x1  }
0x150: {  	v54 =	vld [tilespmem:s5+$0x10];
	[tilespmem:s5+$0xFFFFFF90] =	vst v0  }
0x151: {  	v55 =	vld [tilespmem:s6+$0x32D0];
	_ =	sdelay $0x4  }
0x152: {  	v0 =	vadd.f32 v55, v54;
	_ =	sdelay $0x1  }
0x153: {  	v56 =	vld [tilespmem:s5+$0xFFFFFFA0];
	[tilespmem:s5+$0x10] =	vst v0  }
0x154: {  	v57 =	vld [tilespmem:s6+$0x32A0];
	_ =	sdelay $0x4  }
0x155: {  	v0 =	vadd.f32 v57, v56;
	_ =	sdelay $0x1  }
0x156: {  	v58 =	vld [tilespmem:s5+$0x20];
	[tilespmem:s5+$0xFFFFFFA0] =	vst v0  }
0x157: {  	v59 =	vld [tilespmem:s6+$0x32E0];
	_ =	sdelay $0x4  }
0x158: {  	v0 =	vadd.f32 v59, v58;
	_ =	sdelay $0x1  }
0x159: {  	v60 =	vld [tilespmem:s5+$0xFFFFFFB0];
	[tilespmem:s5+$0x20] =	vst v0  }
0x15a: {  	v61 =	vld [tilespmem:s6+$0x32B0];
	_ =	sdelay $0x4  }
0x15b: {  	v0 =	vadd.f32 v61, v60;
	_ =	sdelay $0x1  }
0x15c: {  	v62 =	vld [tilespmem:s5+$0x30];
	[tilespmem:s5+$0xFFFFFFB0] =	vst v0  }
0x15d: {  	v63 =	vld [tilespmem:s6+$0x32F0];
	_ =	sdelay $0x2  }
0x15e: {  	p0 =	seq.s32 s30, $0x1F  }
.Ltmp3:
0x15f: {  	s0 =	sadd.s32 s13, s0;
	(pc) =	sbr.rel @p0 .LBB2_11-.Ltmp3, $3  }
0x160: {  	s0 =	smul.u32 $0xC80, s0;
	v0 =	vadd.f32 v63, v62;
	_ =	sdelay $0x1  }
0x161: {  	s29 =	simm.s32 $0x6680;
	s0 =	sadd.s32 s3, s0;
	[tilespmem:s1+$0x30] =	vst v0  }
0x162: {  	[hbm4b:s0+s4] =	stream.linear.scatter [tilespmem:s29], [sflag:$0x3], $0x6400, $0x38;
	[tilespmem:$0x12E80] =	vst v63  }
0x163: {  	s0 =	simm.s32 $0x3  }
0x164: {  	_ =	swait.ge [sflag:s0], $0x6400  }
0x165: {  	[sflag:s0] =	ssyncset.done $0x0  }
0x166: {  	[sflag:s0] =	ssyncadd.s32 $0xFFFF9C00  }
0x167: {  	v0 =	vld [tilespmem:s15+$0x0];
	_ =	sdelay $0x4  }
0x168: {  	v0 =	vshll.u32 v0, $0x4  }
0x169: {  	(v2sf) =	vpush v0, $0x0  }
0x16a: {  	(v2sf) =	vpush v0, $0x1  }
0x16b: {  	(v2sf) =	vpush v0, $0x2;
	_ =	sdelay $0x1  }
0x16c: {  	(v2sf) =	vpush v0, $0x4;
	_ =	sdelay $0x1  }
0x16d: {  	s29 =	smul.u32 $0x640, s30;
	(v2sf) =	vpush v0, $0x3  }
0x16e: {  	s5 =	simm.s32 $0x2000;
	(v2sf) =	vpush v0, $0x5  }
0x16f: {  	s1 =	simm.s32 $0x0;
	s6 =	smov.u32 s15;
	s0 =	sshra.s32 s29, $0x2;
	(v2sf) =	vpush v0, $0x6  }
.LBB2_9:
0x170: {  	p0 =	sne.s32 s5, $0x16000  }
0x171: {  	s19 =	sadd.s32 $0x6700, s1;
	s11 =	sadd.s32 $0x6C00, s1;
	s8 =	smov.u32 s5  }
0x172: {  	s5 =	sadd.s32 $0x2000, s5;
	s16 =	sadd.s32 $0x6A00, s1;
	s9 =	sadd.s32 $0x6C80, s1;
	(v2sf) =	vpush v0, $0x7  }
0x173: {  	s18 =	sadd.s32 $0x6900, s1;
	s14 =	sadd.s32 $0x6A80, s1;
	s10 =	sadd.s32 $0x6D00, s1  }
0x174: {  	s20 =	sadd.s32 $0x6680, s1;
	s21 =	sadd.s32 $0x6880, s1;
	(v2sf) =	vpush v0, $0x8  }
0x175: {  	s22 =	sadd.s32 $0x6980, s1;
	s6 =	sadd.s32 $0x10, s6  }
0x176: {  	s23 =	sadd.s32 $0x6780, s1;
	s12 =	sadd.s32 $0x6B80, s1;
	s17 =	spop (v2sf);
	(v2sf) =	vpush v0, $0x9  }
0x177: {  	s24 =	sand.u32 $0x1FFFFFF0, s17;
	s17 =	sadd.s32 $0x6B00, s1;
	s25 =	spop (v2sf)  }
0x178: {  	s24 =	sadd.s32 s2, s24;
	s25 =	sand.u32 $0x1FFFFFF0, s25;
	s28 =	spop (v2sf);
	(v2sf) =	vpush v0, $0xA  }
0x179: {  	[tilespmem:s20], [sflag:$0x1] =	stream.linear.gather [hbm4b:s24+s4], $0x80, $0x38;
	[tilespmem:$0x12E80] =	vst v63  }
0x17a: {  	s20 =	sadd.s32 s2, s25;
	s24 =	sadd.s32 $0x6800, s1;
	s25 =	spop (v2sf);
	(v2sf) =	vpush v0, $0xB  }
0x17b: {  	[tilespmem:s19], [sflag:$0x1] =	stream.linear.gather [hbm4b:s20+s4], $0x80, $0x38;
	[tilespmem:$0x12E80] =	vst v63  }
0x17c: {  	s19 =	sand.u32 $0x1FFFFFF0, s28;
	s20 =	sand.u32 $0x1FFFFFF0, s25;
	s25 =	spop (v2sf);
	(v2sf) =	vpush v0, $0xC  }
0x17d: {  	s19 =	sadd.s32 s2, s19;
	s25 =	sand.u32 $0x1FFFFFF0, s25;
	s28 =	spop (v2sf)  }
0x17e: {  	[tilespmem:s23], [sflag:$0x1] =	stream.linear.gather [hbm4b:s19+s4], $0x80, $0x38;
	(v2sf) =	vpush v0, $0xD;
	[tilespmem:$0x12E80] =	vst v63  }
0x17f: {  	s19 =	sadd.s32 s2, s25;
	s23 =	sand.u32 $0x1FFFFFF0, s28;
	s25 =	spop (v2sf)  }
0x180: {  	[tilespmem:s24], [sflag:$0x1] =	stream.linear.gather [hbm4b:s19+s4], $0x80, $0x38;
	(v2sf) =	vpush v0, $0xE;
	[tilespmem:$0x12E80] =	vst v63  }
0x181: {  	s19 =	sadd.s32 s2, s20;
	s20 =	sand.u32 $0x1FFFFFF0, s25;
	s24 =	spop (v2sf)  }
0x182: {  	[tilespmem:s21], [sflag:$0x1] =	stream.linear.gather [hbm4b:s19+s4], $0x80, $0x38;
	(v2sf) =	vpush v0, $0xF;
	[tilespmem:$0x12E80] =	vst v63  }
0x183: {  	s19 =	sadd.s32 s2, s23;
	s21 =	sand.u32 $0x1FFFFFF0, s24;
	s23 =	spop (v2sf)  }
0x184: {  	[tilespmem:s18], [sflag:$0x1] =	stream.linear.gather [hbm4b:s19+s4], $0x80, $0x38;
	[tilespmem:$0x12E80] =	vst v63  }
0x185: {  	s18 =	sadd.s32 s2, s20;
	s19 =	sand.u32 $0x1FFFFFF0, s23;
	s20 =	spop (v2sf)  }
0x186: {  	[tilespmem:s22], [sflag:$0x1] =	stream.linear.gather [hbm4b:s18+s4], $0x80, $0x38;
	[tilespmem:$0x12E80] =	vst v63  }
0x187: {  	s18 =	sadd.s32 s2, s21;
	s20 =	sand.u32 $0x1FFFFFF0, s20;
	s21 =	spop (v2sf)  }
0x188: {  	[tilespmem:s16], [sflag:$0x1] =	stream.linear.gather [hbm4b:s18+s4], $0x80, $0x38;
	[tilespmem:$0x12E80] =	vst v63  }
0x189: {  	s16 =	sadd.s32 s2, s19;
	s18 =	sand.u32 $0x1FFFFFF0, s21;
	s19 =	spop (v2sf)  }
0x18a: {  	[tilespmem:s14], [sflag:$0x1] =	stream.linear.gather [hbm4b:s16+s4], $0x80, $0x38;
	[tilespmem:$0x12E80] =	vst v63  }
0x18b: {  	s14 =	sadd.s32 s2, s20;
	s16 =	sand.u32 $0x1FFFFFF0, s19;
	s19 =	spop (v2sf)  }
0x18c: {  	[tilespmem:s17], [sflag:$0x1] =	stream.linear.gather [hbm4b:s14+s4], $0x80, $0x38;
	[tilespmem:$0x12E80] =	vst v63  }
0x18d: {  	s14 =	sadd.s32 s2, s18;
	s17 =	sand.u32 $0x1FFFFFF0, s19;
	s18 =	spop (v2sf)  }
0x18e: {  	[tilespmem:s12], [sflag:$0x1] =	stream.linear.gather [hbm4b:s14+s4], $0x80, $0x38;
	[tilespmem:$0x12E80] =	vst v63  }
0x18f: {  	s12 =	sadd.s32 s2, s16;
	s14 =	sand.u32 $0x1FFFFFF0, s18;
	s16 =	spop (v2sf)  }
0x190: {  	[tilespmem:s11], [sflag:$0x1] =	stream.linear.gather [hbm4b:s12+s4], $0x80, $0x38;
	[tilespmem:$0x12E80] =	vst v63  }
0x191: {  	s11 =	sadd.s32 s2, s17;
	s12 =	sand.u32 $0x1FFFFFF0, s16;
	s16 =	spop (v2sf)  }
0x192: {  	[tilespmem:s9], [sflag:$0x1] =	stream.linear.gather [hbm4b:s11+s4], $0x80, $0x38;
	[tilespmem:$0x12E80] =	vst v63  }
0x193: {  	s9 =	sadd.s32 s2, s14;
	s11 =	sand.u32 $0x1FFFFFF0, s16  }
0x194: {  	[tilespmem:s10], [sflag:$0x1] =	stream.linear.gather [hbm4b:s9+s4], $0x80, $0x38;
	[tilespmem:$0x12E80] =	vst v63  }
0x195: {  	s9 =	sadd.s32 $0x6D80, s1;
	s10 =	sadd.s32 s2, s12  }
0x196: {  	[tilespmem:s9], [sflag:$0x1] =	stream.linear.gather [hbm4b:s10+s4], $0x80, $0x38;
	[tilespmem:$0x12E80] =	vst v63  }
0x197: {  	s1 =	sadd.s32 $0x6E00, s1;
	s9 =	sadd.s32 s2, s11  }
0x198: {  	[tilespmem:s1], [sflag:$0x1] =	stream.linear.gather [hbm4b:s9+s4], $0x80, $0x38;
	[tilespmem:$0x12E80] =	vst v63  }
0x199: {  	v0 =	vld [tilespmem:s6+$0x0];
	_ =	sdelay $0x4  }
0x19a: {  	v0 =	vshll.u32 v0, $0x4  }
0x19b: {  	(v2sf) =	vpush v0, $0x0  }
0x19c: {  	(v2sf) =	vpush v0, $0x1  }
0x19d: {  	(v2sf) =	vpush v0, $0x2;
	_ =	sdelay $0x1  }
0x19e: {  	(v2sf) =	vpush v0, $0x4  }
.Ltmp4:
0x19f: {  	(pc) =	sbr.rel @p0 .LBB2_9-.Ltmp4, $3  }
0x1a0: {  	(v2sf) =	vpush v0, $0x3  }
0x1a1: {  	(v2sf) =	vpush v0, $0x5;
	_ =	sdelay $0x1  }
0x1a2: {  	s1 =	sshra.s32 s8, $0x2;
	(v2sf) =	vpush v0, $0x6  }
0x1a3: {  	_ =	sdelay $0x5  }
0x1a4: {  	s5 =	spop (v2sf)  }
0x1a5: {  	s6 =	spop (v2sf)  }
0x1a6: {  	s18 =	spop (v2sf)  }
0x1a7: {  	s21 =	spop (v2sf);
	(v2sf) =	vpush v0, $0x7  }
0x1a8: {  	s5 =	sand.u32 $0x1FFFFFF0, s5  }
0x1a9: {  	s8 =	sadd.s32 $0x6680, s1;
	s5 =	sadd.s32 s2, s5  }
0x1aa: {  	[tilespmem:s8], [sflag:$0x1] =	stream.linear.gather [hbm4b:s5+s4], $0x80, $0x38;
	[tilespmem:$0x12E80] =	vst v63  }
0x1ab: {  	s6 =	sand.u32 $0x1FFFFFF0, s6;
	s22 =	spop (v2sf);
	(v2sf) =	vpush v0, $0x8  }
0x1ac: {  	s17 =	sadd.s32 $0x6700, s1;
	s6 =	sadd.s32 s2, s6  }
0x1ad: {  	[tilespmem:s17], [sflag:$0x1] =	stream.linear.gather [hbm4b:s6+s4], $0x80, $0x38;
	[tilespmem:$0x12E80] =	vst v63  }
0x1ae: {  	s19 =	sand.u32 $0x1FFFFFF0, s18;
	s28 =	spop (v2sf);
	(v2sf) =	vpush v0, $0x9  }
0x1af: {  	s20 =	sadd.s32 $0x6780, s1;
	s5 =	sadd.s32 s2, s19  }
0x1b0: {  	[tilespmem:s20], [sflag:$0x1] =	stream.linear.gather [hbm4b:s5+s4], $0x80, $0x38;
	[tilespmem:$0x12E80] =	vst v63  }
0x1b1: {  	s5 =	sand.u32 $0x1FFFFFF0, s22;
	s8 =	spop (v2sf);
	(v2sf) =	vpush v0, $0xA  }
0x1b2: {  	s23 =	sadd.s32 $0x6800, s1;
	s24 =	sand.u32 $0x1FFFFFF0, s21;
	s5 =	sadd.s32 s2, s5  }
0x1b3: {  	[tilespmem:s23], [sflag:$0x1] =	stream.linear.gather [hbm4b:s5+s4], $0x80, $0x38;
	[tilespmem:$0x12E80] =	vst v63  }
0x1b4: {  	s25 =	sadd.s32 $0x6880, s1;
	s5 =	sadd.s32 s2, s24  }
0x1b5: {  	[tilespmem:s25], [sflag:$0x1] =	stream.linear.gather [hbm4b:s5+s4], $0x80, $0x38;
	[tilespmem:$0x12E80] =	vst v63  }
0x1b6: {  	s5 =	sand.u32 $0x1FFFFFF0, s28;
	s10 =	spop (v2sf);
	(v2sf) =	vpush v0, $0xB  }
0x1b7: {  	s29 =	sadd.s32 $0x6900, s1;
	s5 =	sadd.s32 s2, s5  }
0x1b8: {  	[tilespmem:s29], [sflag:$0x1] =	stream.linear.gather [hbm4b:s5+s4], $0x80, $0x38;
	[tilespmem:$0x12E80] =	vst v63  }
0x1b9: {  	s5 =	sand.u32 $0x1FFFFFF0, s8  }
0x1ba: {  	s9 =	sadd.s32 $0x6980, s1;
	s5 =	sadd.s32 s2, s5;
	s12 =	spop (v2sf);
	(v2sf) =	vpush v0, $0xC  }
0x1bb: {  	[tilespmem:s9], [sflag:$0x1] =	stream.linear.gather [hbm4b:s5+s4], $0x80, $0x38;
	[tilespmem:$0x12E80] =	vst v63  }
0x1bc: {  	s5 =	sand.u32 $0x1FFFFFF0, s10  }
0x1bd: {  	s11 =	sadd.s32 $0x6A00, s1;
	s5 =	sadd.s32 s2, s5;
	s16 =	spop (v2sf);
	(v2sf) =	vpush v0, $0xD  }
0x1be: {  	[tilespmem:s11], [sflag:$0x1] =	stream.linear.gather [hbm4b:s5+s4], $0x80, $0x38;
	[tilespmem:$0x12E80] =	vst v63  }
0x1bf: {  	s5 =	sand.u32 $0x1FFFFFF0, s12  }
0x1c0: {  	s14 =	sadd.s32 $0x6A80, s1;
	s5 =	sadd.s32 s2, s5;
	s18 =	spop (v2sf);
	(v2sf) =	vpush v0, $0xE  }
0x1c1: {  	[tilespmem:s14], [sflag:$0x1] =	stream.linear.gather [hbm4b:s5+s4], $0x80, $0x38;
	[tilespmem:$0x12E80] =	vst v63  }
0x1c2: {  	s5 =	sand.u32 $0x1FFFFFF0, s16  }
0x1c3: {  	s17 =	sadd.s32 $0x6B00, s1;
	s5 =	sadd.s32 s2, s5  }
0x1c4: {  	[tilespmem:s17], [sflag:$0x1] =	stream.linear.gather [hbm4b:s5+s4], $0x80, $0x38;
	[tilespmem:$0x12E80] =	vst v63  }
0x1c5: {  	s5 =	sand.u32 $0x1FFFFFF0, s18;
	s20 =	spop (v2sf);
	(v2sf) =	vpush v0, $0xF  }
0x1c6: {  	s19 =	sadd.s32 $0x6B80, s1;
	s5 =	sadd.s32 s2, s5  }
0x1c7: {  	[tilespmem:s19], [sflag:$0x1] =	stream.linear.gather [hbm4b:s5+s4], $0x80, $0x38;
	[tilespmem:$0x12E80] =	vst v63  }
0x1c8: {  	s5 =	sand.u32 $0x1FFFFFF0, s20  }
0x1c9: {  	s21 =	sadd.s32 $0x6C00, s1;
	s5 =	sadd.s32 s2, s5;
	s22 =	spop (v2sf)  }
0x1ca: {  	[tilespmem:s21], [sflag:$0x1] =	stream.linear.gather [hbm4b:s5+s4], $0x80, $0x38;
	[tilespmem:$0x12E80] =	vst v63  }
0x1cb: {  	s5 =	sand.u32 $0x1FFFFFF0, s22  }
0x1cc: {  	s23 =	sadd.s32 $0x6C80, s1;
	s24 =	spop (v2sf);
	s5 =	sadd.s32 s2, s5  }
0x1cd: {  	[tilespmem:s23], [sflag:$0x1] =	stream.linear.gather [hbm4b:s5+s4], $0x80, $0x38;
	[tilespmem:$0x12E80] =	vst v63  }
0x1ce: {  	s5 =	sand.u32 $0x1FFFFFF0, s24  }
0x1cf: {  	s25 =	sadd.s32 $0x6D00, s1;
	s28 =	spop (v2sf);
	s5 =	sadd.s32 s2, s5  }
0x1d0: {  	[tilespmem:s25], [sflag:$0x1] =	stream.linear.gather [hbm4b:s5+s4], $0x80, $0x38;
	[tilespmem:$0x12E80] =	vst v63  }
0x1d1: {  	s5 =	sand.u32 $0x1FFFFFF0, s28  }
0x1d2: {  	s29 =	sadd.s32 $0x6D80, s1;
	s5 =	sadd.s32 s2, s5  }
0x1d3: {  	[tilespmem:s29], [sflag:$0x1] =	stream.linear.gather [hbm4b:s5+s4], $0x80, $0x38;
	[tilespmem:$0x12E80] =	vst v63  }
0x1d4: {  	s8 =	spop (v2sf)  }
0x1d5: {  	s5 =	sand.u32 $0x1FFFFFF0, s8  }
0x1d6: {  	s9 =	sadd.s32 $0x6E00, s1;
	s5 =	sadd.s32 s2, s5  }
0x1d7: {  	[tilespmem:s9], [sflag:$0x1] =	stream.linear.gather [hbm4b:s5+s4], $0x80, $0x38;
	[tilespmem:$0x12E80] =	vst v63  }
0x1d8: {  	v63 =	vld [tilespmem:s0+$0x250];
	_ =	sdelay $0x4  }
0x1d9: {  	v0 =	vshll.u32 v63, $0x4  }
0x1da: {  	(v2sf) =	vpush v0, $0x0;
	_ =	sdelay $0x1  }
0x1db: {  	(v2sf) =	vpush v0, $0x1;
	_ =	sdelay $0x1  }
0x1dc: {  	(v2sf) =	vpush v0, $0x2;
	_ =	sdelay $0x2  }
0x1dd: {  	(v2sf) =	vpush v0, $0x3;
	_ =	sdelay $0x7  }
0x1de: {  	s10 =	spop (v2sf);
	(v2sf) =	vpush v0, $0x4;
	_ =	sdelay $0x1  }
0x1df: {  	s12 =	spop (v2sf);
	(v2sf) =	vpush v0, $0x5  }
0x1e0: {  	s0 =	sand.u32 $0x1FFFFFF0, s10  }
0x1e1: {  	s11 =	simm.s32 $0xC680;
	s0 =	sadd.s32 s2, s0;
	s16 =	spop (v2sf)  }
0x1e2: {  	(v2sf) =	vpush v0, $0x6;
	[tilespmem:s11], [sflag:$0x1] =	stream.linear.gather [hbm4b:s0+s4], $0x80, $0x38;
	[tilespmem:$0x12E80] =	vst v63  }
0x1e3: {  	s0 =	sand.u32 $0x1FFFFFF0, s12  }
0x1e4: {  	s14 =	simm.s32 $0xC700;
	s18 =	spop (v2sf);
	s0 =	sadd.s32 s2, s0  }
0x1e5: {  	(v2sf) =	vpush v0, $0x7;
	[tilespmem:s14], [sflag:$0x1] =	stream.linear.gather [hbm4b:s0+s4], $0x80, $0x38;
	[tilespmem:$0x12E80] =	vst v63  }
0x1e6: {  	s0 =	sand.u32 $0x1FFFFFF0, s16  }
0x1e7: {  	s17 =	simm.s32 $0xC780;
	s0 =	sadd.s32 s2, s0  }
0x1e8: {  	[tilespmem:s17], [sflag:$0x1] =	stream.linear.gather [hbm4b:s0+s4], $0x80, $0x38;
	[tilespmem:$0x12E80] =	vst v63  }
0x1e9: {  	s0 =	sand.u32 $0x1FFFFFF0, s18  }
0x1ea: {  	s19 =	simm.s32 $0xC800;
	s0 =	sadd.s32 s2, s0  }
0x1eb: {  	[tilespmem:s19], [sflag:$0x1] =	stream.linear.gather [hbm4b:s0+s4], $0x80, $0x38;
	[tilespmem:$0x12E80] =	vst v63  }
0x1ec: {  	s20 =	spop (v2sf)  }
0x1ed: {  	s0 =	sand.u32 $0x1FFFFFF0, s20  }
0x1ee: {  	s21 =	simm.s32 $0xC880;
	s22 =	spop (v2sf);
	s0 =	sadd.s32 s2, s0  }
0x1ef: {  	[tilespmem:s21], [sflag:$0x1] =	stream.linear.gather [hbm4b:s0+s4], $0x80, $0x38;
	[tilespmem:$0x12E80] =	vst v63  }
0x1f0: {  	s0 =	sand.u32 $0x1FFFFFF0, s22  }
0x1f1: {  	s23 =	simm.s32 $0xC900;
	s24 =	spop (v2sf);
	s0 =	sadd.s32 s2, s0  }
0x1f2: {  	[tilespmem:s23], [sflag:$0x1] =	stream.linear.gather [hbm4b:s0+s4], $0x80, $0x38;
	[tilespmem:$0x12E80] =	vst v63  }
0x1f3: {  	s0 =	sand.u32 $0x1FFFFFF0, s24  }
0x1f4: {  	s25 =	simm.s32 $0xC980;
	s28 =	spop (v2sf);
	s0 =	sadd.s32 s2, s0  }
0x1f5: {  	[tilespmem:s25], [sflag:$0x1] =	stream.linear.gather [hbm4b:s0+s4], $0x80, $0x38;
	[tilespmem:$0x12E80] =	vst v63  }
0x1f6: {  	s0 =	sand.u32 $0x1FFFFFF0, s28  }
0x1f7: {  	s29 =	simm.s32 $0xCA00;
	s0 =	sadd.s32 s2, s0  }
0x1f8: {  	[tilespmem:s29], [sflag:$0x1] =	stream.linear.gather [hbm4b:s0+s4], $0x80, $0x38;
	[tilespmem:$0x12E80] =	vst v63  }
.LBB2_11:
0x1f9: {  	_ =	swait.ge [sflag:s26], $0x6400  }
0x1fa: {  	[sflag:s26] =	ssyncset.done $0x0  }
0x1fb: {  	s0 =	simm.s32 $0x0;
	[sflag:s26] =	ssyncadd.s32 $0xFFFF9C00  }
0x1fc: {  	s1 =	simm.s32 $0x32C0;
	s5 =	simm.s32 $0x400;
	v0 =	vld [tilespmem:s0+$0xCA80]  }
.LBB2_12:
0x1fd: {  	p0 =	sne.s32 s5, $0x18C00;
	v1 =	vld [tilespmem:s1+$0xFFFFFFC0];
	_ =	sdelay $0x4  }
0x1fe: {  	v0 =	vadd.f32 v1, v0;
	_ =	sdelay $0x1  }
0x1ff: {  	[tilespmem:s0+$0xCA80] =	vst v0;
	v0 =	vld [tilespmem:s0+$0xCB00]  }
0x200: {  	v1 =	vld [tilespmem:s1+$0x0];
	_ =	sdelay $0x4  }
0x201: {  	v0 =	vadd.f32 v1, v0;
	_ =	sdelay $0x1  }
0x202: {  	[tilespmem:s0+$0xCB00] =	vst v0;
	v0 =	vld [tilespmem:s0+$0xCA90]  }
0x203: {  	v1 =	vld [tilespmem:s1+$0xFFFFFFD0];
	_ =	sdelay $0x4  }
0x204: {  	v0 =	vadd.f32 v1, v0;
	_ =	sdelay $0x1  }
0x205: {  	[tilespmem:s0+$0xCA90] =	vst v0;
	v0 =	vld [tilespmem:s0+$0xCB10]  }
0x206: {  	v1 =	vld [tilespmem:s1+$0x10];
	_ =	sdelay $0x4  }
0x207: {  	v0 =	vadd.f32 v1, v0;
	_ =	sdelay $0x1  }
0x208: {  	[tilespmem:s0+$0xCB10] =	vst v0;
	v0 =	vld [tilespmem:s0+$0xCAA0]  }
0x209: {  	v1 =	vld [tilespmem:s1+$0xFFFFFFE0];
	_ =	sdelay $0x4  }
0x20a: {  	v0 =	vadd.f32 v1, v0;
	_ =	sdelay $0x1  }
0x20b: {  	[tilespmem:s0+$0xCAA0] =	vst v0;
	v0 =	vld [tilespmem:s0+$0xCB20]  }
0x20c: {  	v1 =	vld [tilespmem:s1+$0x20];
	_ =	sdelay $0x4  }
0x20d: {  	v0 =	vadd.f32 v1, v0;
	_ =	sdelay $0x1  }
0x20e: {  	[tilespmem:s0+$0xCB20] =	vst v0;
	v0 =	vld [tilespmem:s0+$0xCAB0]  }
0x20f: {  	v1 =	vld [tilespmem:s1+$0xFFFFFFF0];
	_ =	sdelay $0x4  }
0x210: {  	v0 =	vadd.f32 v1, v0;
	_ =	sdelay $0x1  }
0x211: {  	[tilespmem:s0+$0xCAB0] =	vst v0;
	v0 =	vld [tilespmem:s0+$0xCB30]  }
0x212: {  	v1 =	vld [tilespmem:s1+$0x30];
	_ =	sdelay $0x2  }
.Ltmp5:
0x213: {  	(pc) =	sbr.rel @p0 .LBB2_12-.Ltmp5, $4  }
0x214: {  	_ = 	snop  }
0x215: {  	v1 =	vadd.f32 v1, v0  }
0x216: {  	s6 =	sshra.s32 s5, $0x2  }
0x217: {  	s5 =	sadd.s32 $0x400, s5;
	s1 =	sadd.s32 $0x80, s1;
	v0 =	vld [tilespmem:s6+$0xCA80];
	[tilespmem:s0+$0xCB30] =	vst v1;
	s0 =	smov.u32 s6  }
0x218: {  	v1 =	vld [tilespmem:s1+$0xFFFFFFC0];
	_ =	sdelay $0x4  }
0x219: {  	v0 =	vadd.f32 v1, v0;
	_ =	sdelay $0x1  }
0x21a: {  	v50 =	vld [tilespmem:s0+$0xCB00];
	[tilespmem:s0+$0xCA80] =	vst v0  }
0x21b: {  	v51 =	vld [tilespmem:s1+$0x0];
	_ =	sdelay $0x4  }
0x21c: {  	v0 =	vadd.f32 v51, v50;
	_ =	sdelay $0x1  }
0x21d: {  	v52 =	vld [tilespmem:s0+$0xCA90];
	[tilespmem:s0+$0xCB00] =	vst v0  }
0x21e: {  	v53 =	vld [tilespmem:s1+$0xFFFFFFD0];
	_ =	sdelay $0x4  }
0x21f: {  	v0 =	vadd.f32 v53, v52;
	_ =	sdelay $0x1  }
0x220: {  	v54 =	vld [tilespmem:s0+$0xCB10];
	[tilespmem:s0+$0xCA90] =	vst v0  }
0x221: {  	v55 =	vld [tilespmem:s1+$0x10];
	_ =	sdelay $0x4  }
0x222: {  	v0 =	vadd.f32 v55, v54;
	_ =	sdelay $0x1  }
0x223: {  	v56 =	vld [tilespmem:s0+$0xCAA0];
	[tilespmem:s0+$0xCB10] =	vst v0  }
0x224: {  	v57 =	vld [tilespmem:s1+$0xFFFFFFE0];
	_ =	sdelay $0x4  }
0x225: {  	v0 =	vadd.f32 v57, v56;
	_ =	sdelay $0x1  }
0x226: {  	v58 =	vld [tilespmem:s0+$0xCB20];
	[tilespmem:s0+$0xCAA0] =	vst v0  }
0x227: {  	v59 =	vld [tilespmem:s1+$0x20];
	_ =	sdelay $0x4  }
0x228: {  	v0 =	vadd.f32 v59, v58;
	_ =	sdelay $0x1  }
0x229: {  	v60 =	vld [tilespmem:s0+$0xCAB0];
	[tilespmem:s0+$0xCB20] =	vst v0  }
0x22a: {  	v61 =	vld [tilespmem:s1+$0xFFFFFFF0];
	_ =	sdelay $0x4  }
0x22b: {  	v0 =	vadd.f32 v61, v60;
	_ =	sdelay $0x1  }
0x22c: {  	v62 =	vld [tilespmem:s0+$0xCB30];
	[tilespmem:s0+$0xCAB0] =	vst v0  }
0x22d: {  	v63 =	vld [tilespmem:s1+$0x30];
	_ =	sdelay $0x1  }
0x22e: {  	s30 =	sadd.s32 $0x1, s30  }
0x22f: {  	p0 =	sne.s32 s30, $0x20  }
.Ltmp6:
0x230: {  	s28 =	sadd.s32 s13, s31;
	(pc) =	sbr.rel @p0 .LBB2_3-.Ltmp6, $4  }
0x231: {  	s1 =	smul.u32 $0xC80, s28;
	v0 =	vadd.f32 v63, v62  }
0x232: {  	s31 =	simm.s32 $0xCA80  }
0x233: {  	s7 =	sadd.s32 $0x190, s7;
	s15 =	sadd.s32 $0x190, s15;
	s29 =	sadd.s32 s3, s1;
	[tilespmem:s0+$0xCB30] =	vst v0  }
0x234: {  	[hbm4b:s29+s4] =	stream.linear.scatter [tilespmem:s31], [sflag:$0x4], $0x6400, $0x38;
	[tilespmem:$0x12E80] =	vst v63  }
0x235: {  	s0 =	simm.s32 $0x3  }
0x236: {  	_ =	swait.ge [sflag:s0], $0x6400  }
0x237: {  	[sflag:s0] =	ssyncset.done $0x0  }
0x238: {  	s30 =	simm.s32 $0x4;
	[sflag:s0] =	ssyncadd.s32 $0xFFFF9C00  }
0x239: {  	_ =	swait.ge [sflag:s30], $0x6400  }
0x23a: {  	[sflag:s30] =	ssyncset.done $0x0  }
0x23b: {  	[sflag:s30] =	ssyncadd.s32 $0xFFFF9C00  }
0x23c: {  	_ =	sfence.sel $0x180000  }
0x23d: {  	[bflag:$0x0] =	sbarrier.arrive $0xFFFF  }
0x23e: {  	_ =	strace $0x90000047  }
0x23f: {  	s31 =	stileid.u32;
	[bflag:$0x2] =	sbarrier.arrive $0xFFFF  }
0x240: {  	p0 =	sne.s32 s31, $0x0;
	s0 =	rddreg [dreg:$0x2]  }
0x241: {  	s0 =	sadd.s32 @!p0 $0x100000, s0  }
0x242: {  	[sflag:s0] =	ssyncadd.tile.s32 @!p0 $0x1;
	_ =	shalt  }
.Lfunc_end2:
_tile_overlayer_lowered:
.L_overlay_start_2:
0x243: {  	(tag) =	ssettag $0x2  }
0x244: {  	s0 =	rddreg [dreg:$0x0];
	s2 =	stileid.u32  }
0x245: {  	s1 =	rddreg [dreg:$0x1];
	p0 =	sne.s32 s2, $0x0  }
0x246: {  	s3 =	rddreg [dreg:$0x2];
	[bflag:$0x3] =	sbarrier.arrive $0xFFFF;
	s2 =	simm.s32 @!p0 $0x1C05  }
0x247: {  	[timem:s3], [sflag:s2] =	dma.local @!p0 [hbm:s0], s1  }
0x248: {  	s0 =	simm.s32 @!p0 $0x5  }
0x249: {  	_ =	swait.ge @!p0 [sflag:s0], s1  }
0x24a: {  	s1 =	ssub.s32 @!p0 $0x0, s1;
	[sflag:s0] =	ssyncset.done @!p0 $0x0  }
0x24b: {  	[sflag:s0] =	ssyncadd.s32 @!p0 s1  }
0x24c: {  	[bflag:$0x3] =	sbarrier.arrive $0xFFFF  }
0x24d: {  	_ =	shalt  }

</sc_bundles>
